<compile_context>
chip_gen: v7x
topology: tpu7x:2x2x1
jax: 0.10.2.dev20260603
libtpu: 0.0.44.dev20260713+nightly
codegen_flags: <defaults>
</compile_context>

<pallas_src>
import functools

import jax
import jax.numpy as jnp
from jax import lax
from jax.experimental import pallas as pl
from jax.experimental.pallas import tpu as pltpu
from jax.experimental.pallas import tpu_sc as plsc

E = 64
K = 2
H = 768
F = 512
S = 2048

T = 64
NT = S * K // T + E
R = NT * T

SC_CORES = 2
SC_SUBCORES = 16
NW = SC_CORES * SC_SUBCORES


def _routing_body(logits_ref, idx_ref, wts_ref):
    logits = logits_ref[...]
    m = jnp.max(logits, axis=1, keepdims=True)
    ex = jnp.exp(logits - m)
    probs = ex / jnp.sum(ex, axis=1, keepdims=True)
    iota = lax.broadcasted_iota(jnp.int32, (S, E), 1)
    m1 = jnp.max(probs, axis=1, keepdims=True)
    i1 = jnp.min(jnp.where(probs == m1, iota, E), axis=1, keepdims=True)
    probs2 = jnp.where(iota == i1, -1.0, probs)
    m2 = jnp.max(probs2, axis=1, keepdims=True)
    i2 = jnp.min(jnp.where(probs2 == m2, iota, E), axis=1, keepdims=True)
    ssum = m1 + m2
    idx_ref[:, 0:1] = i1
    idx_ref[:, 1:2] = i2
    wts_ref[:, 0:1] = m1 / ssum
    wts_ref[:, 1:2] = m2 / ssum


def _routing(router_logits):
    return pl.pallas_call(
        _routing_body,
        out_shape=(
            jax.ShapeDtypeStruct((S, 8), jnp.int32),
            jax.ShapeDtypeStruct((S, 8), jnp.float32),
        ),
    )(router_logits.astype(jnp.float32))


def _plan(idx, wts):
    flat_e = jnp.stack([idx[:, 0], idx[:, 1]], axis=1).reshape(-1)
    flat_w = jnp.stack([wts[:, 0], wts[:, 1]], axis=1).reshape(-1)
    onehot = (flat_e[:, None] == jnp.arange(E, dtype=jnp.int32)[None, :])
    ohf = onehot.astype(jnp.float32)
    cum = jnp.cumsum(ohf, axis=0)
    rank = (jnp.sum(ohf * cum, axis=1) - 1.0).astype(jnp.int32)
    counts = cum[-1].astype(jnp.int32)
    tiles_per_e = (counts + T - 1) // T
    tile_csum = jnp.cumsum(tiles_per_e)
    toff = tile_csum - tiles_per_e
    toff_e = (ohf @ toff.astype(jnp.float32)).astype(jnp.int32)
    padded_pos = toff_e * T + rank

    tok_ids = (jnp.arange(S * K, dtype=jnp.int32) // K)
    row_tok = jnp.zeros((R,), jnp.int32).at[padded_pos].set(tok_ids)
    row_w = jnp.zeros((R,), jnp.float32).at[padded_pos].set(flat_w)
    p0 = padded_pos[0::2]
    p1 = padded_pos[1::2]

    total_tiles = tile_csum[-1]
    tids = jnp.arange(NT, dtype=jnp.int32)
    raw_te = jnp.searchsorted(tile_csum, tids, side="right").astype(jnp.int32)
    last_used = jnp.max(jnp.where(counts > 0, jnp.arange(E), -1)).astype(jnp.int32)
    used = tids < total_tiles
    tile_expert = jnp.where(used, jnp.minimum(raw_te, E - 1), last_used)
    cnt = counts[tile_expert].astype(jnp.int32) - (tids - toff[tile_expert].astype(jnp.int32)) * T
    tile_count = jnp.where(used, jnp.clip(cnt, 0, T), 0).astype(jnp.int32)

    rw_brd = jnp.broadcast_to(row_w.reshape(NT, T, 1), (NT, T, 128))
    tile_blk = jnp.where(used, tids, jnp.maximum(total_tiles - 1, 0)).astype(jnp.int32)
    n_rows = jnp.broadcast_to((total_tiles * T).astype(jnp.int32), (16,))

    used_e = counts > 0
    n_used = jnp.sum(used_e.astype(jnp.int32))
    rank_e = jnp.cumsum(used_e.astype(jnp.int32)) - 1
    eidx_t = rank_e[tile_expert]
    new_e = (used & (tids == toff[tile_expert].astype(jnp.int32))).astype(jnp.int32)
    par_t = (eidx_t % 4).astype(jnp.int32)
    exp_of_rank = jnp.searchsorted(
        jnp.cumsum(used_e.astype(jnp.int32)),
        jnp.arange(1, E + 1, dtype=jnp.int32), side="left").astype(jnp.int32)
    nxt_src = jnp.clip(exp_of_rank[jnp.clip(eidx_t + 3, 0, E - 1)], 0, E - 1)
    nxt_flag = (new_e.astype(bool) & (eidx_t + 3 < n_used)).astype(jnp.int32)

    nxt1_flag = jnp.broadcast_to((n_used > 1).astype(jnp.int32), (NT,))
    nxt1_src = jnp.broadcast_to(jnp.clip(exp_of_rank[1], 0, E - 1), (NT,))
    nxt2_flag = jnp.broadcast_to((n_used > 2).astype(jnp.int32), (NT,))
    nxt2_src = jnp.broadcast_to(jnp.clip(exp_of_rank[2], 0, E - 1), (NT,))

    return (row_tok, rw_brd, p0, p1, tile_expert, tile_count, tile_blk,
            n_rows, new_e, par_t, nxt_src, nxt_flag, nxt1_flag, nxt1_src,
            nxt2_flag, nxt2_src)


_G_CH = 128
_G_NCH = R // _G_CH // NW


def _sc_mesh():
    return plsc.VectorSubcoreMesh(core_axis_name="c", subcore_axis_name="s")


_G_NS = 4
_G_SB = _G_CH // _G_NS


def _sc_gather_body(hs_hbm, tok_hbm, nrow_hbm, out_hbm, nrow_v, idx_v,
                    b0, b1, b2, b3, s0, s1, s2, s3):
    wid = lax.axis_index("s") * SC_CORES + lax.axis_index("c")
    pltpu.sync_copy(nrow_hbm, nrow_v)
    n = nrow_v[...][0]
    bufs = (b0, b1, b2, b3)
    sems = (s0, s1, s2, s3)
    for c in range(_G_NCH):
        o = (wid + NW * c) * _G_CH

        @pl.when(o < n)
        def _():
            pltpu.sync_copy(tok_hbm.at[pl.ds(o, _G_CH)], idx_v)
            cps = [
                pltpu.async_copy(
                    hs_hbm.at[idx_v.at[pl.ds(b * _G_SB, _G_SB)]],
                    bufs[b], sems[b])
                for b in range(_G_NS)
            ]
            for b in range(_G_NS):
                cps[b].wait()
                pltpu.sync_copy(bufs[b],
                                out_hbm.at[pl.ds(o + b * _G_SB, _G_SB)])


def _sc_gather(hidden_states, row_tok, n_rows):
    return pl.kernel(
        _sc_gather_body,
        out_type=jax.ShapeDtypeStruct((R, H), jnp.float32),
        mesh=_sc_mesh(),
        scratch_types=[
            pltpu.VMEM((16,), jnp.int32),
            pltpu.VMEM((_G_CH,), jnp.int32),
            pltpu.VMEM((_G_SB, H), jnp.float32),
            pltpu.VMEM((_G_SB, H), jnp.float32),
            pltpu.VMEM((_G_SB, H), jnp.float32),
            pltpu.VMEM((_G_SB, H), jnp.float32),
            pltpu.SemaphoreType.DMA,
            pltpu.SemaphoreType.DMA,
            pltpu.SemaphoreType.DMA,
            pltpu.SemaphoreType.DMA,
        ],
    )(hidden_states, row_tok, n_rows)


def _ffn_body(te_ref, tc_ref, tb_ref, rt_ref, ne_ref, pa_ref, ns_ref, nf_ref,
              ne2_ref, ns2_ref, ne3_ref, ns3_ref, hs_ref, w1_hbm, w2_hbm,
              rw_ref, y_ref, x2_s, w1b, w2b, s1, s2):
    i = pl.program_id(0)
    pp = pa_ref[i]

    def w_copies(src_e, dst_p):
        return (
            pltpu.make_async_copy(w1_hbm.at[src_e], w1b.at[dst_p], s1.at[dst_p]),
            pltpu.make_async_copy(w2_hbm.at[src_e], w2b.at[dst_p], s2.at[dst_p]),
        )

    @pl.when(i == 0)
    def _():
        for cp in w_copies(te_ref[0], 0):
            cp.start()

        @pl.when(ne2_ref[0] > 0)
        def _():
            for cp in w_copies(ns2_ref[0], 1):
                cp.start()

        @pl.when(ne3_ref[0] > 0)
        def _():
            for cp in w_copies(ns3_ref[0], 2):
                cp.start()

        for j in range(T):
            t0 = rt_ref[j]
            x2_s[0, pl.ds(j, 1), :] = hs_ref[pl.ds(t0, 1), :]

    @pl.when(ne_ref[i] > 0)
    def _():
        for cp in w_copies(te_ref[i], pp):
            cp.wait()

        @pl.when(nf_ref[i] > 0)
        def _():
            nslot = lax.rem(pp + 3, 4)
            for cp in w_copies(ns_ref[i], nslot):
                cp.start()

    @pl.when(tc_ref[i] > 0)
    def _():
        par = lax.rem(i, 2)
        nb = 1 - par
        nxt = jnp.minimum(i + 1, NT - 1)
        for j in range(T):
            t = rt_ref[nxt * T + j]
            x2_s[nb, pl.ds(j, 1), :] = hs_ref[pl.ds(t, 1), :]

        x = x2_s[par]
        gu = lax.dot_general(x, w1b[pp], (((1,), (1,)), ((), ())),
                             preferred_element_type=jnp.float32)
        g = gu[:, :F]
        u = gu[:, F:]
        h = g * (1.0 / (1.0 + jnp.exp(-g))) * u
        y = lax.dot_general(h, w2b[pp], (((1,), (1,)), ((), ())),
                            preferred_element_type=jnp.float32)
        y_ref[...] = y * rw_ref[0, :, 0:1]


def _ffn(hidden_states, w1, w2, rw_brd, tile_expert, tile_count, tile_blk,
         row_tok, new_e, par_t, nxt_src, nxt_flag, nxt1_flag, nxt1_src,
         nxt2_flag, nxt2_src):
    grid_spec = pltpu.PrefetchScalarGridSpec(
        num_scalar_prefetch=12,
        grid=(NT,),
        in_specs=[
            pl.BlockSpec((S, H), lambda i, *_: (0, 0)),
            pl.BlockSpec(memory_space=pl.ANY),
            pl.BlockSpec(memory_space=pl.ANY),
            pl.BlockSpec((1, T, 128), lambda i, te, tc, tb, *_: (tb[i], 0, 0)),
        ],
        out_specs=pl.BlockSpec((T, H), lambda i, te, tc, tb, *_: (tb[i], 0)),
        scratch_shapes=[
            pltpu.VMEM((2, T, H), jnp.float32),
            pltpu.VMEM((4, 2 * F, H), jnp.float32),
            pltpu.VMEM((4, H, F), jnp.float32),
            pltpu.SemaphoreType.DMA((4,)),
            pltpu.SemaphoreType.DMA((4,)),
        ],
    )
    return pl.pallas_call(
        _ffn_body,
        grid_spec=grid_spec,
        out_shape=jax.ShapeDtypeStruct((R, H), jnp.float32),
        compiler_params=pltpu.CompilerParams(
            dimension_semantics=("arbitrary",)),
    )(tile_expert, tile_count, tile_blk, row_tok, new_e, par_t, nxt_src,
      nxt_flag, nxt1_flag, nxt1_src, nxt2_flag, nxt2_src, hidden_states,
      w1, w2, rw_brd)


_C_PER_W = S // NW
_C_HALF = _C_PER_W // 2
_LANES = 16


def _sc_combine_body(y_hbm, p0_hbm, p1_hbm, out_hbm, i0_v, i1_v, r0_v, r1_v,
                     s0, s1, s2, s3):
    wid = lax.axis_index("s") * SC_CORES + lax.axis_index("c")
    o = wid * _C_PER_W
    pltpu.sync_copy(p0_hbm.at[pl.ds(o, _C_PER_W)], i0_v)
    pltpu.sync_copy(p1_hbm.at[pl.ds(o, _C_PER_W)], i1_v)
    cps = [
        pltpu.async_copy(y_hbm.at[i0_v.at[pl.ds(0, _C_HALF)]],
                         r0_v.at[pl.ds(0, _C_HALF)], s0),
        pltpu.async_copy(y_hbm.at[i0_v.at[pl.ds(_C_HALF, _C_HALF)]],
                         r0_v.at[pl.ds(_C_HALF, _C_HALF)], s1),
        pltpu.async_copy(y_hbm.at[i1_v.at[pl.ds(0, _C_HALF)]],
                         r1_v.at[pl.ds(0, _C_HALF)], s2),
        pltpu.async_copy(y_hbm.at[i1_v.at[pl.ds(_C_HALF, _C_HALF)]],
                         r1_v.at[pl.ds(_C_HALF, _C_HALF)], s3),
    ]
    for cp in cps:
        cp.wait()

    def row_add(i, _):
        def lane_add(j, _):
            sl = pl.ds(j * _LANES, _LANES)
            r0_v[i, sl] = r0_v[i, sl] + r1_v[i, sl]
            return 0
        return lax.fori_loop(0, H // _LANES, lane_add, 0)

    lax.fori_loop(0, _C_PER_W, row_add, 0)
    pltpu.sync_copy(r0_v, out_hbm.at[pl.ds(o, _C_PER_W)])


def _sc_combine(y, p0, p1):
    return pl.kernel(
        _sc_combine_body,
        out_type=jax.ShapeDtypeStruct((S, H), jnp.float32),
        mesh=_sc_mesh(),
        scratch_types=[
            pltpu.VMEM((_C_PER_W,), jnp.int32),
            pltpu.VMEM((_C_PER_W,), jnp.int32),
            pltpu.VMEM((_C_PER_W, H), jnp.float32),
            pltpu.VMEM((_C_PER_W, H), jnp.float32),
            pltpu.SemaphoreType.DMA,
            pltpu.SemaphoreType.DMA,
            pltpu.SemaphoreType.DMA,
            pltpu.SemaphoreType.DMA,
        ],
    )(y, p0, p1)


def kernel(hidden_states, router_logits, w1, w2):
    idx, wts = _routing(router_logits)
    (row_tok, rw_brd, p0, p1, tile_expert, tile_count, tile_blk, n_rows,
     new_e, par_t, nxt_src, nxt_flag, nxt1_flag, nxt1_src, nxt2_flag,
     nxt2_src) = _plan(idx, wts)
    y = _ffn(hidden_states, w1, w2, rw_brd, tile_expert, tile_count,
             tile_blk, row_tok, new_e, par_t, nxt_src, nxt_flag, nxt1_flag,
             nxt1_src, nxt2_flag, nxt2_src)
    return _sc_combine(y, p0, p1)

# --- scband reference (transcript-rebuilt; emitter-appended) ---
"""Pipeline reference for scband-fused-mo-e-6365141532678 (READ-ONLY COPY).

The authoritative reference and input builder live on the scoring server;
editing this copy changes nothing except your own understanding.
"""

import jax, jax.numpy as jnp
import numpy as np

E = 64
TOP_K = 2
HIDDEN = 768
FFN = 512
SEQ = 2048


def setup_inputs(seed: int = 0) -> dict:
    key = jax.random.key(seed)
    k1, k2, k3, k4 = jax.random.split(key, 4)
    hidden_states = jax.random.normal(k1, (SEQ, HIDDEN), dtype=jnp.float32)
    router_logits = jax.random.normal(k2, (SEQ, E), dtype=jnp.float32)
    # fused gate+up projection: [E, 2*FFN, HIDDEN]; down projection: [E, HIDDEN, FFN]
    w1 = jax.random.normal(k3, (E, 2 * FFN, HIDDEN), dtype=jnp.float32) * 0.02
    w2 = jax.random.normal(k4, (E, HIDDEN, FFN), dtype=jnp.float32) * 0.02
    return {"hidden_states": hidden_states, "router_logits": router_logits, "w1": w1, "w2": w2}


def reference(hidden_states, router_logits, w1, w2):
    S, H = hidden_states.shape
    logits32 = router_logits.astype(jnp.float32)
    probs = jax.nn.softmax(logits32, axis=-1)
    routing_weights, selected_experts = jax.lax.top_k(probs, TOP_K)
    routing_weights = routing_weights / jnp.sum(routing_weights, axis=-1, keepdims=True)
    selected_experts = selected_experts.astype(jnp.int32)
    # per-token combine weight for each expert: [S, E]
    combine = jnp.zeros((S, E), dtype=jnp.float32)
    combine = combine.at[jnp.arange(S)[:, None], selected_experts].add(routing_weights)

    def step(acc, xs):
        w1e, w2e, ce = xs  # [2*FFN, H], [H, FFN], [S]
        gu = hidden_states @ w1e.T  # [S, 2*FFN]
        g, u = jnp.split(gu, 2, axis=-1)
        h = jax.nn.silu(g) * u  # [S, FFN]
        out_e = h @ w2e.T  # [S, H]
        return acc + ce[:, None] * out_e, None

    init = jnp.zeros((S, H), dtype=jnp.float32)
    final_hidden_states, _ = jax.lax.scan(step, init, (w1, w2, combine.T))
    return final_hidden_states

if __name__ == "__main__":
    import jax
    _d = setup_inputs()
    print(jax.jit(kernel)(*tuple(_d.values())))

</pallas_src>

<mosaic_0001>
#map = affine_map<(d0, d1) -> (0, 0)>
#map1 = affine_map<(d0, d1) -> (0)>
module attributes {stable_mosaic.version = 14 : i64} {
  func.func @_sc_combine_body(%arg0: i32, %arg1: i32, %arg2: memref<8192x768xf32, #tpu.memory_space<hbm>>, %arg3: memref<2048xi32, #tpu.memory_space<hbm>>, %arg4: memref<2048xi32, #tpu.memory_space<hbm>>, %arg5: memref<2048x768xf32, #tpu.memory_space<hbm>>, %arg6: memref<64xi32, #tpu.memory_space<vmem>>, %arg7: memref<64xi32, #tpu.memory_space<vmem>>, %arg8: memref<64x768xf32, #tpu.memory_space<vmem>>, %arg9: memref<64x768xf32, #tpu.memory_space<vmem>>, %arg10: memref<!tpu.dma_semaphore, #tpu.memory_space<semaphore_mem>>, %arg11: memref<!tpu.dma_semaphore, #tpu.memory_space<semaphore_mem>>, %arg12: memref<!tpu.dma_semaphore, #tpu.memory_space<semaphore_mem>>, %arg13: memref<!tpu.dma_semaphore, #tpu.memory_space<semaphore_mem>>) attributes {dimension_semantics = [#tpu.dimension_semantics<core_parallel>, #tpu.dimension_semantics<subcore_parallel>], iteration_bounds = array<i64: 2, 16>, scalar_prefetch = 0 : i64, scratch_operands = 8 : i64, tpu.core_type = #tpu.core_type<sc_vector_subcore>, window_params = [{transform_indices = #map}, {transform_indices = #map1}, {transform_indices = #map1}, {transform_indices = #map}]} {
    %mul3A = arith.constant 2 : i32
    %mul3A_0 = arith.muli %arg1, %mul3A : i32
    %add3A = arith.addi %mul3A_0, %arg0 : i32
    %mul3A_1 = arith.constant 64 : i32
    %mul3A_2 = arith.muli %add3A, %mul3A_1 : i32
    "tpu.region"() ({
      %run_scoped3A = tpu.sem_alloc : memref<!tpu.dma_semaphore, #tpu.memory_space<semaphore_mem>>
      %dma_start3A_71 = tpu.memref_slice %arg3[%mul3A_2] : memref<2048xi32, #tpu.memory_space<hbm>> -> memref<64xi32, #tpu.memory_space<hbm>>
      %dma_start3A_72 = tpu.memref_slice %arg3[%mul3A_2] : memref<2048xi32, #tpu.memory_space<hbm>> -> memref<64xi32, #tpu.memory_space<hbm>>
      tpu.enqueue_dma source(%dma_start3A_72 : memref<64xi32, #tpu.memory_space<hbm>>) target(%arg6 : memref<64xi32, #tpu.memory_space<vmem>>) target_semaphore(%run_scoped3A : memref<!tpu.dma_semaphore, #tpu.memory_space<semaphore_mem>>)
      %dma_wait3A_73 = tpu.memref_slice %arg3[%mul3A_2] : memref<2048xi32, #tpu.memory_space<hbm>> -> memref<64xi32, #tpu.memory_space<hbm>>
      %dma_wait3A_74 = tpu.memref_slice %arg3[%mul3A_2] : memref<2048xi32, #tpu.memory_space<hbm>> -> memref<64xi32, #tpu.memory_space<hbm>>
      tpu.wait_dma2 semaphore(%run_scoped3A : memref<!tpu.dma_semaphore, #tpu.memory_space<semaphore_mem>>) src(%dma_wait3A_74 : memref<64xi32, #tpu.memory_space<hbm>>) dst(%arg6 : memref<64xi32, #tpu.memory_space<vmem>>)
      tpu.yield
    }) : () -> ()
    "tpu.region"() ({
      %run_scoped3A = tpu.sem_alloc : memref<!tpu.dma_semaphore, #tpu.memory_space<semaphore_mem>>
      %dma_start3A_71 = tpu.memref_slice %arg4[%mul3A_2] : memref<2048xi32, #tpu.memory_space<hbm>> -> memref<64xi32, #tpu.memory_space<hbm>>
      %dma_start3A_72 = tpu.memref_slice %arg4[%mul3A_2] : memref<2048xi32, #tpu.memory_space<hbm>> -> memref<64xi32, #tpu.memory_space<hbm>>
      tpu.enqueue_dma source(%dma_start3A_72 : memref<64xi32, #tpu.memory_space<hbm>>) target(%arg7 : memref<64xi32, #tpu.memory_space<vmem>>) target_semaphore(%run_scoped3A : memref<!tpu.dma_semaphore, #tpu.memory_space<semaphore_mem>>)
      %dma_wait3A_73 = tpu.memref_slice %arg4[%mul3A_2] : memref<2048xi32, #tpu.memory_space<hbm>> -> memref<64xi32, #tpu.memory_space<hbm>>
      %dma_wait3A_74 = tpu.memref_slice %arg4[%mul3A_2] : memref<2048xi32, #tpu.memory_space<hbm>> -> memref<64xi32, #tpu.memory_space<hbm>>
      tpu.wait_dma2 semaphore(%run_scoped3A : memref<!tpu.dma_semaphore, #tpu.memory_space<semaphore_mem>>) src(%dma_wait3A_74 : memref<64xi32, #tpu.memory_space<hbm>>) dst(%arg7 : memref<64xi32, #tpu.memory_space<vmem>>)
      tpu.yield
    }) : () -> ()
    %dma_start3A = arith.constant 0 : i32
    %dma_start3A_3 = arith.constant 0 : i32
    %dma_start3A_4 = tpu.memref_slice %arg8[%dma_start3A, %dma_start3A_3] : memref<64x768xf32, #tpu.memory_space<vmem>> -> memref<32x768xf32, #tpu.memory_space<vmem>>
    %dma_start3A_5 = arith.constant 0 : i32
    %dma_start3A_6 = tpu.memref_slice %arg6[%dma_start3A_5] : memref<64xi32, #tpu.memory_space<vmem>> -> memref<32xi32, #tpu.memory_space<vmem>>
    %dma_start3A_7 = arith.constant 0 : i32
    %dma_start3A_8 = arith.constant 0 : i32
    %dma_start3A_9 = tpu.memref_slice %arg2[%dma_start3A_7, %dma_start3A_8] : memref<8192x768xf32, #tpu.memory_space<hbm>> -> memref<8192x768xf32, #tpu.memory_space<hbm>>
    tpu.enqueue_indirect_dma source(%dma_start3A_9 : memref<8192x768xf32, #tpu.memory_space<hbm>>) target(%dma_start3A_4 : memref<32x768xf32, #tpu.memory_space<vmem>>) offsets(%dma_start3A_6 : memref<32xi32, #tpu.memory_space<vmem>>) semaphore(%arg10 : memref<!tpu.dma_semaphore, #tpu.memory_space<semaphore_mem>>)
    %dma_start3A_10 = arith.constant 32 : i32
    %dma_start3A_11 = arith.constant 0 : i32
    %dma_start3A_12 = tpu.memref_slice %arg8[%dma_start3A_10, %dma_start3A_11] : memref<64x768xf32, #tpu.memory_space<vmem>> -> memref<32x768xf32, #tpu.memory_space<vmem>>
    %dma_start3A_13 = arith.constant 32 : i32
    %dma_start3A_14 = tpu.memref_slice %arg6[%dma_start3A_13] : memref<64xi32, #tpu.memory_space<vmem>> -> memref<32xi32, #tpu.memory_space<vmem>>
    %dma_start3A_15 = arith.constant 0 : i32
    %dma_start3A_16 = arith.constant 0 : i32
    %dma_start3A_17 = tpu.memref_slice %arg2[%dma_start3A_15, %dma_start3A_16] : memref<8192x768xf32, #tpu.memory_space<hbm>> -> memref<8192x768xf32, #tpu.memory_space<hbm>>
    tpu.enqueue_indirect_dma source(%dma_start3A_17 : memref<8192x768xf32, #tpu.memory_space<hbm>>) target(%dma_start3A_12 : memref<32x768xf32, #tpu.memory_space<vmem>>) offsets(%dma_start3A_14 : memref<32xi32, #tpu.memory_space<vmem>>) semaphore(%arg11 : memref<!tpu.dma_semaphore, #tpu.memory_space<semaphore_mem>>)
    %dma_start3A_18 = arith.constant 0 : i32
    %dma_start3A_19 = arith.constant 0 : i32
    %dma_start3A_20 = tpu.memref_slice %arg9[%dma_start3A_18, %dma_start3A_19] : memref<64x768xf32, #tpu.memory_space<vmem>> -> memref<32x768xf32, #tpu.memory_space<vmem>>
    %dma_start3A_21 = arith.constant 0 : i32
    %dma_start3A_22 = tpu.memref_slice %arg7[%dma_start3A_21] : memref<64xi32, #tpu.memory_space<vmem>> -> memref<32xi32, #tpu.memory_space<vmem>>
    %dma_start3A_23 = arith.constant 0 : i32
    %dma_start3A_24 = arith.constant 0 : i32
    %dma_start3A_25 = tpu.memref_slice %arg2[%dma_start3A_23, %dma_start3A_24] : memref<8192x768xf32, #tpu.memory_space<hbm>> -> memref<8192x768xf32, #tpu.memory_space<hbm>>
    tpu.enqueue_indirect_dma source(%dma_start3A_25 : memref<8192x768xf32, #tpu.memory_space<hbm>>) target(%dma_start3A_20 : memref<32x768xf32, #tpu.memory_space<vmem>>) offsets(%dma_start3A_22 : memref<32xi32, #tpu.memory_space<vmem>>) semaphore(%arg12 : memref<!tpu.dma_semaphore, #tpu.memory_space<semaphore_mem>>)
    %dma_start3A_26 = arith.constant 32 : i32
    %dma_start3A_27 = arith.constant 0 : i32
    %dma_start3A_28 = tpu.memref_slice %arg9[%dma_start3A_26, %dma_start3A_27] : memref<64x768xf32, #tpu.memory_space<vmem>> -> memref<32x768xf32, #tpu.memory_space<vmem>>
    %dma_start3A_29 = arith.constant 32 : i32
    %dma_start3A_30 = tpu.memref_slice %arg7[%dma_start3A_29] : memref<64xi32, #tpu.memory_space<vmem>> -> memref<32xi32, #tpu.memory_space<vmem>>
    %dma_start3A_31 = arith.constant 0 : i32
    %dma_start3A_32 = arith.constant 0 : i32
    %dma_start3A_33 = tpu.memref_slice %arg2[%dma_start3A_31, %dma_start3A_32] : memref<8192x768xf32, #tpu.memory_space<hbm>> -> memref<8192x768xf32, #tpu.memory_space<hbm>>
    tpu.enqueue_indirect_dma source(%dma_start3A_33 : memref<8192x768xf32, #tpu.memory_space<hbm>>) target(%dma_start3A_28 : memref<32x768xf32, #tpu.memory_space<vmem>>) offsets(%dma_start3A_30 : memref<32xi32, #tpu.memory_space<vmem>>) semaphore(%arg13 : memref<!tpu.dma_semaphore, #tpu.memory_space<semaphore_mem>>)
    %dma_wait3A = arith.constant 0 : i32
    %dma_wait3A_34 = arith.constant 0 : i32
    %dma_wait3A_35 = tpu.memref_slice %arg8[%dma_wait3A, %dma_wait3A_34] : memref<64x768xf32, #tpu.memory_space<vmem>> -> memref<32x768xf32, #tpu.memory_space<vmem>>
    %dma_wait3A_36 = arith.constant 0 : i32
    %dma_wait3A_37 = tpu.memref_slice %arg6[%dma_wait3A_36] : memref<64xi32, #tpu.memory_space<vmem>> -> memref<32xi32, #tpu.memory_space<vmem>>
    %dma_wait3A_38 = arith.constant 0 : i32
    %dma_wait3A_39 = arith.constant 0 : i32
    %dma_wait3A_40 = tpu.memref_slice %arg2[%dma_wait3A_38, %dma_wait3A_39] : memref<8192x768xf32, #tpu.memory_space<hbm>> -> memref<8192x768xf32, #tpu.memory_space<hbm>>
    tpu.wait_indirect_dma semaphore(%arg10 : memref<!tpu.dma_semaphore, #tpu.memory_space<semaphore_mem>>) src(%dma_wait3A_40 : memref<8192x768xf32, #tpu.memory_space<hbm>>) dst(%dma_wait3A_35 : memref<32x768xf32, #tpu.memory_space<vmem>>)
    %dma_wait3A_41 = arith.constant 32 : i32
    %dma_wait3A_42 = arith.constant 0 : i32
    %dma_wait3A_43 = tpu.memref_slice %arg8[%dma_wait3A_41, %dma_wait3A_42] : memref<64x768xf32, #tpu.memory_space<vmem>> -> memref<32x768xf32, #tpu.memory_space<vmem>>
    %dma_wait3A_44 = arith.constant 32 : i32
    %dma_wait3A_45 = tpu.memref_slice %arg6[%dma_wait3A_44] : memref<64xi32, #tpu.memory_space<vmem>> -> memref<32xi32, #tpu.memory_space<vmem>>
    %dma_wait3A_46 = arith.constant 0 : i32
    %dma_wait3A_47 = arith.constant 0 : i32
    %dma_wait3A_48 = tpu.memref_slice %arg2[%dma_wait3A_46, %dma_wait3A_47] : memref<8192x768xf32, #tpu.memory_space<hbm>> -> memref<8192x768xf32, #tpu.memory_space<hbm>>
    tpu.wait_indirect_dma semaphore(%arg11 : memref<!tpu.dma_semaphore, #tpu.memory_space<semaphore_mem>>) src(%dma_wait3A_48 : memref<8192x768xf32, #tpu.memory_space<hbm>>) dst(%dma_wait3A_43 : memref<32x768xf32, #tpu.memory_space<vmem>>)
    %dma_wait3A_49 = arith.constant 0 : i32
    %dma_wait3A_50 = arith.constant 0 : i32
    %dma_wait3A_51 = tpu.memref_slice %arg9[%dma_wait3A_49, %dma_wait3A_50] : memref<64x768xf32, #tpu.memory_space<vmem>> -> memref<32x768xf32, #tpu.memory_space<vmem>>
    %dma_wait3A_52 = arith.constant 0 : i32
    %dma_wait3A_53 = tpu.memref_slice %arg7[%dma_wait3A_52] : memref<64xi32, #tpu.memory_space<vmem>> -> memref<32xi32, #tpu.memory_space<vmem>>
    %dma_wait3A_54 = arith.constant 0 : i32
    %dma_wait3A_55 = arith.constant 0 : i32
    %dma_wait3A_56 = tpu.memref_slice %arg2[%dma_wait3A_54, %dma_wait3A_55] : memref<8192x768xf32, #tpu.memory_space<hbm>> -> memref<8192x768xf32, #tpu.memory_space<hbm>>
    tpu.wait_indirect_dma semaphore(%arg12 : memref<!tpu.dma_semaphore, #tpu.memory_space<semaphore_mem>>) src(%dma_wait3A_56 : memref<8192x768xf32, #tpu.memory_space<hbm>>) dst(%dma_wait3A_51 : memref<32x768xf32, #tpu.memory_space<vmem>>)
    %dma_wait3A_57 = arith.constant 32 : i32
    %dma_wait3A_58 = arith.constant 0 : i32
    %dma_wait3A_59 = tpu.memref_slice %arg9[%dma_wait3A_57, %dma_wait3A_58] : memref<64x768xf32, #tpu.memory_space<vmem>> -> memref<32x768xf32, #tpu.memory_space<vmem>>
    %dma_wait3A_60 = arith.constant 32 : i32
    %dma_wait3A_61 = tpu.memref_slice %arg7[%dma_wait3A_60] : memref<64xi32, #tpu.memory_space<vmem>> -> memref<32xi32, #tpu.memory_space<vmem>>
    %dma_wait3A_62 = arith.constant 0 : i32
    %dma_wait3A_63 = arith.constant 0 : i32
    %dma_wait3A_64 = tpu.memref_slice %arg2[%dma_wait3A_62, %dma_wait3A_63] : memref<8192x768xf32, #tpu.memory_space<hbm>> -> memref<8192x768xf32, #tpu.memory_space<hbm>>
    tpu.wait_indirect_dma semaphore(%arg13 : memref<!tpu.dma_semaphore, #tpu.memory_space<semaphore_mem>>) src(%dma_wait3A_64 : memref<8192x768xf32, #tpu.memory_space<hbm>>) dst(%dma_wait3A_59 : memref<32x768xf32, #tpu.memory_space<vmem>>)
    %scan3A = arith.constant 0 : i32
    %scan3A_65 = arith.constant 0 : i32
    %scan3A_66 = arith.constant 64 : i32
    %scan3A_67 = arith.addi %scan3A_65, %scan3A_66 : i32
    %scan3A_68 = arith.constant 1 : i32
    %scan3A_69 = scf.for %scan3A_71 = %scan3A_65 to %scan3A_67 step %scan3A_68 iter_args(%scan3A_72 = %scan3A) -> (i32)  : i32 {
      %scan3A_73 = arith.constant 0 : i32
      %scan3A_74 = arith.constant 0 : i32
      %scan3A_75 = arith.constant 48 : i32
      %scan3A_76 = arith.addi %scan3A_74, %scan3A_75 : i32
      %scan3A_77 = arith.constant 1 : i32
      %scan3A_78 = scf.for %scan3A_80 = %scan3A_74 to %scan3A_76 step %scan3A_77 iter_args(%scan3A_81 = %scan3A_73) -> (i32)  : i32 {
        %mul3A_82 = arith.constant 16 : i32
        %mul3A_83 = arith.muli %scan3A_80, %mul3A_82 : i32
        %get3A = arith.index_cast %scan3A_71 : i32 to index
        %get3A_84 = arith.index_cast %mul3A_83 : i32 to index
        %get3A_85 = tpu.vector_load %arg8[%get3A, %get3A_84] {strides = array<i32>} : memref<64x768xf32, #tpu.memory_space<vmem>>, vector<1x16xf32>,
        %get3A_86 = vector.shape_cast %get3A_85 : vector<1x16xf32> to vector<16xf32>
        %get3A_87 = arith.index_cast %scan3A_71 : i32 to index
        %get3A_88 = arith.index_cast %mul3A_83 : i32 to index
        %get3A_89 = tpu.vector_load %arg9[%get3A_87, %get3A_88] {strides = array<i32>} : memref<64x768xf32, #tpu.memory_space<vmem>>, vector<1x16xf32>,
        %get3A_90 = vector.shape_cast %get3A_89 : vector<1x16xf32> to vector<16xf32>
        %add3A_91 = arith.addf %get3A_86, %get3A_90 : vector<16xf32>
        %swap3A = arith.index_cast %scan3A_71 : i32 to index
        %swap3A_92 = arith.index_cast %mul3A_83 : i32 to index
        %swap3A_93 = tpu.vector_load %arg8[%swap3A, %swap3A_92] {strides = array<i32>} : memref<64x768xf32, #tpu.memory_space<vmem>>, vector<1x16xf32>,
        %swap3A_94 = vector.shape_cast %swap3A_93 : vector<1x16xf32> to vector<16xf32>
        %swap3A_95 = vector.shape_cast %add3A_91 : vector<16xf32> to vector<1x16xf32>
        tpu.vector_store %arg8[%swap3A, %swap3A_92], %swap3A_95 {strides = array<i32>} : memref<64x768xf32, #tpu.memory_space<vmem>>, vector<1x16xf32>,
        %scan3A_96 = arith.constant 0 : i32
        scf.yield %scan3A_96 : i32
      }
      %scan3A_79 = arith.constant 48 : i32
      scf.yield %scan3A_78 : i32
    }
    %scan3A_70 = arith.constant 64 : i32
    "tpu.region"() ({
      %run_scoped3A = tpu.sem_alloc : memref<!tpu.dma_semaphore, #tpu.memory_space<semaphore_mem>>
      %dma_start3A_71 = arith.constant 0 : i32
      %dma_start3A_72 = tpu.memref_slice %arg5[%mul3A_2, %dma_start3A_71] : memref<2048x768xf32, #tpu.memory_space<hbm>> -> memref<64x768xf32, #tpu.memory_space<hbm>>
      %dma_start3A_73 = arith.constant 0 : i32
      %dma_start3A_74 = tpu.memref_slice %arg5[%mul3A_2, %dma_start3A_73] : memref<2048x768xf32, #tpu.memory_space<hbm>> -> memref<64x768xf32, #tpu.memory_space<hbm>>
      tpu.enqueue_dma source(%arg8 : memref<64x768xf32, #tpu.memory_space<vmem>>) target(%dma_start3A_74 : memref<64x768xf32, #tpu.memory_space<hbm>>) target_semaphore(%run_scoped3A : memref<!tpu.dma_semaphore, #tpu.memory_space<semaphore_mem>>)
      %dma_wait3A_75 = arith.constant 0 : i32
      %dma_wait3A_76 = tpu.memref_slice %arg5[%mul3A_2, %dma_wait3A_75] : memref<2048x768xf32, #tpu.memory_space<hbm>> -> memref<64x768xf32, #tpu.memory_space<hbm>>
      %dma_wait3A_77 = arith.constant 0 : i32
      %dma_wait3A_78 = tpu.memref_slice %arg5[%mul3A_2, %dma_wait3A_77] : memref<2048x768xf32, #tpu.memory_space<hbm>> -> memref<64x768xf32, #tpu.memory_space<hbm>>
      tpu.wait_dma2 semaphore(%run_scoped3A : memref<!tpu.dma_semaphore, #tpu.memory_space<semaphore_mem>>) src(%arg8 : memref<64x768xf32, #tpu.memory_space<vmem>>) dst(%dma_wait3A_78 : memref<64x768xf32, #tpu.memory_space<hbm>>)
      tpu.yield
    }) : () -> ()
    return
  }
}

module attributes {stable_mosaic.version = 14 : i64} {
  func.func @_routing_body(%arg0: memref<2048x64xf32, #tpu.memory_space<vmem>>, %arg1: memref<2048x8xi32, #tpu.memory_space<vmem>>, %arg2: memref<2048x8xf32, #tpu.memory_space<vmem>>) attributes {dimension_semantics = [], scalar_prefetch = 0 : i64, scratch_operands = 0 : i64, tpu.core_type = #tpu.core_type<tc>} {
    %get3A = arith.constant 0 : index
    %get3A_0 = arith.constant 0 : index
    %get3A_1 = vector.load %arg0[%get3A, %get3A_0] : memref<2048x64xf32, #tpu.memory_space<vmem>>, vector<2048x64xf32>
    %reduce_max3A = arith.constant dense<0xFF800000> : vector<2048xf32>
    %reduce_max3A_2 = vector.multi_reduction <maximumf>, %get3A_1, %reduce_max3A [1] : vector<2048x64xf32> to vector<2048xf32>
    %broadcast_in_dim3A = vector.shape_cast %reduce_max3A_2 : vector<2048xf32> to vector<2048x1xf32>
    %sub3A = vector.broadcast %broadcast_in_dim3A : vector<2048x1xf32> to vector<2048x64xf32>
    %sub3A_3 = arith.subf %get3A_1, %sub3A : vector<2048x64xf32>
    %exp3A = math.exp %sub3A_3 : vector<2048x64xf32>
    %reduce_sum3A = arith.constant dense<0.000000e+00> : vector<2048xf32>
    %reduce_sum3A_4 = vector.multi_reduction <add>, %exp3A, %reduce_sum3A [1] : vector<2048x64xf32> to vector<2048xf32>
    %broadcast_in_dim3A_5 = vector.shape_cast %reduce_sum3A_4 : vector<2048xf32> to vector<2048x1xf32>
    %div3A = vector.broadcast %broadcast_in_dim3A_5 : vector<2048x1xf32> to vector<2048x64xf32>
    %div3A_6 = arith.divf %exp3A, %div3A : vector<2048x64xf32>
    %iota3A = tpu.iota {dimensions = array<i32: 1>} : vector<2048x64xi32>
    %reduce_max3A_7 = arith.constant dense<0xFF800000> : vector<2048xf32>
    %reduce_max3A_8 = vector.multi_reduction <maximumf>, %div3A_6, %reduce_max3A_7 [1] : vector<2048x64xf32> to vector<2048xf32>
    %broadcast_in_dim3A_9 = vector.shape_cast %reduce_max3A_8 : vector<2048xf32> to vector<2048x1xf32>
    %eq3A = vector.broadcast %broadcast_in_dim3A_9 : vector<2048x1xf32> to vector<2048x64xf32>
    %eq3A_10 = arith.cmpf oeq, %div3A_6, %eq3A : vector<2048x64xf32>
    %jit3A = arith.constant 64 : i32
    %broadcast_in_dim3A_11 = vector.broadcast %jit3A : i32 to vector<2048x64xi32>
    %select_n3A = arith.select %eq3A_10, %iota3A, %broadcast_in_dim3A_11 : vector<2048x64xi1>, vector<2048x64xi32>
    %reduce_min3A = arith.constant dense<2147483647> : vector<2048xi32>
    %reduce_min3A_12 = vector.multi_reduction <minsi>, %select_n3A, %reduce_min3A [1] : vector<2048x64xi32> to vector<2048xi32>
    %broadcast_in_dim3A_13 = vector.shape_cast %reduce_min3A_12 : vector<2048xi32> to vector<2048x1xi32>
    %eq3A_14 = vector.broadcast %broadcast_in_dim3A_13 : vector<2048x1xi32> to vector<2048x64xi32>
    %eq3A_15 = arith.cmpi eq, %iota3A, %eq3A_14 : vector<2048x64xi32>
    %jit3A_16 = arith.constant -1.000000e+00 : f32
    %broadcast_in_dim3A_17 = vector.broadcast %jit3A_16 : f32 to vector<2048x64xf32>
    %select_n3A_18 = arith.select %eq3A_15, %broadcast_in_dim3A_17, %div3A_6 : vector<2048x64xi1>, vector<2048x64xf32>
    %reduce_max3A_19 = arith.constant dense<0xFF800000> : vector<2048xf32>
    %reduce_max3A_20 = vector.multi_reduction <maximumf>, %select_n3A_18, %reduce_max3A_19 [1] : vector<2048x64xf32> to vector<2048xf32>
    %broadcast_in_dim3A_21 = vector.shape_cast %reduce_max3A_20 : vector<2048xf32> to vector<2048x1xf32>
    %eq3A_22 = vector.broadcast %broadcast_in_dim3A_21 : vector<2048x1xf32> to vector<2048x64xf32>
    %eq3A_23 = arith.cmpf oeq, %select_n3A_18, %eq3A_22 : vector<2048x64xf32>
    %jit3A_24 = arith.constant 64 : i32
    %broadcast_in_dim3A_25 = vector.broadcast %jit3A_24 : i32 to vector<2048x64xi32>
    %select_n3A_26 = arith.select %eq3A_23, %iota3A, %broadcast_in_dim3A_25 : vector<2048x64xi1>, vector<2048x64xi32>
    %reduce_min3A_27 = arith.constant dense<2147483647> : vector<2048xi32>
    %reduce_min3A_28 = vector.multi_reduction <minsi>, %select_n3A_26, %reduce_min3A_27 [1] : vector<2048x64xi32> to vector<2048xi32>
    %broadcast_in_dim3A_29 = vector.shape_cast %reduce_min3A_28 : vector<2048xi32> to vector<2048x1xi32>
    %add3A = arith.addf %broadcast_in_dim3A_9, %broadcast_in_dim3A_21 : vector<2048x1xf32>
    %swap3A = arith.constant 0 : index
    %swap3A_30 = arith.constant 0 : index
    %swap3A_31 = vector.load %arg1[%swap3A, %swap3A_30] : memref<2048x8xi32, #tpu.memory_space<vmem>>, vector<2048x1xi32>
    tpu.vector_store %arg1[%swap3A, %swap3A_30], %broadcast_in_dim3A_13 {strides = array<i32>} : memref<2048x8xi32, #tpu.memory_space<vmem>>, vector<2048x1xi32>,
    %swap3A_32 = arith.constant 0 : index
    %swap3A_33 = arith.constant 1 : index
    %swap3A_34 = vector.load %arg1[%swap3A_32, %swap3A_33] : memref<2048x8xi32, #tpu.memory_space<vmem>>, vector<2048x1xi32>
    tpu.vector_store %arg1[%swap3A_32, %swap3A_33], %broadcast_in_dim3A_29 {strides = array<i32>} : memref<2048x8xi32, #tpu.memory_space<vmem>>, vector<2048x1xi32>,
    %div3A_35 = arith.divf %broadcast_in_dim3A_9, %add3A : vector<2048x1xf32>
    %swap3A_36 = arith.constant 0 : index
    %swap3A_37 = arith.constant 0 : index
    %swap3A_38 = vector.load %arg2[%swap3A_36, %swap3A_37] : memref<2048x8xf32, #tpu.memory_space<vmem>>, vector<2048x1xf32>
    tpu.vector_store %arg2[%swap3A_36, %swap3A_37], %div3A_35 {strides = array<i32>} : memref<2048x8xf32, #tpu.memory_space<vmem>>, vector<2048x1xf32>,
    %div3A_39 = arith.divf %broadcast_in_dim3A_21, %add3A : vector<2048x1xf32>
    %swap3A_40 = arith.constant 0 : index
    %swap3A_41 = arith.constant 1 : index
    %swap3A_42 = vector.load %arg2[%swap3A_40, %swap3A_41] : memref<2048x8xf32, #tpu.memory_space<vmem>>, vector<2048x1xf32>
    tpu.vector_store %arg2[%swap3A_40, %swap3A_41], %div3A_39 {strides = array<i32>} : memref<2048x8xf32, #tpu.memory_space<vmem>>, vector<2048x1xf32>,
    return
  }
}

module attributes {stable_mosaic.version = 14 : i64} {
  func.func @_ffn_body(%arg0: i32, %arg1: memref<128xi32, #tpu.memory_space<smem>>, %arg2: memref<128xi32, #tpu.memory_space<smem>>, %arg3: memref<128xi32, #tpu.memory_space<smem>>, %arg4: memref<8192xi32, #tpu.memory_space<smem>>, %arg5: memref<128xi32, #tpu.memory_space<smem>>, %arg6: memref<128xi32, #tpu.memory_space<smem>>, %arg7: memref<128xi32, #tpu.memory_space<smem>>, %arg8: memref<128xi32, #tpu.memory_space<smem>>, %arg9: memref<128xi32, #tpu.memory_space<smem>>, %arg10: memref<128xi32, #tpu.memory_space<smem>>, %arg11: memref<128xi32, #tpu.memory_space<smem>>, %arg12: memref<128xi32, #tpu.memory_space<smem>>, %arg13: memref<2048x768xf32, #tpu.memory_space<vmem>>, %arg14: memref<64x1024x768xf32, #tpu.memory_space<any>>, %arg15: memref<64x768x512xf32, #tpu.memory_space<any>>, %arg16: memref<1x64x128xf32, #tpu.memory_space<vmem>>, %arg17: memref<64x768xf32, #tpu.memory_space<vmem>>, %arg18: memref<2x64x768xf32, #tpu.memory_space<vmem>>, %arg19: memref<4x1024x768xf32, #tpu.memory_space<vmem>>, %arg20: memref<4x768x512xf32, #tpu.memory_space<vmem>>, %arg21: memref<4x!tpu.dma_semaphore, #tpu.memory_space<semaphore_mem>>, %arg22: memref<4x!tpu.dma_semaphore, #tpu.memory_space<semaphore_mem>>) attributes {dimension_semantics = [#tpu.dimension_semantics<arbitrary>], iteration_bounds = array<i64: 128>, scalar_prefetch = 12 : i64, scratch_operands = 5 : i64, tpu.core_type = #tpu.core_type<tc>, window_params = [{pipeline_mode = #tpu.pipeline_mode<synchronous>, transform_indices = @transform_0, window_bounds = array<i64: 2048, 768>}, {}, {}, {transform_indices = @transform_3, window_bounds = array<i64: 1, 64, 128>}, {transform_indices = @transform_4, window_bounds = array<i64: 64, 768>}]} {
    %get3A = arith.index_cast %arg0 : i32 to index
    %get3A_0 = memref.load %arg6[%get3A] : memref<128xi32, #tpu.memory_space<smem>>
    %eq3A = arith.constant 0 : i32
    %eq3A_1 = arith.cmpi eq, %arg0, %eq3A : i32
    %convert_element_type3A = arith.extui %eq3A_1 : i1 to i32
    %cond3A = arith.constant 0 : i32
    %cond3A_2 = arith.cmpi ne, %convert_element_type3A, %cond3A : i32
    scf.if %cond3A_2 {
      %get3A_16 = arith.constant 0 : index
      %get3A_17 = memref.load %arg1[%get3A_16] : memref<128xi32, #tpu.memory_space<smem>>
      %dma_start3A = arith.constant 0 : i32
      %dma_start3A_18 = arith.constant 0 : i32
      %dma_start3A_19 = tpu.memref_slice %arg21[%dma_start3A_18] : memref<4x!tpu.dma_semaphore, #tpu.memory_space<semaphore_mem>> -> memref<1x!tpu.dma_semaphore, #tpu.memory_space<semaphore_mem>>
      %dma_start3A_20 = tpu.memref_squeeze %dma_start3A_19 : memref<1x!tpu.dma_semaphore, #tpu.memory_space<semaphore_mem>> -> memref<!tpu.dma_semaphore, #tpu.memory_space<semaphore_mem>>
      %dma_start3A_21 = arith.constant 0 : i32
      %dma_start3A_22 = arith.constant 0 : i32
      %dma_start3A_23 = tpu.memref_slice %arg19[%dma_start3A, %dma_start3A_21, %dma_start3A_22] : memref<4x1024x768xf32, #tpu.memory_space<vmem>> -> memref<1x1024x768xf32, #tpu.memory_space<vmem>>
      %dma_start3A_24 = tpu.memref_squeeze %dma_start3A_23 : memref<1x1024x768xf32, #tpu.memory_space<vmem>> -> memref<1024x768xf32, #tpu.memory_space<vmem>>
      %dma_start3A_25 = arith.constant 0 : i32
      %dma_start3A_26 = arith.constant 0 : i32
      %dma_start3A_27 = tpu.memref_slice %arg14[%get3A_17, %dma_start3A_25, %dma_start3A_26] : memref<64x1024x768xf32, #tpu.memory_space<any>> -> memref<1x1024x768xf32, #tpu.memory_space<any>>
      %dma_start3A_28 = tpu.memref_squeeze %dma_start3A_27 : memref<1x1024x768xf32, #tpu.memory_space<any>> -> memref<1024x768xf32, #tpu.memory_space<any>>
      tpu.enqueue_dma source(%dma_start3A_28 : memref<1024x768xf32, #tpu.memory_space<any>>) target(%dma_start3A_24 : memref<1024x768xf32, #tpu.memory_space<vmem>>) target_semaphore(%dma_start3A_20 : memref<!tpu.dma_semaphore, #tpu.memory_space<semaphore_mem>>)
      %dma_start3A_29 = arith.constant 0 : i32
      %dma_start3A_30 = arith.constant 0 : i32
      %dma_start3A_31 = tpu.memref_slice %arg22[%dma_start3A_30] : memref<4x!tpu.dma_semaphore, #tpu.memory_space<semaphore_mem>> -> memref<1x!tpu.dma_semaphore, #tpu.memory_space<semaphore_mem>>
      %dma_start3A_32 = tpu.memref_squeeze %dma_start3A_31 : memref<1x!tpu.dma_semaphore, #tpu.memory_space<semaphore_mem>> -> memref<!tpu.dma_semaphore, #tpu.memory_space<semaphore_mem>>
      %dma_start3A_33 = arith.constant 0 : i32
      %dma_start3A_34 = arith.constant 0 : i32
      %dma_start3A_35 = tpu.memref_slice %arg20[%dma_start3A_29, %dma_start3A_33, %dma_start3A_34] : memref<4x768x512xf32, #tpu.memory_space<vmem>> -> memref<1x768x512xf32, #tpu.memory_space<vmem>>
      %dma_start3A_36 = tpu.memref_squeeze %dma_start3A_35 : memref<1x768x512xf32, #tpu.memory_space<vmem>> -> memref<768x512xf32, #tpu.memory_space<vmem>>
      %dma_start3A_37 = arith.constant 0 : i32
      %dma_start3A_38 = arith.constant 0 : i32
      %dma_start3A_39 = tpu.memref_slice %arg15[%get3A_17, %dma_start3A_37, %dma_start3A_38] : memref<64x768x512xf32, #tpu.memory_space<any>> -> memref<1x768x512xf32, #tpu.memory_space<any>>
      %dma_start3A_40 = tpu.memref_squeeze %dma_start3A_39 : memref<1x768x512xf32, #tpu.memory_space<any>> -> memref<768x512xf32, #tpu.memory_space<any>>
      tpu.enqueue_dma source(%dma_start3A_40 : memref<768x512xf32, #tpu.memory_space<any>>) target(%dma_start3A_36 : memref<768x512xf32, #tpu.memory_space<vmem>>) target_semaphore(%dma_start3A_32 : memref<!tpu.dma_semaphore, #tpu.memory_space<semaphore_mem>>)
      %get3A_41 = arith.constant 0 : index
      %get3A_42 = memref.load %arg9[%get3A_41] : memref<128xi32, #tpu.memory_space<smem>>
      %gt3A_43 = arith.constant 0 : i32
      %gt3A_44 = arith.cmpi sgt, %get3A_42, %gt3A_43 : i32
      %convert_element_type3A_45 = arith.extui %gt3A_44 : i1 to i32
      %cond3A_46 = arith.constant 0 : i32
      %cond3A_47 = arith.cmpi ne, %convert_element_type3A_45, %cond3A_46 : i32
      scf.if %cond3A_47 {
        %get3A_758 = arith.constant 0 : index
        %get3A_759 = memref.load %arg10[%get3A_758] : memref<128xi32, #tpu.memory_space<smem>>
        %dma_start3A_760 = arith.constant 1 : i32
        %dma_start3A_761 = arith.constant 1 : i32
        %dma_start3A_762 = tpu.memref_slice %arg21[%dma_start3A_761] : memref<4x!tpu.dma_semaphore, #tpu.memory_space<semaphore_mem>> -> memref<1x!tpu.dma_semaphore, #tpu.memory_space<semaphore_mem>>
        %dma_start3A_763 = tpu.memref_squeeze %dma_start3A_762 : memref<1x!tpu.dma_semaphore, #tpu.memory_space<semaphore_mem>> -> memref<!tpu.dma_semaphore, #tpu.memory_space<semaphore_mem>>
        %dma_start3A_764 = arith.constant 0 : i32
        %dma_start3A_765 = arith.constant 0 : i32
        %dma_start3A_766 = tpu.memref_slice %arg19[%dma_start3A_760, %dma_start3A_764, %dma_start3A_765] : memref<4x1024x768xf32, #tpu.memory_space<vmem>> -> memref<1x1024x768xf32, #tpu.memory_space<vmem>>
        %dma_start3A_767 = tpu.memref_squeeze %dma_start3A_766 : memref<1x1024x768xf32, #tpu.memory_space<vmem>> -> memref<1024x768xf32, #tpu.memory_space<vmem>>
        %dma_start3A_768 = arith.constant 0 : i32
        %dma_start3A_769 = arith.constant 0 : i32
        %dma_start3A_770 = tpu.memref_slice %arg14[%get3A_759, %dma_start3A_768, %dma_start3A_769] : memref<64x1024x768xf32, #tpu.memory_space<any>> -> memref<1x1024x768xf32, #tpu.memory_space<any>>
        %dma_start3A_771 = tpu.memref_squeeze %dma_start3A_770 : memref<1x1024x768xf32, #tpu.memory_space<any>> -> memref<1024x768xf32, #tpu.memory_space<any>>
        tpu.enqueue_dma source(%dma_start3A_771 : memref<1024x768xf32, #tpu.memory_space<any>>) target(%dma_start3A_767 : memref<1024x768xf32, #tpu.memory_space<vmem>>) target_semaphore(%dma_start3A_763 : memref<!tpu.dma_semaphore, #tpu.memory_space<semaphore_mem>>)
        %dma_start3A_772 = arith.constant 1 : i32
        %dma_start3A_773 = arith.constant 1 : i32
        %dma_start3A_774 = tpu.memref_slice %arg22[%dma_start3A_773] : memref<4x!tpu.dma_semaphore, #tpu.memory_space<semaphore_mem>> -> memref<1x!tpu.dma_semaphore, #tpu.memory_space<semaphore_mem>>
        %dma_start3A_775 = tpu.memref_squeeze %dma_start3A_774 : memref<1x!tpu.dma_semaphore, #tpu.memory_space<semaphore_mem>> -> memref<!tpu.dma_semaphore, #tpu.memory_space<semaphore_mem>>
        %dma_start3A_776 = arith.constant 0 : i32
        %dma_start3A_777 = arith.constant 0 : i32
        %dma_start3A_778 = tpu.memref_slice %arg20[%dma_start3A_772, %dma_start3A_776, %dma_start3A_777] : memref<4x768x512xf32, #tpu.memory_space<vmem>> -> memref<1x768x512xf32, #tpu.memory_space<vmem>>
        %dma_start3A_779 = tpu.memref_squeeze %dma_start3A_778 : memref<1x768x512xf32, #tpu.memory_space<vmem>> -> memref<768x512xf32, #tpu.memory_space<vmem>>
        %dma_start3A_780 = arith.constant 0 : i32
        %dma_start3A_781 = arith.constant 0 : i32
        %dma_start3A_782 = tpu.memref_slice %arg15[%get3A_759, %dma_start3A_780, %dma_start3A_781] : memref<64x768x512xf32, #tpu.memory_space<any>> -> memref<1x768x512xf32, #tpu.memory_space<any>>
        %dma_start3A_783 = tpu.memref_squeeze %dma_start3A_782 : memref<1x768x512xf32, #tpu.memory_space<any>> -> memref<768x512xf32, #tpu.memory_space<any>>
        tpu.enqueue_dma source(%dma_start3A_783 : memref<768x512xf32, #tpu.memory_space<any>>) target(%dma_start3A_779 : memref<768x512xf32, #tpu.memory_space<vmem>>) target_semaphore(%dma_start3A_775 : memref<!tpu.dma_semaphore, #tpu.memory_space<semaphore_mem>>)
      } else {
      }
      %get3A_48 = arith.constant 0 : index
      %get3A_49 = memref.load %arg11[%get3A_48] : memref<128xi32, #tpu.memory_space<smem>>
      %gt3A_50 = arith.constant 0 : i32
      %gt3A_51 = arith.cmpi sgt, %get3A_49, %gt3A_50 : i32
      %convert_element_type3A_52 = arith.extui %gt3A_51 : i1 to i32
      %cond3A_53 = arith.constant 0 : i32
      %cond3A_54 = arith.cmpi ne, %convert_element_type3A_52, %cond3A_53 : i32
      scf.if %cond3A_54 {
        %get3A_758 = arith.constant 0 : index
        %get3A_759 = memref.load %arg12[%get3A_758] : memref<128xi32, #tpu.memory_space<smem>>
        %dma_start3A_760 = arith.constant 2 : i32
        %dma_start3A_761 = arith.constant 2 : i32
        %dma_start3A_762 = tpu.memref_slice %arg21[%dma_start3A_761] : memref<4x!tpu.dma_semaphore, #tpu.memory_space<semaphore_mem>> -> memref<1x!tpu.dma_semaphore, #tpu.memory_space<semaphore_mem>>
        %dma_start3A_763 = tpu.memref_squeeze %dma_start3A_762 : memref<1x!tpu.dma_semaphore, #tpu.memory_space<semaphore_mem>> -> memref<!tpu.dma_semaphore, #tpu.memory_space<semaphore_mem>>
        %dma_start3A_764 = arith.constant 0 : i32
        %dma_start3A_765 = arith.constant 0 : i32
        %dma_start3A_766 = tpu.memref_slice %arg19[%dma_start3A_760, %dma_start3A_764, %dma_start3A_765] : memref<4x1024x768xf32, #tpu.memory_space<vmem>> -> memref<1x1024x768xf32, #tpu.memory_space<vmem>>
        %dma_start3A_767 = tpu.memref_squeeze %dma_start3A_766 : memref<1x1024x768xf32, #tpu.memory_space<vmem>> -> memref<1024x768xf32, #tpu.memory_space<vmem>>
        %dma_start3A_768 = arith.constant 0 : i32
        %dma_start3A_769 = arith.constant 0 : i32
        %dma_start3A_770 = tpu.memref_slice %arg14[%get3A_759, %dma_start3A_768, %dma_start3A_769] : memref<64x1024x768xf32, #tpu.memory_space<any>> -> memref<1x1024x768xf32, #tpu.memory_space<any>>
        %dma_start3A_771 = tpu.memref_squeeze %dma_start3A_770 : memref<1x1024x768xf32, #tpu.memory_space<any>> -> memref<1024x768xf32, #tpu.memory_space<any>>
        tpu.enqueue_dma source(%dma_start3A_771 : memref<1024x768xf32, #tpu.memory_space<any>>) target(%dma_start3A_767 : memref<1024x768xf32, #tpu.memory_space<vmem>>) target_semaphore(%dma_start3A_763 : memref<!tpu.dma_semaphore, #tpu.memory_space<semaphore_mem>>)
        %dma_start3A_772 = arith.constant 2 : i32
        %dma_start3A_773 = arith.constant 2 : i32
        %dma_start3A_774 = tpu.memref_slice %arg22[%dma_start3A_773] : memref<4x!tpu.dma_semaphore, #tpu.memory_space<semaphore_mem>> -> memref<1x!tpu.dma_semaphore, #tpu.memory_space<semaphore_mem>>
        %dma_start3A_775 = tpu.memref_squeeze %dma_start3A_774 : memref<1x!tpu.dma_semaphore, #tpu.memory_space<semaphore_mem>> -> memref<!tpu.dma_semaphore, #tpu.memory_space<semaphore_mem>>
        %dma_start3A_776 = arith.constant 0 : i32
        %dma_start3A_777 = arith.constant 0 : i32
        %dma_start3A_778 = tpu.memref_slice %arg20[%dma_start3A_772, %dma_start3A_776, %dma_start3A_777] : memref<4x768x512xf32, #tpu.memory_space<vmem>> -> memref<1x768x512xf32, #tpu.memory_space<vmem>>
        %dma_start3A_779 = tpu.memref_squeeze %dma_start3A_778 : memref<1x768x512xf32, #tpu.memory_space<vmem>> -> memref<768x512xf32, #tpu.memory_space<vmem>>
        %dma_start3A_780 = arith.constant 0 : i32
        %dma_start3A_781 = arith.constant 0 : i32
        %dma_start3A_782 = tpu.memref_slice %arg15[%get3A_759, %dma_start3A_780, %dma_start3A_781] : memref<64x768x512xf32, #tpu.memory_space<any>> -> memref<1x768x512xf32, #tpu.memory_space<any>>
        %dma_start3A_783 = tpu.memref_squeeze %dma_start3A_782 : memref<1x768x512xf32, #tpu.memory_space<any>> -> memref<768x512xf32, #tpu.memory_space<any>>
        tpu.enqueue_dma source(%dma_start3A_783 : memref<768x512xf32, #tpu.memory_space<any>>) target(%dma_start3A_779 : memref<768x512xf32, #tpu.memory_space<vmem>>) target_semaphore(%dma_start3A_775 : memref<!tpu.dma_semaphore, #tpu.memory_space<semaphore_mem>>)
      } else {
      }
      %get3A_55 = arith.constant 0 : index
      %get3A_56 = memref.load %arg4[%get3A_55] : memref<8192xi32, #tpu.memory_space<smem>>
      %get3A_57 = arith.index_cast %get3A_56 : i32 to index
      %get3A_58 = arith.constant 0 : index
      %get3A_59 = vector.load %arg13[%get3A_57, %get3A_58] : memref<2048x768xf32, #tpu.memory_space<vmem>>, vector<1x768xf32>
      %swap3A = arith.constant 0 : index
      %swap3A_60 = arith.constant 0 : index
      %swap3A_61 = arith.constant 0 : index
      %swap3A_62 = vector.load %arg18[%swap3A, %swap3A_60, %swap3A_61] : memref<2x64x768xf32, #tpu.memory_space<vmem>>, vector<1x1x768xf32>
      %swap3A_63 = vector.shape_cast %swap3A_62 : vector<1x1x768xf32> to vector<1x768xf32>
      %swap3A_64 = vector.shape_cast %get3A_59 : vector<1x768xf32> to vector<1x1x768xf32>
      tpu.vector_store %arg18[%swap3A, %swap3A_60, %swap3A_61], %swap3A_64 {strides = array<i32>} : memref<2x64x768xf32, #tpu.memory_space<vmem>>, vector<1x1x768xf32>,
      %get3A_65 = arith.constant 1 : index
      %get3A_66 = memref.load %arg4[%get3A_65] : memref<8192xi32, #tpu.memory_space<smem>>
      %get3A_67 = arith.index_cast %get3A_66 : i32 to index
      %get3A_68 = arith.constant 0 : index
      %get3A_69 = vector.load %arg13[%get3A_67, %get3A_68] : memref<2048x768xf32, #tpu.memory_space<vmem>>, vector<1x768xf32>
      %swap3A_70 = arith.constant 0 : index
      %swap3A_71 = arith.constant 1 : index
      %swap3A_72 = arith.constant 0 : index
      %swap3A_73 = vector.load %arg18[%swap3A_70, %swap3A_71, %swap3A_72] : memref<2x64x768xf32, #tpu.memory_space<vmem>>, vector<1x1x768xf32>
      %swap3A_74 = vector.shape_cast %swap3A_73 : vector<1x1x768xf32> to vector<1x768xf32>
      %swap3A_75 = vector.shape_cast %get3A_69 : vector<1x768xf32> to vector<1x1x768xf32>
      tpu.vector_store %arg18[%swap3A_70, %swap3A_71, %swap3A_72], %swap3A_75 {strides = array<i32>} : memref<2x64x768xf32, #tpu.memory_space<vmem>>, vector<1x1x768xf32>,
      %get3A_76 = arith.constant 2 : index
      %get3A_77 = memref.load %arg4[%get3A_76] : memref<8192xi32, #tpu.memory_space<smem>>
      %get3A_78 = arith.index_cast %get3A_77 : i32 to index
      %get3A_79 = arith.constant 0 : index
      %get3A_80 = vector.load %arg13[%get3A_78, %get3A_79] : memref<2048x768xf32, #tpu.memory_space<vmem>>, vector<1x768xf32>
      %swap3A_81 = arith.constant 0 : index
      %swap3A_82 = arith.constant 2 : index
      %swap3A_83 = arith.constant 0 : index
      %swap3A_84 = vector.load %arg18[%swap3A_81, %swap3A_82, %swap3A_83] : memref<2x64x768xf32, #tpu.memory_space<vmem>>, vector<1x1x768xf32>
      %swap3A_85 = vector.shape_cast %swap3A_84 : vector<1x1x768xf32> to vector<1x768xf32>
      %swap3A_86 = vector.shape_cast %get3A_80 : vector<1x768xf32> to vector<1x1x768xf32>
      tpu.vector_store %arg18[%swap3A_81, %swap3A_82, %swap3A_83], %swap3A_86 {strides = array<i32>} : memref<2x64x768xf32, #tpu.memory_space<vmem>>, vector<1x1x768xf32>,
      %get3A_87 = arith.constant 3 : index
      %get3A_88 = memref.load %arg4[%get3A_87] : memref<8192xi32, #tpu.memory_space<smem>>
      %get3A_89 = arith.index_cast %get3A_88 : i32 to index
      %get3A_90 = arith.constant 0 : index
      %get3A_91 = vector.load %arg13[%get3A_89, %get3A_90] : memref<2048x768xf32, #tpu.memory_space<vmem>>, vector<1x768xf32>
      %swap3A_92 = arith.constant 0 : index
      %swap3A_93 = arith.constant 3 : index
      %swap3A_94 = arith.constant 0 : index
      %swap3A_95 = vector.load %arg18[%swap3A_92, %swap3A_93, %swap3A_94] : memref<2x64x768xf32, #tpu.memory_space<vmem>>, vector<1x1x768xf32>
      %swap3A_96 = vector.shape_cast %swap3A_95 : vector<1x1x768xf32> to vector<1x768xf32>
      %swap3A_97 = vector.shape_cast %get3A_91 : vector<1x768xf32> to vector<1x1x768xf32>
      tpu.vector_store %arg18[%swap3A_92, %swap3A_93, %swap3A_94], %swap3A_97 {strides = array<i32>} : memref<2x64x768xf32, #tpu.memory_space<vmem>>, vector<1x1x768xf32>,
      %get3A_98 = arith.constant 4 : index
      %get3A_99 = memref.load %arg4[%get3A_98] : memref<8192xi32, #tpu.memory_space<smem>>
      %get3A_100 = arith.index_cast %get3A_99 : i32 to index
      %get3A_101 = arith.constant 0 : index
      %get3A_102 = vector.load %arg13[%get3A_100, %get3A_101] : memref<2048x768xf32, #tpu.memory_space<vmem>>, vector<1x768xf32>
      %swap3A_103 = arith.constant 0 : index
      %swap3A_104 = arith.constant 4 : index
      %swap3A_105 = arith.constant 0 : index
      %swap3A_106 = vector.load %arg18[%swap3A_103, %swap3A_104, %swap3A_105] : memref<2x64x768xf32, #tpu.memory_space<vmem>>, vector<1x1x768xf32>
      %swap3A_107 = vector.shape_cast %swap3A_106 : vector<1x1x768xf32> to vector<1x768xf32>
      %swap3A_108 = vector.shape_cast %get3A_102 : vector<1x768xf32> to vector<1x1x768xf32>
      tpu.vector_store %arg18[%swap3A_103, %swap3A_104, %swap3A_105], %swap3A_108 {strides = array<i32>} : memref<2x64x768xf32, #tpu.memory_space<vmem>>, vector<1x1x768xf32>,
      %get3A_109 = arith.constant 5 : index
      %get3A_110 = memref.load %arg4[%get3A_109] : memref<8192xi32, #tpu.memory_space<smem>>
      %get3A_111 = arith.index_cast %get3A_110 : i32 to index
      %get3A_112 = arith.constant 0 : index
      %get3A_113 = vector.load %arg13[%get3A_111, %get3A_112] : memref<2048x768xf32, #tpu.memory_space<vmem>>, vector<1x768xf32>
      %swap3A_114 = arith.constant 0 : index
      %swap3A_115 = arith.constant 5 : index
      %swap3A_116 = arith.constant 0 : index
      %swap3A_117 = vector.load %arg18[%swap3A_114, %swap3A_115, %swap3A_116] : memref<2x64x768xf32, #tpu.memory_space<vmem>>, vector<1x1x768xf32>
      %swap3A_118 = vector.shape_cast %swap3A_117 : vector<1x1x768xf32> to vector<1x768xf32>
      %swap3A_119 = vector.shape_cast %get3A_113 : vector<1x768xf32> to vector<1x1x768xf32>
      tpu.vector_store %arg18[%swap3A_114, %swap3A_115, %swap3A_116], %swap3A_119 {strides = array<i32>} : memref<2x64x768xf32, #tpu.memory_space<vmem>>, vector<1x1x768xf32>,
      %get3A_120 = arith.constant 6 : index
      %get3A_121 = memref.load %arg4[%get3A_120] : memref<8192xi32, #tpu.memory_space<smem>>
      %get3A_122 = arith.index_cast %get3A_121 : i32 to index
      %get3A_123 = arith.constant 0 : index
      %get3A_124 = vector.load %arg13[%get3A_122, %get3A_123] : memref<2048x768xf32, #tpu.memory_space<vmem>>, vector<1x768xf32>
      %swap3A_125 = arith.constant 0 : index
      %swap3A_126 = arith.constant 6 : index
      %swap3A_127 = arith.constant 0 : index
      %swap3A_128 = vector.load %arg18[%swap3A_125, %swap3A_126, %swap3A_127] : memref<2x64x768xf32, #tpu.memory_space<vmem>>, vector<1x1x768xf32>
      %swap3A_129 = vector.shape_cast %swap3A_128 : vector<1x1x768xf32> to vector<1x768xf32>
      %swap3A_130 = vector.shape_cast %get3A_124 : vector<1x768xf32> to vector<1x1x768xf32>
      tpu.vector_store %arg18[%swap3A_125, %swap3A_126, %swap3A_127], %swap3A_130 {strides = array<i32>} : memref<2x64x768xf32, #tpu.memory_space<vmem>>, vector<1x1x768xf32>,
      %get3A_131 = arith.constant 7 : index
      %get3A_132 = memref.load %arg4[%get3A_131] : memref<8192xi32, #tpu.memory_space<smem>>
      %get3A_133 = arith.index_cast %get3A_132 : i32 to index
      %get3A_134 = arith.constant 0 : index
      %get3A_135 = vector.load %arg13[%get3A_133, %get3A_134] : memref<2048x768xf32, #tpu.memory_space<vmem>>, vector<1x768xf32>
      %swap3A_136 = arith.constant 0 : index
      %swap3A_137 = arith.constant 7 : index
      %swap3A_138 = arith.constant 0 : index
      %swap3A_139 = vector.load %arg18[%swap3A_136, %swap3A_137, %swap3A_138] : memref<2x64x768xf32, #tpu.memory_space<vmem>>, vector<1x1x768xf32>
      %swap3A_140 = vector.shape_cast %swap3A_139 : vector<1x1x768xf32> to vector<1x768xf32>
      %swap3A_141 = vector.shape_cast %get3A_135 : vector<1x768xf32> to vector<1x1x768xf32>
      tpu.vector_store %arg18[%swap3A_136, %swap3A_137, %swap3A_138], %swap3A_141 {strides = array<i32>} : memref<2x64x768xf32, #tpu.memory_space<vmem>>, vector<1x1x768xf32>,
      %get3A_142 = arith.constant 8 : index
      %get3A_143 = memref.load %arg4[%get3A_142] : memref<8192xi32, #tpu.memory_space<smem>>
      %get3A_144 = arith.index_cast %get3A_143 : i32 to index
      %get3A_145 = arith.constant 0 : index
      %get3A_146 = vector.load %arg13[%get3A_144, %get3A_145] : memref<2048x768xf32, #tpu.memory_space<vmem>>, vector<1x768xf32>
      %swap3A_147 = arith.constant 0 : index
      %swap3A_148 = arith.constant 8 : index
      %swap3A_149 = arith.constant 0 : index
      %swap3A_150 = vector.load %arg18[%swap3A_147, %swap3A_148, %swap3A_149] : memref<2x64x768xf32, #tpu.memory_space<vmem>>, vector<1x1x768xf32>
      %swap3A_151 = vector.shape_cast %swap3A_150 : vector<1x1x768xf32> to vector<1x768xf32>
      %swap3A_152 = vector.shape_cast %get3A_146 : vector<1x768xf32> to vector<1x1x768xf32>
      tpu.vector_store %arg18[%swap3A_147, %swap3A_148, %swap3A_149], %swap3A_152 {strides = array<i32>} : memref<2x64x768xf32, #tpu.memory_space<vmem>>, vector<1x1x768xf32>,
      %get3A_153 = arith.constant 9 : index
      %get3A_154 = memref.load %arg4[%get3A_153] : memref<8192xi32, #tpu.memory_space<smem>>
      %get3A_155 = arith.index_cast %get3A_154 : i32 to index
      %get3A_156 = arith.constant 0 : index
      %get3A_157 = vector.load %arg13[%get3A_155, %get3A_156] : memref<2048x768xf32, #tpu.memory_space<vmem>>, vector<1x768xf32>
      %swap3A_158 = arith.constant 0 : index
      %swap3A_159 = arith.constant 9 : index
      %swap3A_160 = arith.constant 0 : index
      %swap3A_161 = vector.load %arg18[%swap3A_158, %swap3A_159, %swap3A_160] : memref<2x64x768xf32, #tpu.memory_space<vmem>>, vector<1x1x768xf32>
      %swap3A_162 = vector.shape_cast %swap3A_161 : vector<1x1x768xf32> to vector<1x768xf32>
      %swap3A_163 = vector.shape_cast %get3A_157 : vector<1x768xf32> to vector<1x1x768xf32>
      tpu.vector_store %arg18[%swap3A_158, %swap3A_159, %swap3A_160], %swap3A_163 {strides = array<i32>} : memref<2x64x768xf32, #tpu.memory_space<vmem>>, vector<1x1x768xf32>,
      %get3A_164 = arith.constant 10 : index
      %get3A_165 = memref.load %arg4[%get3A_164] : memref<8192xi32, #tpu.memory_space<smem>>
      %get3A_166 = arith.index_cast %get3A_165 : i32 to index
      %get3A_167 = arith.constant 0 : index
      %get3A_168 = vector.load %arg13[%get3A_166, %get3A_167] : memref<2048x768xf32, #tpu.memory_space<vmem>>, vector<1x768xf32>
      %swap3A_169 = arith.constant 0 : index
      %swap3A_170 = arith.constant 10 : index
      %swap3A_171 = arith.constant 0 : index
      %swap3A_172 = vector.load %arg18[%swap3A_169, %swap3A_170, %swap3A_171] : memref<2x64x768xf32, #tpu.memory_space<vmem>>, vector<1x1x768xf32>
      %swap3A_173 = vector.shape_cast %swap3A_172 : vector<1x1x768xf32> to vector<1x768xf32>
      %swap3A_174 = vector.shape_cast %get3A_168 : vector<1x768xf32> to vector<1x1x768xf32>
      tpu.vector_store %arg18[%swap3A_169, %swap3A_170, %swap3A_171], %swap3A_174 {strides = array<i32>} : memref<2x64x768xf32, #tpu.memory_space<vmem>>, vector<1x1x768xf32>,
      %get3A_175 = arith.constant 11 : index
      %get3A_176 = memref.load %arg4[%get3A_175] : memref<8192xi32, #tpu.memory_space<smem>>
      %get3A_177 = arith.index_cast %get3A_176 : i32 to index
      %get3A_178 = arith.constant 0 : index
      %get3A_179 = vector.load %arg13[%get3A_177, %get3A_178] : memref<2048x768xf32, #tpu.memory_space<vmem>>, vector<1x768xf32>
      %swap3A_180 = arith.constant 0 : index
      %swap3A_181 = arith.constant 11 : index
      %swap3A_182 = arith.constant 0 : index
      %swap3A_183 = vector.load %arg18[%swap3A_180, %swap3A_181, %swap3A_182] : memref<2x64x768xf32, #tpu.memory_space<vmem>>, vector<1x1x768xf32>
      %swap3A_184 = vector.shape_cast %swap3A_183 : vector<1x1x768xf32> to vector<1x768xf32>
      %swap3A_185 = vector.shape_cast %get3A_179 : vector<1x768xf32> to vector<1x1x768xf32>
      tpu.vector_store %arg18[%swap3A_180, %swap3A_181, %swap3A_182], %swap3A_185 {strides = array<i32>} : memref<2x64x768xf32, #tpu.memory_space<vmem>>, vector<1x1x768xf32>,
      %get3A_186 = arith.constant 12 : index
      %get3A_187 = memref.load %arg4[%get3A_186] : memref<8192xi32, #tpu.memory_space<smem>>
      %get3A_188 = arith.index_cast %get3A_187 : i32 to index
      %get3A_189 = arith.constant 0 : index
      %get3A_190 = vector.load %arg13[%get3A_188, %get3A_189] : memref<2048x768xf32, #tpu.memory_space<vmem>>, vector<1x768xf32>
      %swap3A_191 = arith.constant 0 : index
      %swap3A_192 = arith.constant 12 : index
      %swap3A_193 = arith.constant 0 : index
      %swap3A_194 = vector.load %arg18[%swap3A_191, %swap3A_192, %swap3A_193] : memref<2x64x768xf32, #tpu.memory_space<vmem>>, vector<1x1x768xf32>
      %swap3A_195 = vector.shape_cast %swap3A_194 : vector<1x1x768xf32> to vector<1x768xf32>
      %swap3A_196 = vector.shape_cast %get3A_190 : vector<1x768xf32> to vector<1x1x768xf32>
      tpu.vector_store %arg18[%swap3A_191, %swap3A_192, %swap3A_193], %swap3A_196 {strides = array<i32>} : memref<2x64x768xf32, #tpu.memory_space<vmem>>, vector<1x1x768xf32>,
      %get3A_197 = arith.constant 13 : index
      %get3A_198 = memref.load %arg4[%get3A_197] : memref<8192xi32, #tpu.memory_space<smem>>
      %get3A_199 = arith.index_cast %get3A_198 : i32 to index
      %get3A_200 = arith.constant 0 : index
      %get3A_201 = vector.load %arg13[%get3A_199, %get3A_200] : memref<2048x768xf32, #tpu.memory_space<vmem>>, vector<1x768xf32>
      %swap3A_202 = arith.constant 0 : index
      %swap3A_203 = arith.constant 13 : index
      %swap3A_204 = arith.constant 0 : index
      %swap3A_205 = vector.load %arg18[%swap3A_202, %swap3A_203, %swap3A_204] : memref<2x64x768xf32, #tpu.memory_space<vmem>>, vector<1x1x768xf32>
      %swap3A_206 = vector.shape_cast %swap3A_205 : vector<1x1x768xf32> to vector<1x768xf32>
      %swap3A_207 = vector.shape_cast %get3A_201 : vector<1x768xf32> to vector<1x1x768xf32>
      tpu.vector_store %arg18[%swap3A_202, %swap3A_203, %swap3A_204], %swap3A_207 {strides = array<i32>} : memref<2x64x768xf32, #tpu.memory_space<vmem>>, vector<1x1x768xf32>,
      %get3A_208 = arith.constant 14 : index
      %get3A_209 = memref.load %arg4[%get3A_208] : memref<8192xi32, #tpu.memory_space<smem>>
      %get3A_210 = arith.index_cast %get3A_209 : i32 to index
      %get3A_211 = arith.constant 0 : index
      %get3A_212 = vector.load %arg13[%get3A_210, %get3A_211] : memref<2048x768xf32, #tpu.memory_space<vmem>>, vector<1x768xf32>
      %swap3A_213 = arith.constant 0 : index
      %swap3A_214 = arith.constant 14 : index
      %swap3A_215 = arith.constant 0 : index
      %swap3A_216 = vector.load %arg18[%swap3A_213, %swap3A_214, %swap3A_215] : memref<2x64x768xf32, #tpu.memory_space<vmem>>, vector<1x1x768xf32>
      %swap3A_217 = vector.shape_cast %swap3A_216 : vector<1x1x768xf32> to vector<1x768xf32>
      %swap3A_218 = vector.shape_cast %get3A_212 : vector<1x768xf32> to vector<1x1x768xf32>
      tpu.vector_store %arg18[%swap3A_213, %swap3A_214, %swap3A_215], %swap3A_218 {strides = array<i32>} : memref<2x64x768xf32, #tpu.memory_space<vmem>>, vector<1x1x768xf32>,
      %get3A_219 = arith.constant 15 : index
      %get3A_220 = memref.load %arg4[%get3A_219] : memref<8192xi32, #tpu.memory_space<smem>>
      %get3A_221 = arith.index_cast %get3A_220 : i32 to index
      %get3A_222 = arith.constant 0 : index
      %get3A_223 = vector.load %arg13[%get3A_221, %get3A_222] : memref<2048x768xf32, #tpu.memory_space<vmem>>, vector<1x768xf32>
      %swap3A_224 = arith.constant 0 : index
      %swap3A_225 = arith.constant 15 : index
      %swap3A_226 = arith.constant 0 : index
      %swap3A_227 = vector.load %arg18[%swap3A_224, %swap3A_225, %swap3A_226] : memref<2x64x768xf32, #tpu.memory_space<vmem>>, vector<1x1x768xf32>
      %swap3A_228 = vector.shape_cast %swap3A_227 : vector<1x1x768xf32> to vector<1x768xf32>
      %swap3A_229 = vector.shape_cast %get3A_223 : vector<1x768xf32> to vector<1x1x768xf32>
      tpu.vector_store %arg18[%swap3A_224, %swap3A_225, %swap3A_226], %swap3A_229 {strides = array<i32>} : memref<2x64x768xf32, #tpu.memory_space<vmem>>, vector<1x1x768xf32>,
      %get3A_230 = arith.constant 16 : index
      %get3A_231 = memref.load %arg4[%get3A_230] : memref<8192xi32, #tpu.memory_space<smem>>
      %get3A_232 = arith.index_cast %get3A_231 : i32 to index
      %get3A_233 = arith.constant 0 : index
      %get3A_234 = vector.load %arg13[%get3A_232, %get3A_233] : memref<2048x768xf32, #tpu.memory_space<vmem>>, vector<1x768xf32>
      %swap3A_235 = arith.constant 0 : index
      %swap3A_236 = arith.constant 16 : index
      %swap3A_237 = arith.constant 0 : index
      %swap3A_238 = vector.load %arg18[%swap3A_235, %swap3A_236, %swap3A_237] : memref<2x64x768xf32, #tpu.memory_space<vmem>>, vector<1x1x768xf32>
      %swap3A_239 = vector.shape_cast %swap3A_238 : vector<1x1x768xf32> to vector<1x768xf32>
      %swap3A_240 = vector.shape_cast %get3A_234 : vector<1x768xf32> to vector<1x1x768xf32>
      tpu.vector_store %arg18[%swap3A_235, %swap3A_236, %swap3A_237], %swap3A_240 {strides = array<i32>} : memref<2x64x768xf32, #tpu.memory_space<vmem>>, vector<1x1x768xf32>,
      %get3A_241 = arith.constant 17 : index
      %get3A_242 = memref.load %arg4[%get3A_241] : memref<8192xi32, #tpu.memory_space<smem>>
      %get3A_243 = arith.index_cast %get3A_242 : i32 to index
      %get3A_244 = arith.constant 0 : index
      %get3A_245 = vector.load %arg13[%get3A_243, %get3A_244] : memref<2048x768xf32, #tpu.memory_space<vmem>>, vector<1x768xf32>
      %swap3A_246 = arith.constant 0 : index
      %swap3A_247 = arith.constant 17 : index
      %swap3A_248 = arith.constant 0 : index
      %swap3A_249 = vector.load %arg18[%swap3A_246, %swap3A_247, %swap3A_248] : memref<2x64x768xf32, #tpu.memory_space<vmem>>, vector<1x1x768xf32>
      %swap3A_250 = vector.shape_cast %swap3A_249 : vector<1x1x768xf32> to vector<1x768xf32>
      %swap3A_251 = vector.shape_cast %get3A_245 : vector<1x768xf32> to vector<1x1x768xf32>
      tpu.vector_store %arg18[%swap3A_246, %swap3A_247, %swap3A_248], %swap3A_251 {strides = array<i32>} : memref<2x64x768xf32, #tpu.memory_space<vmem>>, vector<1x1x768xf32>,
      %get3A_252 = arith.constant 18 : index
      %get3A_253 = memref.load %arg4[%get3A_252] : memref<8192xi32, #tpu.memory_space<smem>>
      %get3A_254 = arith.index_cast %get3A_253 : i32 to index
      %get3A_255 = arith.constant 0 : index
      %get3A_256 = vector.load %arg13[%get3A_254, %get3A_255] : memref<2048x768xf32, #tpu.memory_space<vmem>>, vector<1x768xf32>
      %swap3A_257 = arith.constant 0 : index
      %swap3A_258 = arith.constant 18 : index
      %swap3A_259 = arith.constant 0 : index
      %swap3A_260 = vector.load %arg18[%swap3A_257, %swap3A_258, %swap3A_259] : memref<2x64x768xf32, #tpu.memory_space<vmem>>, vector<1x1x768xf32>
      %swap3A_261 = vector.shape_cast %swap3A_260 : vector<1x1x768xf32> to vector<1x768xf32>
      %swap3A_262 = vector.shape_cast %get3A_256 : vector<1x768xf32> to vector<1x1x768xf32>
      tpu.vector_store %arg18[%swap3A_257, %swap3A_258, %swap3A_259], %swap3A_262 {strides = array<i32>} : memref<2x64x768xf32, #tpu.memory_space<vmem>>, vector<1x1x768xf32>,
      %get3A_263 = arith.constant 19 : index
      %get3A_264 = memref.load %arg4[%get3A_263] : memref<8192xi32, #tpu.memory_space<smem>>
      %get3A_265 = arith.index_cast %get3A_264 : i32 to index
      %get3A_266 = arith.constant 0 : index
      %get3A_267 = vector.load %arg13[%get3A_265, %get3A_266] : memref<2048x768xf32, #tpu.memory_space<vmem>>, vector<1x768xf32>
      %swap3A_268 = arith.constant 0 : index
      %swap3A_269 = arith.constant 19 : index
      %swap3A_270 = arith.constant 0 : index
      %swap3A_271 = vector.load %arg18[%swap3A_268, %swap3A_269, %swap3A_270] : memref<2x64x768xf32, #tpu.memory_space<vmem>>, vector<1x1x768xf32>
      %swap3A_272 = vector.shape_cast %swap3A_271 : vector<1x1x768xf32> to vector<1x768xf32>
      %swap3A_273 = vector.shape_cast %get3A_267 : vector<1x768xf32> to vector<1x1x768xf32>
      tpu.vector_store %arg18[%swap3A_268, %swap3A_269, %swap3A_270], %swap3A_273 {strides = array<i32>} : memref<2x64x768xf32, #tpu.memory_space<vmem>>, vector<1x1x768xf32>,
      %get3A_274 = arith.constant 20 : index
      %get3A_275 = memref.load %arg4[%get3A_274] : memref<8192xi32, #tpu.memory_space<smem>>
      %get3A_276 = arith.index_cast %get3A_275 : i32 to index
      %get3A_277 = arith.constant 0 : index
      %get3A_278 = vector.load %arg13[%get3A_276, %get3A_277] : memref<2048x768xf32, #tpu.memory_space<vmem>>, vector<1x768xf32>
      %swap3A_279 = arith.constant 0 : index
      %swap3A_280 = arith.constant 20 : index
      %swap3A_281 = arith.constant 0 : index
      %swap3A_282 = vector.load %arg18[%swap3A_279, %swap3A_280, %swap3A_281] : memref<2x64x768xf32, #tpu.memory_space<vmem>>, vector<1x1x768xf32>
      %swap3A_283 = vector.shape_cast %swap3A_282 : vector<1x1x768xf32> to vector<1x768xf32>
      %swap3A_284 = vector.shape_cast %get3A_278 : vector<1x768xf32> to vector<1x1x768xf32>
      tpu.vector_store %arg18[%swap3A_279, %swap3A_280, %swap3A_281], %swap3A_284 {strides = array<i32>} : memref<2x64x768xf32, #tpu.memory_space<vmem>>, vector<1x1x768xf32>,
      %get3A_285 = arith.constant 21 : index
      %get3A_286 = memref.load %arg4[%get3A_285] : memref<8192xi32, #tpu.memory_space<smem>>
      %get3A_287 = arith.index_cast %get3A_286 : i32 to index
      %get3A_288 = arith.constant 0 : index
      %get3A_289 = vector.load %arg13[%get3A_287, %get3A_288] : memref<2048x768xf32, #tpu.memory_space<vmem>>, vector<1x768xf32>
      %swap3A_290 = arith.constant 0 : index
      %swap3A_291 = arith.constant 21 : index
      %swap3A_292 = arith.constant 0 : index
      %swap3A_293 = vector.load %arg18[%swap3A_290, %swap3A_291, %swap3A_292] : memref<2x64x768xf32, #tpu.memory_space<vmem>>, vector<1x1x768xf32>
      %swap3A_294 = vector.shape_cast %swap3A_293 : vector<1x1x768xf32> to vector<1x768xf32>
      %swap3A_295 = vector.shape_cast %get3A_289 : vector<1x768xf32> to vector<1x1x768xf32>
      tpu.vector_store %arg18[%swap3A_290, %swap3A_291, %swap3A_292], %swap3A_295 {strides = array<i32>} : memref<2x64x768xf32, #tpu.memory_space<vmem>>, vector<1x1x768xf32>,
      %get3A_296 = arith.constant 22 : index
      %get3A_297 = memref.load %arg4[%get3A_296] : memref<8192xi32, #tpu.memory_space<smem>>
      %get3A_298 = arith.index_cast %get3A_297 : i32 to index
      %get3A_299 = arith.constant 0 : index
      %get3A_300 = vector.load %arg13[%get3A_298, %get3A_299] : memref<2048x768xf32, #tpu.memory_space<vmem>>, vector<1x768xf32>
      %swap3A_301 = arith.constant 0 : index
      %swap3A_302 = arith.constant 22 : index
      %swap3A_303 = arith.constant 0 : index
      %swap3A_304 = vector.load %arg18[%swap3A_301, %swap3A_302, %swap3A_303] : memref<2x64x768xf32, #tpu.memory_space<vmem>>, vector<1x1x768xf32>
      %swap3A_305 = vector.shape_cast %swap3A_304 : vector<1x1x768xf32> to vector<1x768xf32>
      %swap3A_306 = vector.shape_cast %get3A_300 : vector<1x768xf32> to vector<1x1x768xf32>
      tpu.vector_store %arg18[%swap3A_301, %swap3A_302, %swap3A_303], %swap3A_306 {strides = array<i32>} : memref<2x64x768xf32, #tpu.memory_space<vmem>>, vector<1x1x768xf32>,
      %get3A_307 = arith.constant 23 : index
      %get3A_308 = memref.load %arg4[%get3A_307] : memref<8192xi32, #tpu.memory_space<smem>>
      %get3A_309 = arith.index_cast %get3A_308 : i32 to index
      %get3A_310 = arith.constant 0 : index
      %get3A_311 = vector.load %arg13[%get3A_309, %get3A_310] : memref<2048x768xf32, #tpu.memory_space<vmem>>, vector<1x768xf32>
      %swap3A_312 = arith.constant 0 : index
      %swap3A_313 = arith.constant 23 : index
      %swap3A_314 = arith.constant 0 : index
      %swap3A_315 = vector.load %arg18[%swap3A_312, %swap3A_313, %swap3A_314] : memref<2x64x768xf32, #tpu.memory_space<vmem>>, vector<1x1x768xf32>
      %swap3A_316 = vector.shape_cast %swap3A_315 : vector<1x1x768xf32> to vector<1x768xf32>
      %swap3A_317 = vector.shape_cast %get3A_311 : vector<1x768xf32> to vector<1x1x768xf32>
      tpu.vector_store %arg18[%swap3A_312, %swap3A_313, %swap3A_314], %swap3A_317 {strides = array<i32>} : memref<2x64x768xf32, #tpu.memory_space<vmem>>, vector<1x1x768xf32>,
      %get3A_318 = arith.constant 24 : index
      %get3A_319 = memref.load %arg4[%get3A_318] : memref<8192xi32, #tpu.memory_space<smem>>
      %get3A_320 = arith.index_cast %get3A_319 : i32 to index
      %get3A_321 = arith.constant 0 : index
      %get3A_322 = vector.load %arg13[%get3A_320, %get3A_321] : memref<2048x768xf32, #tpu.memory_space<vmem>>, vector<1x768xf32>
      %swap3A_323 = arith.constant 0 : index
      %swap3A_324 = arith.constant 24 : index
      %swap3A_325 = arith.constant 0 : index
      %swap3A_326 = vector.load %arg18[%swap3A_323, %swap3A_324, %swap3A_325] : memref<2x64x768xf32, #tpu.memory_space<vmem>>, vector<1x1x768xf32>
      %swap3A_327 = vector.shape_cast %swap3A_326 : vector<1x1x768xf32> to vector<1x768xf32>
      %swap3A_328 = vector.shape_cast %get3A_322 : vector<1x768xf32> to vector<1x1x768xf32>
      tpu.vector_store %arg18[%swap3A_323, %swap3A_324, %swap3A_325], %swap3A_328 {strides = array<i32>} : memref<2x64x768xf32, #tpu.memory_space<vmem>>, vector<1x1x768xf32>,
      %get3A_329 = arith.constant 25 : index
      %get3A_330 = memref.load %arg4[%get3A_329] : memref<8192xi32, #tpu.memory_space<smem>>
      %get3A_331 = arith.index_cast %get3A_330 : i32 to index
      %get3A_332 = arith.constant 0 : index
      %get3A_333 = vector.load %arg13[%get3A_331, %get3A_332] : memref<2048x768xf32, #tpu.memory_space<vmem>>, vector<1x768xf32>
      %swap3A_334 = arith.constant 0 : index
      %swap3A_335 = arith.constant 25 : index
      %swap3A_336 = arith.constant 0 : index
      %swap3A_337 = vector.load %arg18[%swap3A_334, %swap3A_335, %swap3A_336] : memref<2x64x768xf32, #tpu.memory_space<vmem>>, vector<1x1x768xf32>
      %swap3A_338 = vector.shape_cast %swap3A_337 : vector<1x1x768xf32> to vector<1x768xf32>
      %swap3A_339 = vector.shape_cast %get3A_333 : vector<1x768xf32> to vector<1x1x768xf32>
      tpu.vector_store %arg18[%swap3A_334, %swap3A_335, %swap3A_336], %swap3A_339 {strides = array<i32>} : memref<2x64x768xf32, #tpu.memory_space<vmem>>, vector<1x1x768xf32>,
      %get3A_340 = arith.constant 26 : index
      %get3A_341 = memref.load %arg4[%get3A_340] : memref<8192xi32, #tpu.memory_space<smem>>
      %get3A_342 = arith.index_cast %get3A_341 : i32 to index
      %get3A_343 = arith.constant 0 : index
      %get3A_344 = vector.load %arg13[%get3A_342, %get3A_343] : memref<2048x768xf32, #tpu.memory_space<vmem>>, vector<1x768xf32>
      %swap3A_345 = arith.constant 0 : index
      %swap3A_346 = arith.constant 26 : index
      %swap3A_347 = arith.constant 0 : index
      %swap3A_348 = vector.load %arg18[%swap3A_345, %swap3A_346, %swap3A_347] : memref<2x64x768xf32, #tpu.memory_space<vmem>>, vector<1x1x768xf32>
      %swap3A_349 = vector.shape_cast %swap3A_348 : vector<1x1x768xf32> to vector<1x768xf32>
      %swap3A_350 = vector.shape_cast %get3A_344 : vector<1x768xf32> to vector<1x1x768xf32>
      tpu.vector_store %arg18[%swap3A_345, %swap3A_346, %swap3A_347], %swap3A_350 {strides = array<i32>} : memref<2x64x768xf32, #tpu.memory_space<vmem>>, vector<1x1x768xf32>,
      %get3A_351 = arith.constant 27 : index
      %get3A_352 = memref.load %arg4[%get3A_351] : memref<8192xi32, #tpu.memory_space<smem>>
      %get3A_353 = arith.index_cast %get3A_352 : i32 to index
      %get3A_354 = arith.constant 0 : index
      %get3A_355 = vector.load %arg13[%get3A_353, %get3A_354] : memref<2048x768xf32, #tpu.memory_space<vmem>>, vector<1x768xf32>
      %swap3A_356 = arith.constant 0 : index
      %swap3A_357 = arith.constant 27 : index
      %swap3A_358 = arith.constant 0 : index
      %swap3A_359 = vector.load %arg18[%swap3A_356, %swap3A_357, %swap3A_358] : memref<2x64x768xf32, #tpu.memory_space<vmem>>, vector<1x1x768xf32>
      %swap3A_360 = vector.shape_cast %swap3A_359 : vector<1x1x768xf32> to vector<1x768xf32>
      %swap3A_361 = vector.shape_cast %get3A_355 : vector<1x768xf32> to vector<1x1x768xf32>
      tpu.vector_store %arg18[%swap3A_356, %swap3A_357, %swap3A_358], %swap3A_361 {strides = array<i32>} : memref<2x64x768xf32, #tpu.memory_space<vmem>>, vector<1x1x768xf32>,
      %get3A_362 = arith.constant 28 : index
      %get3A_363 = memref.load %arg4[%get3A_362] : memref<8192xi32, #tpu.memory_space<smem>>
      %get3A_364 = arith.index_cast %get3A_363 : i32 to index
      %get3A_365 = arith.constant 0 : index
      %get3A_366 = vector.load %arg13[%get3A_364, %get3A_365] : memref<2048x768xf32, #tpu.memory_space<vmem>>, vector<1x768xf32>
      %swap3A_367 = arith.constant 0 : index
      %swap3A_368 = arith.constant 28 : index
      %swap3A_369 = arith.constant 0 : index
      %swap3A_370 = vector.load %arg18[%swap3A_367, %swap3A_368, %swap3A_369] : memref<2x64x768xf32, #tpu.memory_space<vmem>>, vector<1x1x768xf32>
      %swap3A_371 = vector.shape_cast %swap3A_370 : vector<1x1x768xf32> to vector<1x768xf32>
      %swap3A_372 = vector.shape_cast %get3A_366 : vector<1x768xf32> to vector<1x1x768xf32>
      tpu.vector_store %arg18[%swap3A_367, %swap3A_368, %swap3A_369], %swap3A_372 {strides = array<i32>} : memref<2x64x768xf32, #tpu.memory_space<vmem>>, vector<1x1x768xf32>,
      %get3A_373 = arith.constant 29 : index
      %get3A_374 = memref.load %arg4[%get3A_373] : memref<8192xi32, #tpu.memory_space<smem>>
      %get3A_375 = arith.index_cast %get3A_374 : i32 to index
      %get3A_376 = arith.constant 0 : index
      %get3A_377 = vector.load %arg13[%get3A_375, %get3A_376] : memref<2048x768xf32, #tpu.memory_space<vmem>>, vector<1x768xf32>
      %swap3A_378 = arith.constant 0 : index
      %swap3A_379 = arith.constant 29 : index
      %swap3A_380 = arith.constant 0 : index
      %swap3A_381 = vector.load %arg18[%swap3A_378, %swap3A_379, %swap3A_380] : memref<2x64x768xf32, #tpu.memory_space<vmem>>, vector<1x1x768xf32>
      %swap3A_382 = vector.shape_cast %swap3A_381 : vector<1x1x768xf32> to vector<1x768xf32>
      %swap3A_383 = vector.shape_cast %get3A_377 : vector<1x768xf32> to vector<1x1x768xf32>
      tpu.vector_store %arg18[%swap3A_378, %swap3A_379, %swap3A_380], %swap3A_383 {strides = array<i32>} : memref<2x64x768xf32, #tpu.memory_space<vmem>>, vector<1x1x768xf32>,
      %get3A_384 = arith.constant 30 : index
      %get3A_385 = memref.load %arg4[%get3A_384] : memref<8192xi32, #tpu.memory_space<smem>>
      %get3A_386 = arith.index_cast %get3A_385 : i32 to index
      %get3A_387 = arith.constant 0 : index
      %get3A_388 = vector.load %arg13[%get3A_386, %get3A_387] : memref<2048x768xf32, #tpu.memory_space<vmem>>, vector<1x768xf32>
      %swap3A_389 = arith.constant 0 : index
      %swap3A_390 = arith.constant 30 : index
      %swap3A_391 = arith.constant 0 : index
      %swap3A_392 = vector.load %arg18[%swap3A_389, %swap3A_390, %swap3A_391] : memref<2x64x768xf32, #tpu.memory_space<vmem>>, vector<1x1x768xf32>
      %swap3A_393 = vector.shape_cast %swap3A_392 : vector<1x1x768xf32> to vector<1x768xf32>
      %swap3A_394 = vector.shape_cast %get3A_388 : vector<1x768xf32> to vector<1x1x768xf32>
      tpu.vector_store %arg18[%swap3A_389, %swap3A_390, %swap3A_391], %swap3A_394 {strides = array<i32>} : memref<2x64x768xf32, #tpu.memory_space<vmem>>, vector<1x1x768xf32>,
      %get3A_395 = arith.constant 31 : index
      %get3A_396 = memref.load %arg4[%get3A_395] : memref<8192xi32, #tpu.memory_space<smem>>
      %get3A_397 = arith.index_cast %get3A_396 : i32 to index
      %get3A_398 = arith.constant 0 : index
      %get3A_399 = vector.load %arg13[%get3A_397, %get3A_398] : memref<2048x768xf32, #tpu.memory_space<vmem>>, vector<1x768xf32>
      %swap3A_400 = arith.constant 0 : index
      %swap3A_401 = arith.constant 31 : index
      %swap3A_402 = arith.constant 0 : index
      %swap3A_403 = vector.load %arg18[%swap3A_400, %swap3A_401, %swap3A_402] : memref<2x64x768xf32, #tpu.memory_space<vmem>>, vector<1x1x768xf32>
      %swap3A_404 = vector.shape_cast %swap3A_403 : vector<1x1x768xf32> to vector<1x768xf32>
      %swap3A_405 = vector.shape_cast %get3A_399 : vector<1x768xf32> to vector<1x1x768xf32>
      tpu.vector_store %arg18[%swap3A_400, %swap3A_401, %swap3A_402], %swap3A_405 {strides = array<i32>} : memref<2x64x768xf32, #tpu.memory_space<vmem>>, vector<1x1x768xf32>,
      %get3A_406 = arith.constant 32 : index
      %get3A_407 = memref.load %arg4[%get3A_406] : memref<8192xi32, #tpu.memory_space<smem>>
      %get3A_408 = arith.index_cast %get3A_407 : i32 to index
      %get3A_409 = arith.constant 0 : index
      %get3A_410 = vector.load %arg13[%get3A_408, %get3A_409] : memref<2048x768xf32, #tpu.memory_space<vmem>>, vector<1x768xf32>
      %swap3A_411 = arith.constant 0 : index
      %swap3A_412 = arith.constant 32 : index
      %swap3A_413 = arith.constant 0 : index
      %swap3A_414 = vector.load %arg18[%swap3A_411, %swap3A_412, %swap3A_413] : memref<2x64x768xf32, #tpu.memory_space<vmem>>, vector<1x1x768xf32>
      %swap3A_415 = vector.shape_cast %swap3A_414 : vector<1x1x768xf32> to vector<1x768xf32>
      %swap3A_416 = vector.shape_cast %get3A_410 : vector<1x768xf32> to vector<1x1x768xf32>
      tpu.vector_store %arg18[%swap3A_411, %swap3A_412, %swap3A_413], %swap3A_416 {strides = array<i32>} : memref<2x64x768xf32, #tpu.memory_space<vmem>>, vector<1x1x768xf32>,
      %get3A_417 = arith.constant 33 : index
      %get3A_418 = memref.load %arg4[%get3A_417] : memref<8192xi32, #tpu.memory_space<smem>>
      %get3A_419 = arith.index_cast %get3A_418 : i32 to index
      %get3A_420 = arith.constant 0 : index
      %get3A_421 = vector.load %arg13[%get3A_419, %get3A_420] : memref<2048x768xf32, #tpu.memory_space<vmem>>, vector<1x768xf32>
      %swap3A_422 = arith.constant 0 : index
      %swap3A_423 = arith.constant 33 : index
      %swap3A_424 = arith.constant 0 : index
      %swap3A_425 = vector.load %arg18[%swap3A_422, %swap3A_423, %swap3A_424] : memref<2x64x768xf32, #tpu.memory_space<vmem>>, vector<1x1x768xf32>
      %swap3A_426 = vector.shape_cast %swap3A_425 : vector<1x1x768xf32> to vector<1x768xf32>
      %swap3A_427 = vector.shape_cast %get3A_421 : vector<1x768xf32> to vector<1x1x768xf32>
      tpu.vector_store %arg18[%swap3A_422, %swap3A_423, %swap3A_424], %swap3A_427 {strides = array<i32>} : memref<2x64x768xf32, #tpu.memory_space<vmem>>, vector<1x1x768xf32>,
      %get3A_428 = arith.constant 34 : index
      %get3A_429 = memref.load %arg4[%get3A_428] : memref<8192xi32, #tpu.memory_space<smem>>
      %get3A_430 = arith.index_cast %get3A_429 : i32 to index
      %get3A_431 = arith.constant 0 : index
      %get3A_432 = vector.load %arg13[%get3A_430, %get3A_431] : memref<2048x768xf32, #tpu.memory_space<vmem>>, vector<1x768xf32>
      %swap3A_433 = arith.constant 0 : index
      %swap3A_434 = arith.constant 34 : index
      %swap3A_435 = arith.constant 0 : index
      %swap3A_436 = vector.load %arg18[%swap3A_433, %swap3A_434, %swap3A_435] : memref<2x64x768xf32, #tpu.memory_space<vmem>>, vector<1x1x768xf32>
      %swap3A_437 = vector.shape_cast %swap3A_436 : vector<1x1x768xf32> to vector<1x768xf32>
      %swap3A_438 = vector.shape_cast %get3A_432 : vector<1x768xf32> to vector<1x1x768xf32>
      tpu.vector_store %arg18[%swap3A_433, %swap3A_434, %swap3A_435], %swap3A_438 {strides = array<i32>} : memref<2x64x768xf32, #tpu.memory_space<vmem>>, vector<1x1x768xf32>,
      %get3A_439 = arith.constant 35 : index
      %get3A_440 = memref.load %arg4[%get3A_439] : memref<8192xi32, #tpu.memory_space<smem>>
      %get3A_441 = arith.index_cast %get3A_440 : i32 to index
      %get3A_442 = arith.constant 0 : index
      %get3A_443 = vector.load %arg13[%get3A_441, %get3A_442] : memref<2048x768xf32, #tpu.memory_space<vmem>>, vector<1x768xf32>
      %swap3A_444 = arith.constant 0 : index
      %swap3A_445 = arith.constant 35 : index
      %swap3A_446 = arith.constant 0 : index
      %swap3A_447 = vector.load %arg18[%swap3A_444, %swap3A_445, %swap3A_446] : memref<2x64x768xf32, #tpu.memory_space<vmem>>, vector<1x1x768xf32>
      %swap3A_448 = vector.shape_cast %swap3A_447 : vector<1x1x768xf32> to vector<1x768xf32>
      %swap3A_449 = vector.shape_cast %get3A_443 : vector<1x768xf32> to vector<1x1x768xf32>
      tpu.vector_store %arg18[%swap3A_444, %swap3A_445, %swap3A_446], %swap3A_449 {strides = array<i32>} : memref<2x64x768xf32, #tpu.memory_space<vmem>>, vector<1x1x768xf32>,
      %get3A_450 = arith.constant 36 : index
      %get3A_451 = memref.load %arg4[%get3A_450] : memref<8192xi32, #tpu.memory_space<smem>>
      %get3A_452 = arith.index_cast %get3A_451 : i32 to index
      %get3A_453 = arith.constant 0 : index
      %get3A_454 = vector.load %arg13[%get3A_452, %get3A_453] : memref<2048x768xf32, #tpu.memory_space<vmem>>, vector<1x768xf32>
      %swap3A_455 = arith.constant 0 : index
      %swap3A_456 = arith.constant 36 : index
      %swap3A_457 = arith.constant 0 : index
      %swap3A_458 = vector.load %arg18[%swap3A_455, %swap3A_456, %swap3A_457] : memref<2x64x768xf32, #tpu.memory_space<vmem>>, vector<1x1x768xf32>
      %swap3A_459 = vector.shape_cast %swap3A_458 : vector<1x1x768xf32> to vector<1x768xf32>
      %swap3A_460 = vector.shape_cast %get3A_454 : vector<1x768xf32> to vector<1x1x768xf32>
      tpu.vector_store %arg18[%swap3A_455, %swap3A_456, %swap3A_457], %swap3A_460 {strides = array<i32>} : memref<2x64x768xf32, #tpu.memory_space<vmem>>, vector<1x1x768xf32>,
      %get3A_461 = arith.constant 37 : index
      %get3A_462 = memref.load %arg4[%get3A_461] : memref<8192xi32, #tpu.memory_space<smem>>
      %get3A_463 = arith.index_cast %get3A_462 : i32 to index
      %get3A_464 = arith.constant 0 : index
      %get3A_465 = vector.load %arg13[%get3A_463, %get3A_464] : memref<2048x768xf32, #tpu.memory_space<vmem>>, vector<1x768xf32>
      %swap3A_466 = arith.constant 0 : index
      %swap3A_467 = arith.constant 37 : index
      %swap3A_468 = arith.constant 0 : index
      %swap3A_469 = vector.load %arg18[%swap3A_466, %swap3A_467, %swap3A_468] : memref<2x64x768xf32, #tpu.memory_space<vmem>>, vector<1x1x768xf32>
      %swap3A_470 = vector.shape_cast %swap3A_469 : vector<1x1x768xf32> to vector<1x768xf32>
      %swap3A_471 = vector.shape_cast %get3A_465 : vector<1x768xf32> to vector<1x1x768xf32>
      tpu.vector_store %arg18[%swap3A_466, %swap3A_467, %swap3A_468], %swap3A_471 {strides = array<i32>} : memref<2x64x768xf32, #tpu.memory_space<vmem>>, vector<1x1x768xf32>,
      %get3A_472 = arith.constant 38 : index
      %get3A_473 = memref.load %arg4[%get3A_472] : memref<8192xi32, #tpu.memory_space<smem>>
      %get3A_474 = arith.index_cast %get3A_473 : i32 to index
      %get3A_475 = arith.constant 0 : index
      %get3A_476 = vector.load %arg13[%get3A_474, %get3A_475] : memref<2048x768xf32, #tpu.memory_space<vmem>>, vector<1x768xf32>
      %swap3A_477 = arith.constant 0 : index
      %swap3A_478 = arith.constant 38 : index
      %swap3A_479 = arith.constant 0 : index
      %swap3A_480 = vector.load %arg18[%swap3A_477, %swap3A_478, %swap3A_479] : memref<2x64x768xf32, #tpu.memory_space<vmem>>, vector<1x1x768xf32>
      %swap3A_481 = vector.shape_cast %swap3A_480 : vector<1x1x768xf32> to vector<1x768xf32>
      %swap3A_482 = vector.shape_cast %get3A_476 : vector<1x768xf32> to vector<1x1x768xf32>
      tpu.vector_store %arg18[%swap3A_477, %swap3A_478, %swap3A_479], %swap3A_482 {strides = array<i32>} : memref<2x64x768xf32, #tpu.memory_space<vmem>>, vector<1x1x768xf32>,
      %get3A_483 = arith.constant 39 : index
      %get3A_484 = memref.load %arg4[%get3A_483] : memref<8192xi32, #tpu.memory_space<smem>>
      %get3A_485 = arith.index_cast %get3A_484 : i32 to index
      %get3A_486 = arith.constant 0 : index
      %get3A_487 = vector.load %arg13[%get3A_485, %get3A_486] : memref<2048x768xf32, #tpu.memory_space<vmem>>, vector<1x768xf32>
      %swap3A_488 = arith.constant 0 : index
      %swap3A_489 = arith.constant 39 : index
      %swap3A_490 = arith.constant 0 : index
      %swap3A_491 = vector.load %arg18[%swap3A_488, %swap3A_489, %swap3A_490] : memref<2x64x768xf32, #tpu.memory_space<vmem>>, vector<1x1x768xf32>
      %swap3A_492 = vector.shape_cast %swap3A_491 : vector<1x1x768xf32> to vector<1x768xf32>
      %swap3A_493 = vector.shape_cast %get3A_487 : vector<1x768xf32> to vector<1x1x768xf32>
      tpu.vector_store %arg18[%swap3A_488, %swap3A_489, %swap3A_490], %swap3A_493 {strides = array<i32>} : memref<2x64x768xf32, #tpu.memory_space<vmem>>, vector<1x1x768xf32>,
      %get3A_494 = arith.constant 40 : index
      %get3A_495 = memref.load %arg4[%get3A_494] : memref<8192xi32, #tpu.memory_space<smem>>
      %get3A_496 = arith.index_cast %get3A_495 : i32 to index
      %get3A_497 = arith.constant 0 : index
      %get3A_498 = vector.load %arg13[%get3A_496, %get3A_497] : memref<2048x768xf32, #tpu.memory_space<vmem>>, vector<1x768xf32>
      %swap3A_499 = arith.constant 0 : index
      %swap3A_500 = arith.constant 40 : index
      %swap3A_501 = arith.constant 0 : index
      %swap3A_502 = vector.load %arg18[%swap3A_499, %swap3A_500, %swap3A_501] : memref<2x64x768xf32, #tpu.memory_space<vmem>>, vector<1x1x768xf32>
      %swap3A_503 = vector.shape_cast %swap3A_502 : vector<1x1x768xf32> to vector<1x768xf32>
      %swap3A_504 = vector.shape_cast %get3A_498 : vector<1x768xf32> to vector<1x1x768xf32>
      tpu.vector_store %arg18[%swap3A_499, %swap3A_500, %swap3A_501], %swap3A_504 {strides = array<i32>} : memref<2x64x768xf32, #tpu.memory_space<vmem>>, vector<1x1x768xf32>,
      %get3A_505 = arith.constant 41 : index
      %get3A_506 = memref.load %arg4[%get3A_505] : memref<8192xi32, #tpu.memory_space<smem>>
      %get3A_507 = arith.index_cast %get3A_506 : i32 to index
      %get3A_508 = arith.constant 0 : index
      %get3A_509 = vector.load %arg13[%get3A_507, %get3A_508] : memref<2048x768xf32, #tpu.memory_space<vmem>>, vector<1x768xf32>
      %swap3A_510 = arith.constant 0 : index
      %swap3A_511 = arith.constant 41 : index
      %swap3A_512 = arith.constant 0 : index
      %swap3A_513 = vector.load %arg18[%swap3A_510, %swap3A_511, %swap3A_512] : memref<2x64x768xf32, #tpu.memory_space<vmem>>, vector<1x1x768xf32>
      %swap3A_514 = vector.shape_cast %swap3A_513 : vector<1x1x768xf32> to vector<1x768xf32>
      %swap3A_515 = vector.shape_cast %get3A_509 : vector<1x768xf32> to vector<1x1x768xf32>
      tpu.vector_store %arg18[%swap3A_510, %swap3A_511, %swap3A_512], %swap3A_515 {strides = array<i32>} : memref<2x64x768xf32, #tpu.memory_space<vmem>>, vector<1x1x768xf32>,
      %get3A_516 = arith.constant 42 : index
      %get3A_517 = memref.load %arg4[%get3A_516] : memref<8192xi32, #tpu.memory_space<smem>>
      %get3A_518 = arith.index_cast %get3A_517 : i32 to index
      %get3A_519 = arith.constant 0 : index
      %get3A_520 = vector.load %arg13[%get3A_518, %get3A_519] : memref<2048x768xf32, #tpu.memory_space<vmem>>, vector<1x768xf32>
      %swap3A_521 = arith.constant 0 : index
      %swap3A_522 = arith.constant 42 : index
      %swap3A_523 = arith.constant 0 : index
      %swap3A_524 = vector.load %arg18[%swap3A_521, %swap3A_522, %swap3A_523] : memref<2x64x768xf32, #tpu.memory_space<vmem>>, vector<1x1x768xf32>
      %swap3A_525 = vector.shape_cast %swap3A_524 : vector<1x1x768xf32> to vector<1x768xf32>
      %swap3A_526 = vector.shape_cast %get3A_520 : vector<1x768xf32> to vector<1x1x768xf32>
      tpu.vector_store %arg18[%swap3A_521, %swap3A_522, %swap3A_523], %swap3A_526 {strides = array<i32>} : memref<2x64x768xf32, #tpu.memory_space<vmem>>, vector<1x1x768xf32>,
      %get3A_527 = arith.constant 43 : index
      %get3A_528 = memref.load %arg4[%get3A_527] : memref<8192xi32, #tpu.memory_space<smem>>
      %get3A_529 = arith.index_cast %get3A_528 : i32 to index
      %get3A_530 = arith.constant 0 : index
      %get3A_531 = vector.load %arg13[%get3A_529, %get3A_530] : memref<2048x768xf32, #tpu.memory_space<vmem>>, vector<1x768xf32>
      %swap3A_532 = arith.constant 0 : index
      %swap3A_533 = arith.constant 43 : index
      %swap3A_534 = arith.constant 0 : index
      %swap3A_535 = vector.load %arg18[%swap3A_532, %swap3A_533, %swap3A_534] : memref<2x64x768xf32, #tpu.memory_space<vmem>>, vector<1x1x768xf32>
      %swap3A_536 = vector.shape_cast %swap3A_535 : vector<1x1x768xf32> to vector<1x768xf32>
      %swap3A_537 = vector.shape_cast %get3A_531 : vector<1x768xf32> to vector<1x1x768xf32>
      tpu.vector_store %arg18[%swap3A_532, %swap3A_533, %swap3A_534], %swap3A_537 {strides = array<i32>} : memref<2x64x768xf32, #tpu.memory_space<vmem>>, vector<1x1x768xf32>,
      %get3A_538 = arith.constant 44 : index
      %get3A_539 = memref.load %arg4[%get3A_538] : memref<8192xi32, #tpu.memory_space<smem>>
      %get3A_540 = arith.index_cast %get3A_539 : i32 to index
      %get3A_541 = arith.constant 0 : index
      %get3A_542 = vector.load %arg13[%get3A_540, %get3A_541] : memref<2048x768xf32, #tpu.memory_space<vmem>>, vector<1x768xf32>
      %swap3A_543 = arith.constant 0 : index
      %swap3A_544 = arith.constant 44 : index
      %swap3A_545 = arith.constant 0 : index
      %swap3A_546 = vector.load %arg18[%swap3A_543, %swap3A_544, %swap3A_545] : memref<2x64x768xf32, #tpu.memory_space<vmem>>, vector<1x1x768xf32>
      %swap3A_547 = vector.shape_cast %swap3A_546 : vector<1x1x768xf32> to vector<1x768xf32>
      %swap3A_548 = vector.shape_cast %get3A_542 : vector<1x768xf32> to vector<1x1x768xf32>
      tpu.vector_store %arg18[%swap3A_543, %swap3A_544, %swap3A_545], %swap3A_548 {strides = array<i32>} : memref<2x64x768xf32, #tpu.memory_space<vmem>>, vector<1x1x768xf32>,
      %get3A_549 = arith.constant 45 : index
      %get3A_550 = memref.load %arg4[%get3A_549] : memref<8192xi32, #tpu.memory_space<smem>>
      %get3A_551 = arith.index_cast %get3A_550 : i32 to index
      %get3A_552 = arith.constant 0 : index
      %get3A_553 = vector.load %arg13[%get3A_551, %get3A_552] : memref<2048x768xf32, #tpu.memory_space<vmem>>, vector<1x768xf32>
      %swap3A_554 = arith.constant 0 : index
      %swap3A_555 = arith.constant 45 : index
      %swap3A_556 = arith.constant 0 : index
      %swap3A_557 = vector.load %arg18[%swap3A_554, %swap3A_555, %swap3A_556] : memref<2x64x768xf32, #tpu.memory_space<vmem>>, vector<1x1x768xf32>
      %swap3A_558 = vector.shape_cast %swap3A_557 : vector<1x1x768xf32> to vector<1x768xf32>
      %swap3A_559 = vector.shape_cast %get3A_553 : vector<1x768xf32> to vector<1x1x768xf32>
      tpu.vector_store %arg18[%swap3A_554, %swap3A_555, %swap3A_556], %swap3A_559 {strides = array<i32>} : memref<2x64x768xf32, #tpu.memory_space<vmem>>, vector<1x1x768xf32>,
      %get3A_560 = arith.constant 46 : index
      %get3A_561 = memref.load %arg4[%get3A_560] : memref<8192xi32, #tpu.memory_space<smem>>
      %get3A_562 = arith.index_cast %get3A_561 : i32 to index
      %get3A_563 = arith.constant 0 : index
      %get3A_564 = vector.load %arg13[%get3A_562, %get3A_563] : memref<2048x768xf32, #tpu.memory_space<vmem>>, vector<1x768xf32>
      %swap3A_565 = arith.constant 0 : index
      %swap3A_566 = arith.constant 46 : index
      %swap3A_567 = arith.constant 0 : index
      %swap3A_568 = vector.load %arg18[%swap3A_565, %swap3A_566, %swap3A_567] : memref<2x64x768xf32, #tpu.memory_space<vmem>>, vector<1x1x768xf32>
      %swap3A_569 = vector.shape_cast %swap3A_568 : vector<1x1x768xf32> to vector<1x768xf32>
      %swap3A_570 = vector.shape_cast %get3A_564 : vector<1x768xf32> to vector<1x1x768xf32>
      tpu.vector_store %arg18[%swap3A_565, %swap3A_566, %swap3A_567], %swap3A_570 {strides = array<i32>} : memref<2x64x768xf32, #tpu.memory_space<vmem>>, vector<1x1x768xf32>,
      %get3A_571 = arith.constant 47 : index
      %get3A_572 = memref.load %arg4[%get3A_571] : memref<8192xi32, #tpu.memory_space<smem>>
      %get3A_573 = arith.index_cast %get3A_572 : i32 to index
      %get3A_574 = arith.constant 0 : index
      %get3A_575 = vector.load %arg13[%get3A_573, %get3A_574] : memref<2048x768xf32, #tpu.memory_space<vmem>>, vector<1x768xf32>
      %swap3A_576 = arith.constant 0 : index
      %swap3A_577 = arith.constant 47 : index
      %swap3A_578 = arith.constant 0 : index
      %swap3A_579 = vector.load %arg18[%swap3A_576, %swap3A_577, %swap3A_578] : memref<2x64x768xf32, #tpu.memory_space<vmem>>, vector<1x1x768xf32>
      %swap3A_580 = vector.shape_cast %swap3A_579 : vector<1x1x768xf32> to vector<1x768xf32>
      %swap3A_581 = vector.shape_cast %get3A_575 : vector<1x768xf32> to vector<1x1x768xf32>
      tpu.vector_store %arg18[%swap3A_576, %swap3A_577, %swap3A_578], %swap3A_581 {strides = array<i32>} : memref<2x64x768xf32, #tpu.memory_space<vmem>>, vector<1x1x768xf32>,
      %get3A_582 = arith.constant 48 : index
      %get3A_583 = memref.load %arg4[%get3A_582] : memref<8192xi32, #tpu.memory_space<smem>>
      %get3A_584 = arith.index_cast %get3A_583 : i32 to index
      %get3A_585 = arith.constant 0 : index
      %get3A_586 = vector.load %arg13[%get3A_584, %get3A_585] : memref<2048x768xf32, #tpu.memory_space<vmem>>, vector<1x768xf32>
      %swap3A_587 = arith.constant 0 : index
      %swap3A_588 = arith.constant 48 : index
      %swap3A_589 = arith.constant 0 : index
      %swap3A_590 = vector.load %arg18[%swap3A_587, %swap3A_588, %swap3A_589] : memref<2x64x768xf32, #tpu.memory_space<vmem>>, vector<1x1x768xf32>
      %swap3A_591 = vector.shape_cast %swap3A_590 : vector<1x1x768xf32> to vector<1x768xf32>
      %swap3A_592 = vector.shape_cast %get3A_586 : vector<1x768xf32> to vector<1x1x768xf32>
      tpu.vector_store %arg18[%swap3A_587, %swap3A_588, %swap3A_589], %swap3A_592 {strides = array<i32>} : memref<2x64x768xf32, #tpu.memory_space<vmem>>, vector<1x1x768xf32>,
      %get3A_593 = arith.constant 49 : index
      %get3A_594 = memref.load %arg4[%get3A_593] : memref<8192xi32, #tpu.memory_space<smem>>
      %get3A_595 = arith.index_cast %get3A_594 : i32 to index
      %get3A_596 = arith.constant 0 : index
      %get3A_597 = vector.load %arg13[%get3A_595, %get3A_596] : memref<2048x768xf32, #tpu.memory_space<vmem>>, vector<1x768xf32>
      %swap3A_598 = arith.constant 0 : index
      %swap3A_599 = arith.constant 49 : index
      %swap3A_600 = arith.constant 0 : index
      %swap3A_601 = vector.load %arg18[%swap3A_598, %swap3A_599, %swap3A_600] : memref<2x64x768xf32, #tpu.memory_space<vmem>>, vector<1x1x768xf32>
      %swap3A_602 = vector.shape_cast %swap3A_601 : vector<1x1x768xf32> to vector<1x768xf32>
      %swap3A_603 = vector.shape_cast %get3A_597 : vector<1x768xf32> to vector<1x1x768xf32>
      tpu.vector_store %arg18[%swap3A_598, %swap3A_599, %swap3A_600], %swap3A_603 {strides = array<i32>} : memref<2x64x768xf32, #tpu.memory_space<vmem>>, vector<1x1x768xf32>,
      %get3A_604 = arith.constant 50 : index
      %get3A_605 = memref.load %arg4[%get3A_604] : memref<8192xi32, #tpu.memory_space<smem>>
      %get3A_606 = arith.index_cast %get3A_605 : i32 to index
      %get3A_607 = arith.constant 0 : index
      %get3A_608 = vector.load %arg13[%get3A_606, %get3A_607] : memref<2048x768xf32, #tpu.memory_space<vmem>>, vector<1x768xf32>
      %swap3A_609 = arith.constant 0 : index
      %swap3A_610 = arith.constant 50 : index
      %swap3A_611 = arith.constant 0 : index
      %swap3A_612 = vector.load %arg18[%swap3A_609, %swap3A_610, %swap3A_611] : memref<2x64x768xf32, #tpu.memory_space<vmem>>, vector<1x1x768xf32>
      %swap3A_613 = vector.shape_cast %swap3A_612 : vector<1x1x768xf32> to vector<1x768xf32>
      %swap3A_614 = vector.shape_cast %get3A_608 : vector<1x768xf32> to vector<1x1x768xf32>
      tpu.vector_store %arg18[%swap3A_609, %swap3A_610, %swap3A_611], %swap3A_614 {strides = array<i32>} : memref<2x64x768xf32, #tpu.memory_space<vmem>>, vector<1x1x768xf32>,
      %get3A_615 = arith.constant 51 : index
      %get3A_616 = memref.load %arg4[%get3A_615] : memref<8192xi32, #tpu.memory_space<smem>>
      %get3A_617 = arith.index_cast %get3A_616 : i32 to index
      %get3A_618 = arith.constant 0 : index
      %get3A_619 = vector.load %arg13[%get3A_617, %get3A_618] : memref<2048x768xf32, #tpu.memory_space<vmem>>, vector<1x768xf32>
      %swap3A_620 = arith.constant 0 : index
      %swap3A_621 = arith.constant 51 : index
      %swap3A_622 = arith.constant 0 : index
      %swap3A_623 = vector.load %arg18[%swap3A_620, %swap3A_621, %swap3A_622] : memref<2x64x768xf32, #tpu.memory_space<vmem>>, vector<1x1x768xf32>
      %swap3A_624 = vector.shape_cast %swap3A_623 : vector<1x1x768xf32> to vector<1x768xf32>
      %swap3A_625 = vector.shape_cast %get3A_619 : vector<1x768xf32> to vector<1x1x768xf32>
      tpu.vector_store %arg18[%swap3A_620, %swap3A_621, %swap3A_622], %swap3A_625 {strides = array<i32>} : memref<2x64x768xf32, #tpu.memory_space<vmem>>, vector<1x1x768xf32>,
      %get3A_626 = arith.constant 52 : index
      %get3A_627 = memref.load %arg4[%get3A_626] : memref<8192xi32, #tpu.memory_space<smem>>
      %get3A_628 = arith.index_cast %get3A_627 : i32 to index
      %get3A_629 = arith.constant 0 : index
      %get3A_630 = vector.load %arg13[%get3A_628, %get3A_629] : memref<2048x768xf32, #tpu.memory_space<vmem>>, vector<1x768xf32>
      %swap3A_631 = arith.constant 0 : index
      %swap3A_632 = arith.constant 52 : index
      %swap3A_633 = arith.constant 0 : index
      %swap3A_634 = vector.load %arg18[%swap3A_631, %swap3A_632, %swap3A_633] : memref<2x64x768xf32, #tpu.memory_space<vmem>>, vector<1x1x768xf32>
      %swap3A_635 = vector.shape_cast %swap3A_634 : vector<1x1x768xf32> to vector<1x768xf32>
      %swap3A_636 = vector.shape_cast %get3A_630 : vector<1x768xf32> to vector<1x1x768xf32>
      tpu.vector_store %arg18[%swap3A_631, %swap3A_632, %swap3A_633], %swap3A_636 {strides = array<i32>} : memref<2x64x768xf32, #tpu.memory_space<vmem>>, vector<1x1x768xf32>,
      %get3A_637 = arith.constant 53 : index
      %get3A_638 = memref.load %arg4[%get3A_637] : memref<8192xi32, #tpu.memory_space<smem>>
      %get3A_639 = arith.index_cast %get3A_638 : i32 to index
      %get3A_640 = arith.constant 0 : index
      %get3A_641 = vector.load %arg13[%get3A_639, %get3A_640] : memref<2048x768xf32, #tpu.memory_space<vmem>>, vector<1x768xf32>
      %swap3A_642 = arith.constant 0 : index
      %swap3A_643 = arith.constant 53 : index
      %swap3A_644 = arith.constant 0 : index
      %swap3A_645 = vector.load %arg18[%swap3A_642, %swap3A_643, %swap3A_644] : memref<2x64x768xf32, #tpu.memory_space<vmem>>, vector<1x1x768xf32>
      %swap3A_646 = vector.shape_cast %swap3A_645 : vector<1x1x768xf32> to vector<1x768xf32>
      %swap3A_647 = vector.shape_cast %get3A_641 : vector<1x768xf32> to vector<1x1x768xf32>
      tpu.vector_store %arg18[%swap3A_642, %swap3A_643, %swap3A_644], %swap3A_647 {strides = array<i32>} : memref<2x64x768xf32, #tpu.memory_space<vmem>>, vector<1x1x768xf32>,
      %get3A_648 = arith.constant 54 : index
      %get3A_649 = memref.load %arg4[%get3A_648] : memref<8192xi32, #tpu.memory_space<smem>>
      %get3A_650 = arith.index_cast %get3A_649 : i32 to index
      %get3A_651 = arith.constant 0 : index
      %get3A_652 = vector.load %arg13[%get3A_650, %get3A_651] : memref<2048x768xf32, #tpu.memory_space<vmem>>, vector<1x768xf32>
      %swap3A_653 = arith.constant 0 : index
      %swap3A_654 = arith.constant 54 : index
      %swap3A_655 = arith.constant 0 : index
      %swap3A_656 = vector.load %arg18[%swap3A_653, %swap3A_654, %swap3A_655] : memref<2x64x768xf32, #tpu.memory_space<vmem>>, vector<1x1x768xf32>
      %swap3A_657 = vector.shape_cast %swap3A_656 : vector<1x1x768xf32> to vector<1x768xf32>
      %swap3A_658 = vector.shape_cast %get3A_652 : vector<1x768xf32> to vector<1x1x768xf32>
      tpu.vector_store %arg18[%swap3A_653, %swap3A_654, %swap3A_655], %swap3A_658 {strides = array<i32>} : memref<2x64x768xf32, #tpu.memory_space<vmem>>, vector<1x1x768xf32>,
      %get3A_659 = arith.constant 55 : index
      %get3A_660 = memref.load %arg4[%get3A_659] : memref<8192xi32, #tpu.memory_space<smem>>
      %get3A_661 = arith.index_cast %get3A_660 : i32 to index
      %get3A_662 = arith.constant 0 : index
      %get3A_663 = vector.load %arg13[%get3A_661, %get3A_662] : memref<2048x768xf32, #tpu.memory_space<vmem>>, vector<1x768xf32>
      %swap3A_664 = arith.constant 0 : index
      %swap3A_665 = arith.constant 55 : index
      %swap3A_666 = arith.constant 0 : index
      %swap3A_667 = vector.load %arg18[%swap3A_664, %swap3A_665, %swap3A_666] : memref<2x64x768xf32, #tpu.memory_space<vmem>>, vector<1x1x768xf32>
      %swap3A_668 = vector.shape_cast %swap3A_667 : vector<1x1x768xf32> to vector<1x768xf32>
      %swap3A_669 = vector.shape_cast %get3A_663 : vector<1x768xf32> to vector<1x1x768xf32>
      tpu.vector_store %arg18[%swap3A_664, %swap3A_665, %swap3A_666], %swap3A_669 {strides = array<i32>} : memref<2x64x768xf32, #tpu.memory_space<vmem>>, vector<1x1x768xf32>,
      %get3A_670 = arith.constant 56 : index
      %get3A_671 = memref.load %arg4[%get3A_670] : memref<8192xi32, #tpu.memory_space<smem>>
      %get3A_672 = arith.index_cast %get3A_671 : i32 to index
      %get3A_673 = arith.constant 0 : index
      %get3A_674 = vector.load %arg13[%get3A_672, %get3A_673] : memref<2048x768xf32, #tpu.memory_space<vmem>>, vector<1x768xf32>
      %swap3A_675 = arith.constant 0 : index
      %swap3A_676 = arith.constant 56 : index
      %swap3A_677 = arith.constant 0 : index
      %swap3A_678 = vector.load %arg18[%swap3A_675, %swap3A_676, %swap3A_677] : memref<2x64x768xf32, #tpu.memory_space<vmem>>, vector<1x1x768xf32>
      %swap3A_679 = vector.shape_cast %swap3A_678 : vector<1x1x768xf32> to vector<1x768xf32>
      %swap3A_680 = vector.shape_cast %get3A_674 : vector<1x768xf32> to vector<1x1x768xf32>
      tpu.vector_store %arg18[%swap3A_675, %swap3A_676, %swap3A_677], %swap3A_680 {strides = array<i32>} : memref<2x64x768xf32, #tpu.memory_space<vmem>>, vector<1x1x768xf32>,
      %get3A_681 = arith.constant 57 : index
      %get3A_682 = memref.load %arg4[%get3A_681] : memref<8192xi32, #tpu.memory_space<smem>>
      %get3A_683 = arith.index_cast %get3A_682 : i32 to index
      %get3A_684 = arith.constant 0 : index
      %get3A_685 = vector.load %arg13[%get3A_683, %get3A_684] : memref<2048x768xf32, #tpu.memory_space<vmem>>, vector<1x768xf32>
      %swap3A_686 = arith.constant 0 : index
      %swap3A_687 = arith.constant 57 : index
      %swap3A_688 = arith.constant 0 : index
      %swap3A_689 = vector.load %arg18[%swap3A_686, %swap3A_687, %swap3A_688] : memref<2x64x768xf32, #tpu.memory_space<vmem>>, vector<1x1x768xf32>
      %swap3A_690 = vector.shape_cast %swap3A_689 : vector<1x1x768xf32> to vector<1x768xf32>
      %swap3A_691 = vector.shape_cast %get3A_685 : vector<1x768xf32> to vector<1x1x768xf32>
      tpu.vector_store %arg18[%swap3A_686, %swap3A_687, %swap3A_688], %swap3A_691 {strides = array<i32>} : memref<2x64x768xf32, #tpu.memory_space<vmem>>, vector<1x1x768xf32>,
      %get3A_692 = arith.constant 58 : index
      %get3A_693 = memref.load %arg4[%get3A_692] : memref<8192xi32, #tpu.memory_space<smem>>
      %get3A_694 = arith.index_cast %get3A_693 : i32 to index
      %get3A_695 = arith.constant 0 : index
      %get3A_696 = vector.load %arg13[%get3A_694, %get3A_695] : memref<2048x768xf32, #tpu.memory_space<vmem>>, vector<1x768xf32>
      %swap3A_697 = arith.constant 0 : index
      %swap3A_698 = arith.constant 58 : index
      %swap3A_699 = arith.constant 0 : index
      %swap3A_700 = vector.load %arg18[%swap3A_697, %swap3A_698, %swap3A_699] : memref<2x64x768xf32, #tpu.memory_space<vmem>>, vector<1x1x768xf32>
      %swap3A_701 = vector.shape_cast %swap3A_700 : vector<1x1x768xf32> to vector<1x768xf32>
      %swap3A_702 = vector.shape_cast %get3A_696 : vector<1x768xf32> to vector<1x1x768xf32>
      tpu.vector_store %arg18[%swap3A_697, %swap3A_698, %swap3A_699], %swap3A_702 {strides = array<i32>} : memref<2x64x768xf32, #tpu.memory_space<vmem>>, vector<1x1x768xf32>,
      %get3A_703 = arith.constant 59 : index
      %get3A_704 = memref.load %arg4[%get3A_703] : memref<8192xi32, #tpu.memory_space<smem>>
      %get3A_705 = arith.index_cast %get3A_704 : i32 to index
      %get3A_706 = arith.constant 0 : index
      %get3A_707 = vector.load %arg13[%get3A_705, %get3A_706] : memref<2048x768xf32, #tpu.memory_space<vmem>>, vector<1x768xf32>
      %swap3A_708 = arith.constant 0 : index
      %swap3A_709 = arith.constant 59 : index
      %swap3A_710 = arith.constant 0 : index
      %swap3A_711 = vector.load %arg18[%swap3A_708, %swap3A_709, %swap3A_710] : memref<2x64x768xf32, #tpu.memory_space<vmem>>, vector<1x1x768xf32>
      %swap3A_712 = vector.shape_cast %swap3A_711 : vector<1x1x768xf32> to vector<1x768xf32>
      %swap3A_713 = vector.shape_cast %get3A_707 : vector<1x768xf32> to vector<1x1x768xf32>
      tpu.vector_store %arg18[%swap3A_708, %swap3A_709, %swap3A_710], %swap3A_713 {strides = array<i32>} : memref<2x64x768xf32, #tpu.memory_space<vmem>>, vector<1x1x768xf32>,
      %get3A_714 = arith.constant 60 : index
      %get3A_715 = memref.load %arg4[%get3A_714] : memref<8192xi32, #tpu.memory_space<smem>>
      %get3A_716 = arith.index_cast %get3A_715 : i32 to index
      %get3A_717 = arith.constant 0 : index
      %get3A_718 = vector.load %arg13[%get3A_716, %get3A_717] : memref<2048x768xf32, #tpu.memory_space<vmem>>, vector<1x768xf32>
      %swap3A_719 = arith.constant 0 : index
      %swap3A_720 = arith.constant 60 : index
      %swap3A_721 = arith.constant 0 : index
      %swap3A_722 = vector.load %arg18[%swap3A_719, %swap3A_720, %swap3A_721] : memref<2x64x768xf32, #tpu.memory_space<vmem>>, vector<1x1x768xf32>
      %swap3A_723 = vector.shape_cast %swap3A_722 : vector<1x1x768xf32> to vector<1x768xf32>
      %swap3A_724 = vector.shape_cast %get3A_718 : vector<1x768xf32> to vector<1x1x768xf32>
      tpu.vector_store %arg18[%swap3A_719, %swap3A_720, %swap3A_721], %swap3A_724 {strides = array<i32>} : memref<2x64x768xf32, #tpu.memory_space<vmem>>, vector<1x1x768xf32>,
      %get3A_725 = arith.constant 61 : index
      %get3A_726 = memref.load %arg4[%get3A_725] : memref<8192xi32, #tpu.memory_space<smem>>
      %get3A_727 = arith.index_cast %get3A_726 : i32 to index
      %get3A_728 = arith.constant 0 : index
      %get3A_729 = vector.load %arg13[%get3A_727, %get3A_728] : memref<2048x768xf32, #tpu.memory_space<vmem>>, vector<1x768xf32>
      %swap3A_730 = arith.constant 0 : index
      %swap3A_731 = arith.constant 61 : index
      %swap3A_732 = arith.constant 0 : index
      %swap3A_733 = vector.load %arg18[%swap3A_730, %swap3A_731, %swap3A_732] : memref<2x64x768xf32, #tpu.memory_space<vmem>>, vector<1x1x768xf32>
      %swap3A_734 = vector.shape_cast %swap3A_733 : vector<1x1x768xf32> to vector<1x768xf32>
      %swap3A_735 = vector.shape_cast %get3A_729 : vector<1x768xf32> to vector<1x1x768xf32>
      tpu.vector_store %arg18[%swap3A_730, %swap3A_731, %swap3A_732], %swap3A_735 {strides = array<i32>} : memref<2x64x768xf32, #tpu.memory_space<vmem>>, vector<1x1x768xf32>,
      %get3A_736 = arith.constant 62 : index
      %get3A_737 = memref.load %arg4[%get3A_736] : memref<8192xi32, #tpu.memory_space<smem>>
      %get3A_738 = arith.index_cast %get3A_737 : i32 to index
      %get3A_739 = arith.constant 0 : index
      %get3A_740 = vector.load %arg13[%get3A_738, %get3A_739] : memref<2048x768xf32, #tpu.memory_space<vmem>>, vector<1x768xf32>
      %swap3A_741 = arith.constant 0 : index
      %swap3A_742 = arith.constant 62 : index
      %swap3A_743 = arith.constant 0 : index
      %swap3A_744 = vector.load %arg18[%swap3A_741, %swap3A_742, %swap3A_743] : memref<2x64x768xf32, #tpu.memory_space<vmem>>, vector<1x1x768xf32>
      %swap3A_745 = vector.shape_cast %swap3A_744 : vector<1x1x768xf32> to vector<1x768xf32>
      %swap3A_746 = vector.shape_cast %get3A_740 : vector<1x768xf32> to vector<1x1x768xf32>
      tpu.vector_store %arg18[%swap3A_741, %swap3A_742, %swap3A_743], %swap3A_746 {strides = array<i32>} : memref<2x64x768xf32, #tpu.memory_space<vmem>>, vector<1x1x768xf32>,
      %get3A_747 = arith.constant 63 : index
      %get3A_748 = memref.load %arg4[%get3A_747] : memref<8192xi32, #tpu.memory_space<smem>>
      %get3A_749 = arith.index_cast %get3A_748 : i32 to index
      %get3A_750 = arith.constant 0 : index
      %get3A_751 = vector.load %arg13[%get3A_749, %get3A_750] : memref<2048x768xf32, #tpu.memory_space<vmem>>, vector<1x768xf32>
      %swap3A_752 = arith.constant 0 : index
      %swap3A_753 = arith.constant 63 : index
      %swap3A_754 = arith.constant 0 : index
      %swap3A_755 = vector.load %arg18[%swap3A_752, %swap3A_753, %swap3A_754] : memref<2x64x768xf32, #tpu.memory_space<vmem>>, vector<1x1x768xf32>
      %swap3A_756 = vector.shape_cast %swap3A_755 : vector<1x1x768xf32> to vector<1x768xf32>
      %swap3A_757 = vector.shape_cast %get3A_751 : vector<1x768xf32> to vector<1x1x768xf32>
      tpu.vector_store %arg18[%swap3A_752, %swap3A_753, %swap3A_754], %swap3A_757 {strides = array<i32>} : memref<2x64x768xf32, #tpu.memory_space<vmem>>, vector<1x1x768xf32>,
    } else {
    }
    %get3A_3 = arith.index_cast %arg0 : i32 to index
    %get3A_4 = memref.load %arg5[%get3A_3] : memref<128xi32, #tpu.memory_space<smem>>
    %gt3A = arith.constant 0 : i32
    %gt3A_5 = arith.cmpi sgt, %get3A_4, %gt3A : i32
    %convert_element_type3A_6 = arith.extui %gt3A_5 : i1 to i32
    %cond3A_7 = arith.constant 0 : i32
    %cond3A_8 = arith.cmpi ne, %convert_element_type3A_6, %cond3A_7 : i32
    scf.if %cond3A_8 {
      %get3A_16 = arith.index_cast %arg0 : i32 to index
      %get3A_17 = memref.load %arg1[%get3A_16] : memref<128xi32, #tpu.memory_space<smem>>
      %dma_wait3A = tpu.memref_slice %arg21[%get3A_0] : memref<4x!tpu.dma_semaphore, #tpu.memory_space<semaphore_mem>> -> memref<1x!tpu.dma_semaphore, #tpu.memory_space<semaphore_mem>>
      %dma_wait3A_18 = tpu.memref_squeeze %dma_wait3A : memref<1x!tpu.dma_semaphore, #tpu.memory_space<semaphore_mem>> -> memref<!tpu.dma_semaphore, #tpu.memory_space<semaphore_mem>>
      %dma_wait3A_19 = arith.constant 0 : i32
      %dma_wait3A_20 = arith.constant 0 : i32
      %dma_wait3A_21 = tpu.memref_slice %arg19[%get3A_0, %dma_wait3A_19, %dma_wait3A_20] : memref<4x1024x768xf32, #tpu.memory_space<vmem>> -> memref<1x1024x768xf32, #tpu.memory_space<vmem>>
      %dma_wait3A_22 = tpu.memref_squeeze %dma_wait3A_21 : memref<1x1024x768xf32, #tpu.memory_space<vmem>> -> memref<1024x768xf32, #tpu.memory_space<vmem>>
      %dma_wait3A_23 = arith.constant 0 : i32
      %dma_wait3A_24 = arith.constant 0 : i32
      %dma_wait3A_25 = tpu.memref_slice %arg14[%get3A_17, %dma_wait3A_23, %dma_wait3A_24] : memref<64x1024x768xf32, #tpu.memory_space<any>> -> memref<1x1024x768xf32, #tpu.memory_space<any>>
      %dma_wait3A_26 = tpu.memref_squeeze %dma_wait3A_25 : memref<1x1024x768xf32, #tpu.memory_space<any>> -> memref<1024x768xf32, #tpu.memory_space<any>>
      tpu.wait_dma2 semaphore(%dma_wait3A_18 : memref<!tpu.dma_semaphore, #tpu.memory_space<semaphore_mem>>) src(%dma_wait3A_26 : memref<1024x768xf32, #tpu.memory_space<any>>) dst(%dma_wait3A_22 : memref<1024x768xf32, #tpu.memory_space<vmem>>)
      %dma_wait3A_27 = tpu.memref_slice %arg22[%get3A_0] : memref<4x!tpu.dma_semaphore, #tpu.memory_space<semaphore_mem>> -> memref<1x!tpu.dma_semaphore, #tpu.memory_space<semaphore_mem>>
      %dma_wait3A_28 = tpu.memref_squeeze %dma_wait3A_27 : memref<1x!tpu.dma_semaphore, #tpu.memory_space<semaphore_mem>> -> memref<!tpu.dma_semaphore, #tpu.memory_space<semaphore_mem>>
      %dma_wait3A_29 = arith.constant 0 : i32
      %dma_wait3A_30 = arith.constant 0 : i32
      %dma_wait3A_31 = tpu.memref_slice %arg20[%get3A_0, %dma_wait3A_29, %dma_wait3A_30] : memref<4x768x512xf32, #tpu.memory_space<vmem>> -> memref<1x768x512xf32, #tpu.memory_space<vmem>>
      %dma_wait3A_32 = tpu.memref_squeeze %dma_wait3A_31 : memref<1x768x512xf32, #tpu.memory_space<vmem>> -> memref<768x512xf32, #tpu.memory_space<vmem>>
      %dma_wait3A_33 = arith.constant 0 : i32
      %dma_wait3A_34 = arith.constant 0 : i32
      %dma_wait3A_35 = tpu.memref_slice %arg15[%get3A_17, %dma_wait3A_33, %dma_wait3A_34] : memref<64x768x512xf32, #tpu.memory_space<any>> -> memref<1x768x512xf32, #tpu.memory_space<any>>
      %dma_wait3A_36 = tpu.memref_squeeze %dma_wait3A_35 : memref<1x768x512xf32, #tpu.memory_space<any>> -> memref<768x512xf32, #tpu.memory_space<any>>
      tpu.wait_dma2 semaphore(%dma_wait3A_28 : memref<!tpu.dma_semaphore, #tpu.memory_space<semaphore_mem>>) src(%dma_wait3A_36 : memref<768x512xf32, #tpu.memory_space<any>>) dst(%dma_wait3A_32 : memref<768x512xf32, #tpu.memory_space<vmem>>)
      %get3A_37 = arith.index_cast %arg0 : i32 to index
      %get3A_38 = memref.load %arg8[%get3A_37] : memref<128xi32, #tpu.memory_space<smem>>
      %gt3A_39 = arith.constant 0 : i32
      %gt3A_40 = arith.cmpi sgt, %get3A_38, %gt3A_39 : i32
      %convert_element_type3A_41 = arith.extui %gt3A_40 : i1 to i32
      %cond3A_42 = arith.constant 0 : i32
      %cond3A_43 = arith.cmpi ne, %convert_element_type3A_41, %cond3A_42 : i32
      scf.if %cond3A_43 {
        %add3A = arith.constant 3 : i32
        %add3A_44 = arith.addi %get3A_0, %add3A : i32
        %rem3A = arith.constant 4 : i32
        %rem3A_45 = arith.remsi %add3A_44, %rem3A : i32
        %get3A_46 = arith.index_cast %arg0 : i32 to index
        %get3A_47 = memref.load %arg7[%get3A_46] : memref<128xi32, #tpu.memory_space<smem>>
        %dma_start3A = tpu.memref_slice %arg21[%rem3A_45] : memref<4x!tpu.dma_semaphore, #tpu.memory_space<semaphore_mem>> -> memref<1x!tpu.dma_semaphore, #tpu.memory_space<semaphore_mem>>
        %dma_start3A_48 = tpu.memref_squeeze %dma_start3A : memref<1x!tpu.dma_semaphore, #tpu.memory_space<semaphore_mem>> -> memref<!tpu.dma_semaphore, #tpu.memory_space<semaphore_mem>>
        %dma_start3A_49 = arith.constant 0 : i32
        %dma_start3A_50 = arith.constant 0 : i32
        %dma_start3A_51 = tpu.memref_slice %arg19[%rem3A_45, %dma_start3A_49, %dma_start3A_50] : memref<4x1024x768xf32, #tpu.memory_space<vmem>> -> memref<1x1024x768xf32, #tpu.memory_space<vmem>>
        %dma_start3A_52 = tpu.memref_squeeze %dma_start3A_51 : memref<1x1024x768xf32, #tpu.memory_space<vmem>> -> memref<1024x768xf32, #tpu.memory_space<vmem>>
        %dma_start3A_53 = arith.constant 0 : i32
        %dma_start3A_54 = arith.constant 0 : i32
        %dma_start3A_55 = tpu.memref_slice %arg14[%get3A_47, %dma_start3A_53, %dma_start3A_54] : memref<64x1024x768xf32, #tpu.memory_space<any>> -> memref<1x1024x768xf32, #tpu.memory_space<any>>
        %dma_start3A_56 = tpu.memref_squeeze %dma_start3A_55 : memref<1x1024x768xf32, #tpu.memory_space<any>> -> memref<1024x768xf32, #tpu.memory_space<any>>
        tpu.enqueue_dma source(%dma_start3A_56 : memref<1024x768xf32, #tpu.memory_space<any>>) target(%dma_start3A_52 : memref<1024x768xf32, #tpu.memory_space<vmem>>) target_semaphore(%dma_start3A_48 : memref<!tpu.dma_semaphore, #tpu.memory_space<semaphore_mem>>)
        %dma_start3A_57 = tpu.memref_slice %arg22[%rem3A_45] : memref<4x!tpu.dma_semaphore, #tpu.memory_space<semaphore_mem>> -> memref<1x!tpu.dma_semaphore, #tpu.memory_space<semaphore_mem>>
        %dma_start3A_58 = tpu.memref_squeeze %dma_start3A_57 : memref<1x!tpu.dma_semaphore, #tpu.memory_space<semaphore_mem>> -> memref<!tpu.dma_semaphore, #tpu.memory_space<semaphore_mem>>
        %dma_start3A_59 = arith.constant 0 : i32
        %dma_start3A_60 = arith.constant 0 : i32
        %dma_start3A_61 = tpu.memref_slice %arg20[%rem3A_45, %dma_start3A_59, %dma_start3A_60] : memref<4x768x512xf32, #tpu.memory_space<vmem>> -> memref<1x768x512xf32, #tpu.memory_space<vmem>>
        %dma_start3A_62 = tpu.memref_squeeze %dma_start3A_61 : memref<1x768x512xf32, #tpu.memory_space<vmem>> -> memref<768x512xf32, #tpu.memory_space<vmem>>
        %dma_start3A_63 = arith.constant 0 : i32
        %dma_start3A_64 = arith.constant 0 : i32
        %dma_start3A_65 = tpu.memref_slice %arg15[%get3A_47, %dma_start3A_63, %dma_start3A_64] : memref<64x768x512xf32, #tpu.memory_space<any>> -> memref<1x768x512xf32, #tpu.memory_space<any>>
        %dma_start3A_66 = tpu.memref_squeeze %dma_start3A_65 : memref<1x768x512xf32, #tpu.memory_space<any>> -> memref<768x512xf32, #tpu.memory_space<any>>
        tpu.enqueue_dma source(%dma_start3A_66 : memref<768x512xf32, #tpu.memory_space<any>>) target(%dma_start3A_62 : memref<768x512xf32, #tpu.memory_space<vmem>>) target_semaphore(%dma_start3A_58 : memref<!tpu.dma_semaphore, #tpu.memory_space<semaphore_mem>>)
      } else {
      }
    } else {
    }
    %get3A_9 = arith.index_cast %arg0 : i32 to index
    %get3A_10 = memref.load %arg2[%get3A_9] : memref<128xi32, #tpu.memory_space<smem>>
    %gt3A_11 = arith.constant 0 : i32
    %gt3A_12 = arith.cmpi sgt, %get3A_10, %gt3A_11 : i32
    %convert_element_type3A_13 = arith.extui %gt3A_12 : i1 to i32
    %cond3A_14 = arith.constant 0 : i32
    %cond3A_15 = arith.cmpi ne, %convert_element_type3A_13, %cond3A_14 : i32
    scf.if %cond3A_15 {
      %rem3A = arith.constant 2 : i32
      %rem3A_16 = arith.remsi %arg0, %rem3A : i32
      %sub3A = arith.constant 1 : i32
      %sub3A_17 = arith.subi %sub3A, %rem3A_16 : i32
      %add3A = arith.constant 1 : i32
      %add3A_18 = arith.addi %arg0, %add3A : i32
      %min3A = arith.constant 127 : i32
      %min3A_19 = arith.minsi %add3A_18, %min3A : i32
      %mul3A = arith.constant 64 : i32
      %mul3A_20 = arith.muli %min3A_19, %mul3A : i32
      %add3A_21 = arith.constant 0 : i32
      %add3A_22 = arith.addi %mul3A_20, %add3A_21 : i32
      %get3A_23 = arith.index_cast %add3A_22 : i32 to index
      %get3A_24 = memref.load %arg4[%get3A_23] : memref<8192xi32, #tpu.memory_space<smem>>
      %get3A_25 = arith.index_cast %get3A_24 : i32 to index
      %get3A_26 = arith.constant 0 : index
      %get3A_27 = vector.load %arg13[%get3A_25, %get3A_26] : memref<2048x768xf32, #tpu.memory_space<vmem>>, vector<1x768xf32>
      %swap3A = arith.index_cast %sub3A_17 : i32 to index
      %swap3A_28 = arith.constant 0 : index
      %swap3A_29 = arith.constant 0 : index
      %swap3A_30 = vector.load %arg18[%swap3A, %swap3A_28, %swap3A_29] : memref<2x64x768xf32, #tpu.memory_space<vmem>>, vector<1x1x768xf32>
      %swap3A_31 = vector.shape_cast %swap3A_30 : vector<1x1x768xf32> to vector<1x768xf32>
      %swap3A_32 = vector.shape_cast %get3A_27 : vector<1x768xf32> to vector<1x1x768xf32>
      tpu.vector_store %arg18[%swap3A, %swap3A_28, %swap3A_29], %swap3A_32 {strides = array<i32>} : memref<2x64x768xf32, #tpu.memory_space<vmem>>, vector<1x1x768xf32>,
      %mul3A_33 = arith.constant 64 : i32
      %mul3A_34 = arith.muli %min3A_19, %mul3A_33 : i32
      %add3A_35 = arith.constant 1 : i32
      %add3A_36 = arith.addi %mul3A_34, %add3A_35 : i32
      %get3A_37 = arith.index_cast %add3A_36 : i32 to index
      %get3A_38 = memref.load %arg4[%get3A_37] : memref<8192xi32, #tpu.memory_space<smem>>
      %get3A_39 = arith.index_cast %get3A_38 : i32 to index
      %get3A_40 = arith.constant 0 : index
      %get3A_41 = vector.load %arg13[%get3A_39, %get3A_40] : memref<2048x768xf32, #tpu.memory_space<vmem>>, vector<1x768xf32>
      %swap3A_42 = arith.index_cast %sub3A_17 : i32 to index
      %swap3A_43 = arith.constant 1 : index
      %swap3A_44 = arith.constant 0 : index
      %swap3A_45 = vector.load %arg18[%swap3A_42, %swap3A_43, %swap3A_44] : memref<2x64x768xf32, #tpu.memory_space<vmem>>, vector<1x1x768xf32>
      %swap3A_46 = vector.shape_cast %swap3A_45 : vector<1x1x768xf32> to vector<1x768xf32>
      %swap3A_47 = vector.shape_cast %get3A_41 : vector<1x768xf32> to vector<1x1x768xf32>
      tpu.vector_store %arg18[%swap3A_42, %swap3A_43, %swap3A_44], %swap3A_47 {strides = array<i32>} : memref<2x64x768xf32, #tpu.memory_space<vmem>>, vector<1x1x768xf32>,
      %mul3A_48 = arith.constant 64 : i32
      %mul3A_49 = arith.muli %min3A_19, %mul3A_48 : i32
      %add3A_50 = arith.constant 2 : i32
      %add3A_51 = arith.addi %mul3A_49, %add3A_50 : i32
      %get3A_52 = arith.index_cast %add3A_51 : i32 to index
      %get3A_53 = memref.load %arg4[%get3A_52] : memref<8192xi32, #tpu.memory_space<smem>>
      %get3A_54 = arith.index_cast %get3A_53 : i32 to index
      %get3A_55 = arith.constant 0 : index
      %get3A_56 = vector.load %arg13[%get3A_54, %get3A_55] : memref<2048x768xf32, #tpu.memory_space<vmem>>, vector<1x768xf32>
      %swap3A_57 = arith.index_cast %sub3A_17 : i32 to index
      %swap3A_58 = arith.constant 2 : index
      %swap3A_59 = arith.constant 0 : index
      %swap3A_60 = vector.load %arg18[%swap3A_57, %swap3A_58, %swap3A_59] : memref<2x64x768xf32, #tpu.memory_space<vmem>>, vector<1x1x768xf32>
      %swap3A_61 = vector.shape_cast %swap3A_60 : vector<1x1x768xf32> to vector<1x768xf32>
      %swap3A_62 = vector.shape_cast %get3A_56 : vector<1x768xf32> to vector<1x1x768xf32>
      tpu.vector_store %arg18[%swap3A_57, %swap3A_58, %swap3A_59], %swap3A_62 {strides = array<i32>} : memref<2x64x768xf32, #tpu.memory_space<vmem>>, vector<1x1x768xf32>,
      %mul3A_63 = arith.constant 64 : i32
      %mul3A_64 = arith.muli %min3A_19, %mul3A_63 : i32
      %add3A_65 = arith.constant 3 : i32
      %add3A_66 = arith.addi %mul3A_64, %add3A_65 : i32
      %get3A_67 = arith.index_cast %add3A_66 : i32 to index
      %get3A_68 = memref.load %arg4[%get3A_67] : memref<8192xi32, #tpu.memory_space<smem>>
      %get3A_69 = arith.index_cast %get3A_68 : i32 to index
      %get3A_70 = arith.constant 0 : index
      %get3A_71 = vector.load %arg13[%get3A_69, %get3A_70] : memref<2048x768xf32, #tpu.memory_space<vmem>>, vector<1x768xf32>
      %swap3A_72 = arith.index_cast %sub3A_17 : i32 to index
      %swap3A_73 = arith.constant 3 : index
      %swap3A_74 = arith.constant 0 : index
      %swap3A_75 = vector.load %arg18[%swap3A_72, %swap3A_73, %swap3A_74] : memref<2x64x768xf32, #tpu.memory_space<vmem>>, vector<1x1x768xf32>
      %swap3A_76 = vector.shape_cast %swap3A_75 : vector<1x1x768xf32> to vector<1x768xf32>
      %swap3A_77 = vector.shape_cast %get3A_71 : vector<1x768xf32> to vector<1x1x768xf32>
      tpu.vector_store %arg18[%swap3A_72, %swap3A_73, %swap3A_74], %swap3A_77 {strides = array<i32>} : memref<2x64x768xf32, #tpu.memory_space<vmem>>, vector<1x1x768xf32>,
      %mul3A_78 = arith.constant 64 : i32
      %mul3A_79 = arith.muli %min3A_19, %mul3A_78 : i32
      %add3A_80 = arith.constant 4 : i32
      %add3A_81 = arith.addi %mul3A_79, %add3A_80 : i32
      %get3A_82 = arith.index_cast %add3A_81 : i32 to index
      %get3A_83 = memref.load %arg4[%get3A_82] : memref<8192xi32, #tpu.memory_space<smem>>
      %get3A_84 = arith.index_cast %get3A_83 : i32 to index
      %get3A_85 = arith.constant 0 : index
      %get3A_86 = vector.load %arg13[%get3A_84, %get3A_85] : memref<2048x768xf32, #tpu.memory_space<vmem>>, vector<1x768xf32>
      %swap3A_87 = arith.index_cast %sub3A_17 : i32 to index
      %swap3A_88 = arith.constant 4 : index
      %swap3A_89 = arith.constant 0 : index
      %swap3A_90 = vector.load %arg18[%swap3A_87, %swap3A_88, %swap3A_89] : memref<2x64x768xf32, #tpu.memory_space<vmem>>, vector<1x1x768xf32>
      %swap3A_91 = vector.shape_cast %swap3A_90 : vector<1x1x768xf32> to vector<1x768xf32>
      %swap3A_92 = vector.shape_cast %get3A_86 : vector<1x768xf32> to vector<1x1x768xf32>
      tpu.vector_store %arg18[%swap3A_87, %swap3A_88, %swap3A_89], %swap3A_92 {strides = array<i32>} : memref<2x64x768xf32, #tpu.memory_space<vmem>>, vector<1x1x768xf32>,
      %mul3A_93 = arith.constant 64 : i32
      %mul3A_94 = arith.muli %min3A_19, %mul3A_93 : i32
      %add3A_95 = arith.constant 5 : i32
      %add3A_96 = arith.addi %mul3A_94, %add3A_95 : i32
      %get3A_97 = arith.index_cast %add3A_96 : i32 to index
      %get3A_98 = memref.load %arg4[%get3A_97] : memref<8192xi32, #tpu.memory_space<smem>>
      %get3A_99 = arith.index_cast %get3A_98 : i32 to index
      %get3A_100 = arith.constant 0 : index
      %get3A_101 = vector.load %arg13[%get3A_99, %get3A_100] : memref<2048x768xf32, #tpu.memory_space<vmem>>, vector<1x768xf32>
      %swap3A_102 = arith.index_cast %sub3A_17 : i32 to index
      %swap3A_103 = arith.constant 5 : index
      %swap3A_104 = arith.constant 0 : index
      %swap3A_105 = vector.load %arg18[%swap3A_102, %swap3A_103, %swap3A_104] : memref<2x64x768xf32, #tpu.memory_space<vmem>>, vector<1x1x768xf32>
      %swap3A_106 = vector.shape_cast %swap3A_105 : vector<1x1x768xf32> to vector<1x768xf32>
      %swap3A_107 = vector.shape_cast %get3A_101 : vector<1x768xf32> to vector<1x1x768xf32>
      tpu.vector_store %arg18[%swap3A_102, %swap3A_103, %swap3A_104], %swap3A_107 {strides = array<i32>} : memref<2x64x768xf32, #tpu.memory_space<vmem>>, vector<1x1x768xf32>,
      %mul3A_108 = arith.constant 64 : i32
      %mul3A_109 = arith.muli %min3A_19, %mul3A_108 : i32
      %add3A_110 = arith.constant 6 : i32
      %add3A_111 = arith.addi %mul3A_109, %add3A_110 : i32
      %get3A_112 = arith.index_cast %add3A_111 : i32 to index
      %get3A_113 = memref.load %arg4[%get3A_112] : memref<8192xi32, #tpu.memory_space<smem>>
      %get3A_114 = arith.index_cast %get3A_113 : i32 to index
      %get3A_115 = arith.constant 0 : index
      %get3A_116 = vector.load %arg13[%get3A_114, %get3A_115] : memref<2048x768xf32, #tpu.memory_space<vmem>>, vector<1x768xf32>
      %swap3A_117 = arith.index_cast %sub3A_17 : i32 to index
      %swap3A_118 = arith.constant 6 : index
      %swap3A_119 = arith.constant 0 : index
      %swap3A_120 = vector.load %arg18[%swap3A_117, %swap3A_118, %swap3A_119] : memref<2x64x768xf32, #tpu.memory_space<vmem>>, vector<1x1x768xf32>
      %swap3A_121 = vector.shape_cast %swap3A_120 : vector<1x1x768xf32> to vector<1x768xf32>
      %swap3A_122 = vector.shape_cast %get3A_116 : vector<1x768xf32> to vector<1x1x768xf32>
      tpu.vector_store %arg18[%swap3A_117, %swap3A_118, %swap3A_119], %swap3A_122 {strides = array<i32>} : memref<2x64x768xf32, #tpu.memory_space<vmem>>, vector<1x1x768xf32>,
      %mul3A_123 = arith.constant 64 : i32
      %mul3A_124 = arith.muli %min3A_19, %mul3A_123 : i32
      %add3A_125 = arith.constant 7 : i32
      %add3A_126 = arith.addi %mul3A_124, %add3A_125 : i32
      %get3A_127 = arith.index_cast %add3A_126 : i32 to index
      %get3A_128 = memref.load %arg4[%get3A_127] : memref<8192xi32, #tpu.memory_space<smem>>
      %get3A_129 = arith.index_cast %get3A_128 : i32 to index
      %get3A_130 = arith.constant 0 : index
      %get3A_131 = vector.load %arg13[%get3A_129, %get3A_130] : memref<2048x768xf32, #tpu.memory_space<vmem>>, vector<1x768xf32>
      %swap3A_132 = arith.index_cast %sub3A_17 : i32 to index
      %swap3A_133 = arith.constant 7 : index
      %swap3A_134 = arith.constant 0 : index
      %swap3A_135 = vector.load %arg18[%swap3A_132, %swap3A_133, %swap3A_134] : memref<2x64x768xf32, #tpu.memory_space<vmem>>, vector<1x1x768xf32>
      %swap3A_136 = vector.shape_cast %swap3A_135 : vector<1x1x768xf32> to vector<1x768xf32>
      %swap3A_137 = vector.shape_cast %get3A_131 : vector<1x768xf32> to vector<1x1x768xf32>
      tpu.vector_store %arg18[%swap3A_132, %swap3A_133, %swap3A_134], %swap3A_137 {strides = array<i32>} : memref<2x64x768xf32, #tpu.memory_space<vmem>>, vector<1x1x768xf32>,
      %mul3A_138 = arith.constant 64 : i32
      %mul3A_139 = arith.muli %min3A_19, %mul3A_138 : i32
      %add3A_140 = arith.constant 8 : i32
      %add3A_141 = arith.addi %mul3A_139, %add3A_140 : i32
      %get3A_142 = arith.index_cast %add3A_141 : i32 to index
      %get3A_143 = memref.load %arg4[%get3A_142] : memref<8192xi32, #tpu.memory_space<smem>>
      %get3A_144 = arith.index_cast %get3A_143 : i32 to index
      %get3A_145 = arith.constant 0 : index
      %get3A_146 = vector.load %arg13[%get3A_144, %get3A_145] : memref<2048x768xf32, #tpu.memory_space<vmem>>, vector<1x768xf32>
      %swap3A_147 = arith.index_cast %sub3A_17 : i32 to index
      %swap3A_148 = arith.constant 8 : index
      %swap3A_149 = arith.constant 0 : index
      %swap3A_150 = vector.load %arg18[%swap3A_147, %swap3A_148, %swap3A_149] : memref<2x64x768xf32, #tpu.memory_space<vmem>>, vector<1x1x768xf32>
      %swap3A_151 = vector.shape_cast %swap3A_150 : vector<1x1x768xf32> to vector<1x768xf32>
      %swap3A_152 = vector.shape_cast %get3A_146 : vector<1x768xf32> to vector<1x1x768xf32>
      tpu.vector_store %arg18[%swap3A_147, %swap3A_148, %swap3A_149], %swap3A_152 {strides = array<i32>} : memref<2x64x768xf32, #tpu.memory_space<vmem>>, vector<1x1x768xf32>,
      %mul3A_153 = arith.constant 64 : i32
      %mul3A_154 = arith.muli %min3A_19, %mul3A_153 : i32
      %add3A_155 = arith.constant 9 : i32
      %add3A_156 = arith.addi %mul3A_154, %add3A_155 : i32
      %get3A_157 = arith.index_cast %add3A_156 : i32 to index
      %get3A_158 = memref.load %arg4[%get3A_157] : memref<8192xi32, #tpu.memory_space<smem>>
      %get3A_159 = arith.index_cast %get3A_158 : i32 to index
      %get3A_160 = arith.constant 0 : index
      %get3A_161 = vector.load %arg13[%get3A_159, %get3A_160] : memref<2048x768xf32, #tpu.memory_space<vmem>>, vector<1x768xf32>
      %swap3A_162 = arith.index_cast %sub3A_17 : i32 to index
      %swap3A_163 = arith.constant 9 : index
      %swap3A_164 = arith.constant 0 : index
      %swap3A_165 = vector.load %arg18[%swap3A_162, %swap3A_163, %swap3A_164] : memref<2x64x768xf32, #tpu.memory_space<vmem>>, vector<1x1x768xf32>
      %swap3A_166 = vector.shape_cast %swap3A_165 : vector<1x1x768xf32> to vector<1x768xf32>
      %swap3A_167 = vector.shape_cast %get3A_161 : vector<1x768xf32> to vector<1x1x768xf32>
      tpu.vector_store %arg18[%swap3A_162, %swap3A_163, %swap3A_164], %swap3A_167 {strides = array<i32>} : memref<2x64x768xf32, #tpu.memory_space<vmem>>, vector<1x1x768xf32>,
      %mul3A_168 = arith.constant 64 : i32
      %mul3A_169 = arith.muli %min3A_19, %mul3A_168 : i32
      %add3A_170 = arith.constant 10 : i32
      %add3A_171 = arith.addi %mul3A_169, %add3A_170 : i32
      %get3A_172 = arith.index_cast %add3A_171 : i32 to index
      %get3A_173 = memref.load %arg4[%get3A_172] : memref<8192xi32, #tpu.memory_space<smem>>
      %get3A_174 = arith.index_cast %get3A_173 : i32 to index
      %get3A_175 = arith.constant 0 : index
      %get3A_176 = vector.load %arg13[%get3A_174, %get3A_175] : memref<2048x768xf32, #tpu.memory_space<vmem>>, vector<1x768xf32>
      %swap3A_177 = arith.index_cast %sub3A_17 : i32 to index
      %swap3A_178 = arith.constant 10 : index
      %swap3A_179 = arith.constant 0 : index
      %swap3A_180 = vector.load %arg18[%swap3A_177, %swap3A_178, %swap3A_179] : memref<2x64x768xf32, #tpu.memory_space<vmem>>, vector<1x1x768xf32>
      %swap3A_181 = vector.shape_cast %swap3A_180 : vector<1x1x768xf32> to vector<1x768xf32>
      %swap3A_182 = vector.shape_cast %get3A_176 : vector<1x768xf32> to vector<1x1x768xf32>
      tpu.vector_store %arg18[%swap3A_177, %swap3A_178, %swap3A_179], %swap3A_182 {strides = array<i32>} : memref<2x64x768xf32, #tpu.memory_space<vmem>>, vector<1x1x768xf32>,
      %mul3A_183 = arith.constant 64 : i32
      %mul3A_184 = arith.muli %min3A_19, %mul3A_183 : i32
      %add3A_185 = arith.constant 11 : i32
      %add3A_186 = arith.addi %mul3A_184, %add3A_185 : i32
      %get3A_187 = arith.index_cast %add3A_186 : i32 to index
      %get3A_188 = memref.load %arg4[%get3A_187] : memref<8192xi32, #tpu.memory_space<smem>>
      %get3A_189 = arith.index_cast %get3A_188 : i32 to index
      %get3A_190 = arith.constant 0 : index
      %get3A_191 = vector.load %arg13[%get3A_189, %get3A_190] : memref<2048x768xf32, #tpu.memory_space<vmem>>, vector<1x768xf32>
      %swap3A_192 = arith.index_cast %sub3A_17 : i32 to index
      %swap3A_193 = arith.constant 11 : index
      %swap3A_194 = arith.constant 0 : index
      %swap3A_195 = vector.load %arg18[%swap3A_192, %swap3A_193, %swap3A_194] : memref<2x64x768xf32, #tpu.memory_space<vmem>>, vector<1x1x768xf32>
      %swap3A_196 = vector.shape_cast %swap3A_195 : vector<1x1x768xf32> to vector<1x768xf32>
      %swap3A_197 = vector.shape_cast %get3A_191 : vector<1x768xf32> to vector<1x1x768xf32>
      tpu.vector_store %arg18[%swap3A_192, %swap3A_193, %swap3A_194], %swap3A_197 {strides = array<i32>} : memref<2x64x768xf32, #tpu.memory_space<vmem>>, vector<1x1x768xf32>,
      %mul3A_198 = arith.constant 64 : i32
      %mul3A_199 = arith.muli %min3A_19, %mul3A_198 : i32
      %add3A_200 = arith.constant 12 : i32
      %add3A_201 = arith.addi %mul3A_199, %add3A_200 : i32
      %get3A_202 = arith.index_cast %add3A_201 : i32 to index
      %get3A_203 = memref.load %arg4[%get3A_202] : memref<8192xi32, #tpu.memory_space<smem>>
      %get3A_204 = arith.index_cast %get3A_203 : i32 to index
      %get3A_205 = arith.constant 0 : index
      %get3A_206 = vector.load %arg13[%get3A_204, %get3A_205] : memref<2048x768xf32, #tpu.memory_space<vmem>>, vector<1x768xf32>
      %swap3A_207 = arith.index_cast %sub3A_17 : i32 to index
      %swap3A_208 = arith.constant 12 : index
      %swap3A_209 = arith.constant 0 : index
      %swap3A_210 = vector.load %arg18[%swap3A_207, %swap3A_208, %swap3A_209] : memref<2x64x768xf32, #tpu.memory_space<vmem>>, vector<1x1x768xf32>
      %swap3A_211 = vector.shape_cast %swap3A_210 : vector<1x1x768xf32> to vector<1x768xf32>
      %swap3A_212 = vector.shape_cast %get3A_206 : vector<1x768xf32> to vector<1x1x768xf32>
      tpu.vector_store %arg18[%swap3A_207, %swap3A_208, %swap3A_209], %swap3A_212 {strides = array<i32>} : memref<2x64x768xf32, #tpu.memory_space<vmem>>, vector<1x1x768xf32>,
      %mul3A_213 = arith.constant 64 : i32
      %mul3A_214 = arith.muli %min3A_19, %mul3A_213 : i32
      %add3A_215 = arith.constant 13 : i32
      %add3A_216 = arith.addi %mul3A_214, %add3A_215 : i32
      %get3A_217 = arith.index_cast %add3A_216 : i32 to index
      %get3A_218 = memref.load %arg4[%get3A_217] : memref<8192xi32, #tpu.memory_space<smem>>
      %get3A_219 = arith.index_cast %get3A_218 : i32 to index
      %get3A_220 = arith.constant 0 : index
      %get3A_221 = vector.load %arg13[%get3A_219, %get3A_220] : memref<2048x768xf32, #tpu.memory_space<vmem>>, vector<1x768xf32>
      %swap3A_222 = arith.index_cast %sub3A_17 : i32 to index
      %swap3A_223 = arith.constant 13 : index
      %swap3A_224 = arith.constant 0 : index
      %swap3A_225 = vector.load %arg18[%swap3A_222, %swap3A_223, %swap3A_224] : memref<2x64x768xf32, #tpu.memory_space<vmem>>, vector<1x1x768xf32>
      %swap3A_226 = vector.shape_cast %swap3A_225 : vector<1x1x768xf32> to vector<1x768xf32>
      %swap3A_227 = vector.shape_cast %get3A_221 : vector<1x768xf32> to vector<1x1x768xf32>
      tpu.vector_store %arg18[%swap3A_222, %swap3A_223, %swap3A_224], %swap3A_227 {strides = array<i32>} : memref<2x64x768xf32, #tpu.memory_space<vmem>>, vector<1x1x768xf32>,
      %mul3A_228 = arith.constant 64 : i32
      %mul3A_229 = arith.muli %min3A_19, %mul3A_228 : i32
      %add3A_230 = arith.constant 14 : i32
      %add3A_231 = arith.addi %mul3A_229, %add3A_230 : i32
      %get3A_232 = arith.index_cast %add3A_231 : i32 to index
      %get3A_233 = memref.load %arg4[%get3A_232] : memref<8192xi32, #tpu.memory_space<smem>>
      %get3A_234 = arith.index_cast %get3A_233 : i32 to index
      %get3A_235 = arith.constant 0 : index
      %get3A_236 = vector.load %arg13[%get3A_234, %get3A_235] : memref<2048x768xf32, #tpu.memory_space<vmem>>, vector<1x768xf32>
      %swap3A_237 = arith.index_cast %sub3A_17 : i32 to index
      %swap3A_238 = arith.constant 14 : index
      %swap3A_239 = arith.constant 0 : index
      %swap3A_240 = vector.load %arg18[%swap3A_237, %swap3A_238, %swap3A_239] : memref<2x64x768xf32, #tpu.memory_space<vmem>>, vector<1x1x768xf32>
      %swap3A_241 = vector.shape_cast %swap3A_240 : vector<1x1x768xf32> to vector<1x768xf32>
      %swap3A_242 = vector.shape_cast %get3A_236 : vector<1x768xf32> to vector<1x1x768xf32>
      tpu.vector_store %arg18[%swap3A_237, %swap3A_238, %swap3A_239], %swap3A_242 {strides = array<i32>} : memref<2x64x768xf32, #tpu.memory_space<vmem>>, vector<1x1x768xf32>,
      %mul3A_243 = arith.constant 64 : i32
      %mul3A_244 = arith.muli %min3A_19, %mul3A_243 : i32
      %add3A_245 = arith.constant 15 : i32
      %add3A_246 = arith.addi %mul3A_244, %add3A_245 : i32
      %get3A_247 = arith.index_cast %add3A_246 : i32 to index
      %get3A_248 = memref.load %arg4[%get3A_247] : memref<8192xi32, #tpu.memory_space<smem>>
      %get3A_249 = arith.index_cast %get3A_248 : i32 to index
      %get3A_250 = arith.constant 0 : index
      %get3A_251 = vector.load %arg13[%get3A_249, %get3A_250] : memref<2048x768xf32, #tpu.memory_space<vmem>>, vector<1x768xf32>
      %swap3A_252 = arith.index_cast %sub3A_17 : i32 to index
      %swap3A_253 = arith.constant 15 : index
      %swap3A_254 = arith.constant 0 : index
      %swap3A_255 = vector.load %arg18[%swap3A_252, %swap3A_253, %swap3A_254] : memref<2x64x768xf32, #tpu.memory_space<vmem>>, vector<1x1x768xf32>
      %swap3A_256 = vector.shape_cast %swap3A_255 : vector<1x1x768xf32> to vector<1x768xf32>
      %swap3A_257 = vector.shape_cast %get3A_251 : vector<1x768xf32> to vector<1x1x768xf32>
      tpu.vector_store %arg18[%swap3A_252, %swap3A_253, %swap3A_254], %swap3A_257 {strides = array<i32>} : memref<2x64x768xf32, #tpu.memory_space<vmem>>, vector<1x1x768xf32>,
      %mul3A_258 = arith.constant 64 : i32
      %mul3A_259 = arith.muli %min3A_19, %mul3A_258 : i32
      %add3A_260 = arith.constant 16 : i32
      %add3A_261 = arith.addi %mul3A_259, %add3A_260 : i32
      %get3A_262 = arith.index_cast %add3A_261 : i32 to index
      %get3A_263 = memref.load %arg4[%get3A_262] : memref<8192xi32, #tpu.memory_space<smem>>
      %get3A_264 = arith.index_cast %get3A_263 : i32 to index
      %get3A_265 = arith.constant 0 : index
      %get3A_266 = vector.load %arg13[%get3A_264, %get3A_265] : memref<2048x768xf32, #tpu.memory_space<vmem>>, vector<1x768xf32>
      %swap3A_267 = arith.index_cast %sub3A_17 : i32 to index
      %swap3A_268 = arith.constant 16 : index
      %swap3A_269 = arith.constant 0 : index
      %swap3A_270 = vector.load %arg18[%swap3A_267, %swap3A_268, %swap3A_269] : memref<2x64x768xf32, #tpu.memory_space<vmem>>, vector<1x1x768xf32>
      %swap3A_271 = vector.shape_cast %swap3A_270 : vector<1x1x768xf32> to vector<1x768xf32>
      %swap3A_272 = vector.shape_cast %get3A_266 : vector<1x768xf32> to vector<1x1x768xf32>
      tpu.vector_store %arg18[%swap3A_267, %swap3A_268, %swap3A_269], %swap3A_272 {strides = array<i32>} : memref<2x64x768xf32, #tpu.memory_space<vmem>>, vector<1x1x768xf32>,
      %mul3A_273 = arith.constant 64 : i32
      %mul3A_274 = arith.muli %min3A_19, %mul3A_273 : i32
      %add3A_275 = arith.constant 17 : i32
      %add3A_276 = arith.addi %mul3A_274, %add3A_275 : i32
      %get3A_277 = arith.index_cast %add3A_276 : i32 to index
      %get3A_278 = memref.load %arg4[%get3A_277] : memref<8192xi32, #tpu.memory_space<smem>>
      %get3A_279 = arith.index_cast %get3A_278 : i32 to index
      %get3A_280 = arith.constant 0 : index
      %get3A_281 = vector.load %arg13[%get3A_279, %get3A_280] : memref<2048x768xf32, #tpu.memory_space<vmem>>, vector<1x768xf32>
      %swap3A_282 = arith.index_cast %sub3A_17 : i32 to index
      %swap3A_283 = arith.constant 17 : index
      %swap3A_284 = arith.constant 0 : index
      %swap3A_285 = vector.load %arg18[%swap3A_282, %swap3A_283, %swap3A_284] : memref<2x64x768xf32, #tpu.memory_space<vmem>>, vector<1x1x768xf32>
      %swap3A_286 = vector.shape_cast %swap3A_285 : vector<1x1x768xf32> to vector<1x768xf32>
      %swap3A_287 = vector.shape_cast %get3A_281 : vector<1x768xf32> to vector<1x1x768xf32>
      tpu.vector_store %arg18[%swap3A_282, %swap3A_283, %swap3A_284], %swap3A_287 {strides = array<i32>} : memref<2x64x768xf32, #tpu.memory_space<vmem>>, vector<1x1x768xf32>,
      %mul3A_288 = arith.constant 64 : i32
      %mul3A_289 = arith.muli %min3A_19, %mul3A_288 : i32
      %add3A_290 = arith.constant 18 : i32
      %add3A_291 = arith.addi %mul3A_289, %add3A_290 : i32
      %get3A_292 = arith.index_cast %add3A_291 : i32 to index
      %get3A_293 = memref.load %arg4[%get3A_292] : memref<8192xi32, #tpu.memory_space<smem>>
      %get3A_294 = arith.index_cast %get3A_293 : i32 to index
      %get3A_295 = arith.constant 0 : index
      %get3A_296 = vector.load %arg13[%get3A_294, %get3A_295] : memref<2048x768xf32, #tpu.memory_space<vmem>>, vector<1x768xf32>
      %swap3A_297 = arith.index_cast %sub3A_17 : i32 to index
      %swap3A_298 = arith.constant 18 : index
      %swap3A_299 = arith.constant 0 : index
      %swap3A_300 = vector.load %arg18[%swap3A_297, %swap3A_298, %swap3A_299] : memref<2x64x768xf32, #tpu.memory_space<vmem>>, vector<1x1x768xf32>
      %swap3A_301 = vector.shape_cast %swap3A_300 : vector<1x1x768xf32> to vector<1x768xf32>
      %swap3A_302 = vector.shape_cast %get3A_296 : vector<1x768xf32> to vector<1x1x768xf32>
      tpu.vector_store %arg18[%swap3A_297, %swap3A_298, %swap3A_299], %swap3A_302 {strides = array<i32>} : memref<2x64x768xf32, #tpu.memory_space<vmem>>, vector<1x1x768xf32>,
      %mul3A_303 = arith.constant 64 : i32
      %mul3A_304 = arith.muli %min3A_19, %mul3A_303 : i32
      %add3A_305 = arith.constant 19 : i32
      %add3A_306 = arith.addi %mul3A_304, %add3A_305 : i32
      %get3A_307 = arith.index_cast %add3A_306 : i32 to index
      %get3A_308 = memref.load %arg4[%get3A_307] : memref<8192xi32, #tpu.memory_space<smem>>
      %get3A_309 = arith.index_cast %get3A_308 : i32 to index
      %get3A_310 = arith.constant 0 : index
      %get3A_311 = vector.load %arg13[%get3A_309, %get3A_310] : memref<2048x768xf32, #tpu.memory_space<vmem>>, vector<1x768xf32>
      %swap3A_312 = arith.index_cast %sub3A_17 : i32 to index
      %swap3A_313 = arith.constant 19 : index
      %swap3A_314 = arith.constant 0 : index
      %swap3A_315 = vector.load %arg18[%swap3A_312, %swap3A_313, %swap3A_314] : memref<2x64x768xf32, #tpu.memory_space<vmem>>, vector<1x1x768xf32>
      %swap3A_316 = vector.shape_cast %swap3A_315 : vector<1x1x768xf32> to vector<1x768xf32>
      %swap3A_317 = vector.shape_cast %get3A_311 : vector<1x768xf32> to vector<1x1x768xf32>
      tpu.vector_store %arg18[%swap3A_312, %swap3A_313, %swap3A_314], %swap3A_317 {strides = array<i32>} : memref<2x64x768xf32, #tpu.memory_space<vmem>>, vector<1x1x768xf32>,
      %mul3A_318 = arith.constant 64 : i32
      %mul3A_319 = arith.muli %min3A_19, %mul3A_318 : i32
      %add3A_320 = arith.constant 20 : i32
      %add3A_321 = arith.addi %mul3A_319, %add3A_320 : i32
      %get3A_322 = arith.index_cast %add3A_321 : i32 to index
      %get3A_323 = memref.load %arg4[%get3A_322] : memref<8192xi32, #tpu.memory_space<smem>>
      %get3A_324 = arith.index_cast %get3A_323 : i32 to index
      %get3A_325 = arith.constant 0 : index
      %get3A_326 = vector.load %arg13[%get3A_324, %get3A_325] : memref<2048x768xf32, #tpu.memory_space<vmem>>, vector<1x768xf32>
      %swap3A_327 = arith.index_cast %sub3A_17 : i32 to index
      %swap3A_328 = arith.constant 20 : index
      %swap3A_329 = arith.constant 0 : index
      %swap3A_330 = vector.load %arg18[%swap3A_327, %swap3A_328, %swap3A_329] : memref<2x64x768xf32, #tpu.memory_space<vmem>>, vector<1x1x768xf32>
      %swap3A_331 = vector.shape_cast %swap3A_330 : vector<1x1x768xf32> to vector<1x768xf32>
      %swap3A_332 = vector.shape_cast %get3A_326 : vector<1x768xf32> to vector<1x1x768xf32>
      tpu.vector_store %arg18[%swap3A_327, %swap3A_328, %swap3A_329], %swap3A_332 {strides = array<i32>} : memref<2x64x768xf32, #tpu.memory_space<vmem>>, vector<1x1x768xf32>,
      %mul3A_333 = arith.constant 64 : i32
      %mul3A_334 = arith.muli %min3A_19, %mul3A_333 : i32
      %add3A_335 = arith.constant 21 : i32
      %add3A_336 = arith.addi %mul3A_334, %add3A_335 : i32
      %get3A_337 = arith.index_cast %add3A_336 : i32 to index
      %get3A_338 = memref.load %arg4[%get3A_337] : memref<8192xi32, #tpu.memory_space<smem>>
      %get3A_339 = arith.index_cast %get3A_338 : i32 to index
      %get3A_340 = arith.constant 0 : index
      %get3A_341 = vector.load %arg13[%get3A_339, %get3A_340] : memref<2048x768xf32, #tpu.memory_space<vmem>>, vector<1x768xf32>
      %swap3A_342 = arith.index_cast %sub3A_17 : i32 to index
      %swap3A_343 = arith.constant 21 : index
      %swap3A_344 = arith.constant 0 : index
      %swap3A_345 = vector.load %arg18[%swap3A_342, %swap3A_343, %swap3A_344] : memref<2x64x768xf32, #tpu.memory_space<vmem>>, vector<1x1x768xf32>
      %swap3A_346 = vector.shape_cast %swap3A_345 : vector<1x1x768xf32> to vector<1x768xf32>
      %swap3A_347 = vector.shape_cast %get3A_341 : vector<1x768xf32> to vector<1x1x768xf32>
      tpu.vector_store %arg18[%swap3A_342, %swap3A_343, %swap3A_344], %swap3A_347 {strides = array<i32>} : memref<2x64x768xf32, #tpu.memory_space<vmem>>, vector<1x1x768xf32>,
      %mul3A_348 = arith.constant 64 : i32
      %mul3A_349 = arith.muli %min3A_19, %mul3A_348 : i32
      %add3A_350 = arith.constant 22 : i32
      %add3A_351 = arith.addi %mul3A_349, %add3A_350 : i32
      %get3A_352 = arith.index_cast %add3A_351 : i32 to index
      %get3A_353 = memref.load %arg4[%get3A_352] : memref<8192xi32, #tpu.memory_space<smem>>
      %get3A_354 = arith.index_cast %get3A_353 : i32 to index
      %get3A_355 = arith.constant 0 : index
      %get3A_356 = vector.load %arg13[%get3A_354, %get3A_355] : memref<2048x768xf32, #tpu.memory_space<vmem>>, vector<1x768xf32>
      %swap3A_357 = arith.index_cast %sub3A_17 : i32 to index
      %swap3A_358 = arith.constant 22 : index
      %swap3A_359 = arith.constant 0 : index
      %swap3A_360 = vector.load %arg18[%swap3A_357, %swap3A_358, %swap3A_359] : memref<2x64x768xf32, #tpu.memory_space<vmem>>, vector<1x1x768xf32>
      %swap3A_361 = vector.shape_cast %swap3A_360 : vector<1x1x768xf32> to vector<1x768xf32>
      %swap3A_362 = vector.shape_cast %get3A_356 : vector<1x768xf32> to vector<1x1x768xf32>
      tpu.vector_store %arg18[%swap3A_357, %swap3A_358, %swap3A_359], %swap3A_362 {strides = array<i32>} : memref<2x64x768xf32, #tpu.memory_space<vmem>>, vector<1x1x768xf32>,
      %mul3A_363 = arith.constant 64 : i32
      %mul3A_364 = arith.muli %min3A_19, %mul3A_363 : i32
      %add3A_365 = arith.constant 23 : i32
      %add3A_366 = arith.addi %mul3A_364, %add3A_365 : i32
      %get3A_367 = arith.index_cast %add3A_366 : i32 to index
      %get3A_368 = memref.load %arg4[%get3A_367] : memref<8192xi32, #tpu.memory_space<smem>>
      %get3A_369 = arith.index_cast %get3A_368 : i32 to index
      %get3A_370 = arith.constant 0 : index
      %get3A_371 = vector.load %arg13[%get3A_369, %get3A_370] : memref<2048x768xf32, #tpu.memory_space<vmem>>, vector<1x768xf32>
      %swap3A_372 = arith.index_cast %sub3A_17 : i32 to index
      %swap3A_373 = arith.constant 23 : index
      %swap3A_374 = arith.constant 0 : index
      %swap3A_375 = vector.load %arg18[%swap3A_372, %swap3A_373, %swap3A_374] : memref<2x64x768xf32, #tpu.memory_space<vmem>>, vector<1x1x768xf32>
      %swap3A_376 = vector.shape_cast %swap3A_375 : vector<1x1x768xf32> to vector<1x768xf32>
      %swap3A_377 = vector.shape_cast %get3A_371 : vector<1x768xf32> to vector<1x1x768xf32>
      tpu.vector_store %arg18[%swap3A_372, %swap3A_373, %swap3A_374], %swap3A_377 {strides = array<i32>} : memref<2x64x768xf32, #tpu.memory_space<vmem>>, vector<1x1x768xf32>,
      %mul3A_378 = arith.constant 64 : i32
      %mul3A_379 = arith.muli %min3A_19, %mul3A_378 : i32
      %add3A_380 = arith.constant 24 : i32
      %add3A_381 = arith.addi %mul3A_379, %add3A_380 : i32
      %get3A_382 = arith.index_cast %add3A_381 : i32 to index
      %get3A_383 = memref.load %arg4[%get3A_382] : memref<8192xi32, #tpu.memory_space<smem>>
      %get3A_384 = arith.index_cast %get3A_383 : i32 to index
      %get3A_385 = arith.constant 0 : index
      %get3A_386 = vector.load %arg13[%get3A_384, %get3A_385] : memref<2048x768xf32, #tpu.memory_space<vmem>>, vector<1x768xf32>
      %swap3A_387 = arith.index_cast %sub3A_17 : i32 to index
      %swap3A_388 = arith.constant 24 : index
      %swap3A_389 = arith.constant 0 : index
      %swap3A_390 = vector.load %arg18[%swap3A_387, %swap3A_388, %swap3A_389] : memref<2x64x768xf32, #tpu.memory_space<vmem>>, vector<1x1x768xf32>
      %swap3A_391 = vector.shape_cast %swap3A_390 : vector<1x1x768xf32> to vector<1x768xf32>
      %swap3A_392 = vector.shape_cast %get3A_386 : vector<1x768xf32> to vector<1x1x768xf32>
      tpu.vector_store %arg18[%swap3A_387, %swap3A_388, %swap3A_389], %swap3A_392 {strides = array<i32>} : memref<2x64x768xf32, #tpu.memory_space<vmem>>, vector<1x1x768xf32>,
      %mul3A_393 = arith.constant 64 : i32
      %mul3A_394 = arith.muli %min3A_19, %mul3A_393 : i32
      %add3A_395 = arith.constant 25 : i32
      %add3A_396 = arith.addi %mul3A_394, %add3A_395 : i32
      %get3A_397 = arith.index_cast %add3A_396 : i32 to index
      %get3A_398 = memref.load %arg4[%get3A_397] : memref<8192xi32, #tpu.memory_space<smem>>
      %get3A_399 = arith.index_cast %get3A_398 : i32 to index
      %get3A_400 = arith.constant 0 : index
      %get3A_401 = vector.load %arg13[%get3A_399, %get3A_400] : memref<2048x768xf32, #tpu.memory_space<vmem>>, vector<1x768xf32>
      %swap3A_402 = arith.index_cast %sub3A_17 : i32 to index
      %swap3A_403 = arith.constant 25 : index
      %swap3A_404 = arith.constant 0 : index
      %swap3A_405 = vector.load %arg18[%swap3A_402, %swap3A_403, %swap3A_404] : memref<2x64x768xf32, #tpu.memory_space<vmem>>, vector<1x1x768xf32>
      %swap3A_406 = vector.shape_cast %swap3A_405 : vector<1x1x768xf32> to vector<1x768xf32>
      %swap3A_407 = vector.shape_cast %get3A_401 : vector<1x768xf32> to vector<1x1x768xf32>
      tpu.vector_store %arg18[%swap3A_402, %swap3A_403, %swap3A_404], %swap3A_407 {strides = array<i32>} : memref<2x64x768xf32, #tpu.memory_space<vmem>>, vector<1x1x768xf32>,
      %mul3A_408 = arith.constant 64 : i32
      %mul3A_409 = arith.muli %min3A_19, %mul3A_408 : i32
      %add3A_410 = arith.constant 26 : i32
      %add3A_411 = arith.addi %mul3A_409, %add3A_410 : i32
      %get3A_412 = arith.index_cast %add3A_411 : i32 to index
      %get3A_413 = memref.load %arg4[%get3A_412] : memref<8192xi32, #tpu.memory_space<smem>>
      %get3A_414 = arith.index_cast %get3A_413 : i32 to index
      %get3A_415 = arith.constant 0 : index
      %get3A_416 = vector.load %arg13[%get3A_414, %get3A_415] : memref<2048x768xf32, #tpu.memory_space<vmem>>, vector<1x768xf32>
      %swap3A_417 = arith.index_cast %sub3A_17 : i32 to index
      %swap3A_418 = arith.constant 26 : index
      %swap3A_419 = arith.constant 0 : index
      %swap3A_420 = vector.load %arg18[%swap3A_417, %swap3A_418, %swap3A_419] : memref<2x64x768xf32, #tpu.memory_space<vmem>>, vector<1x1x768xf32>
      %swap3A_421 = vector.shape_cast %swap3A_420 : vector<1x1x768xf32> to vector<1x768xf32>
      %swap3A_422 = vector.shape_cast %get3A_416 : vector<1x768xf32> to vector<1x1x768xf32>
      tpu.vector_store %arg18[%swap3A_417, %swap3A_418, %swap3A_419], %swap3A_422 {strides = array<i32>} : memref<2x64x768xf32, #tpu.memory_space<vmem>>, vector<1x1x768xf32>,
      %mul3A_423 = arith.constant 64 : i32
      %mul3A_424 = arith.muli %min3A_19, %mul3A_423 : i32
      %add3A_425 = arith.constant 27 : i32
      %add3A_426 = arith.addi %mul3A_424, %add3A_425 : i32
      %get3A_427 = arith.index_cast %add3A_426 : i32 to index
      %get3A_428 = memref.load %arg4[%get3A_427] : memref<8192xi32, #tpu.memory_space<smem>>
      %get3A_429 = arith.index_cast %get3A_428 : i32 to index
      %get3A_430 = arith.constant 0 : index
      %get3A_431 = vector.load %arg13[%get3A_429, %get3A_430] : memref<2048x768xf32, #tpu.memory_space<vmem>>, vector<1x768xf32>
      %swap3A_432 = arith.index_cast %sub3A_17 : i32 to index
      %swap3A_433 = arith.constant 27 : index
      %swap3A_434 = arith.constant 0 : index
      %swap3A_435 = vector.load %arg18[%swap3A_432, %swap3A_433, %swap3A_434] : memref<2x64x768xf32, #tpu.memory_space<vmem>>, vector<1x1x768xf32>
      %swap3A_436 = vector.shape_cast %swap3A_435 : vector<1x1x768xf32> to vector<1x768xf32>
      %swap3A_437 = vector.shape_cast %get3A_431 : vector<1x768xf32> to vector<1x1x768xf32>
      tpu.vector_store %arg18[%swap3A_432, %swap3A_433, %swap3A_434], %swap3A_437 {strides = array<i32>} : memref<2x64x768xf32, #tpu.memory_space<vmem>>, vector<1x1x768xf32>,
      %mul3A_438 = arith.constant 64 : i32
      %mul3A_439 = arith.muli %min3A_19, %mul3A_438 : i32
      %add3A_440 = arith.constant 28 : i32
      %add3A_441 = arith.addi %mul3A_439, %add3A_440 : i32
      %get3A_442 = arith.index_cast %add3A_441 : i32 to index
      %get3A_443 = memref.load %arg4[%get3A_442] : memref<8192xi32, #tpu.memory_space<smem>>
      %get3A_444 = arith.index_cast %get3A_443 : i32 to index
      %get3A_445 = arith.constant 0 : index
      %get3A_446 = vector.load %arg13[%get3A_444, %get3A_445] : memref<2048x768xf32, #tpu.memory_space<vmem>>, vector<1x768xf32>
      %swap3A_447 = arith.index_cast %sub3A_17 : i32 to index
      %swap3A_448 = arith.constant 28 : index
      %swap3A_449 = arith.constant 0 : index
      %swap3A_450 = vector.load %arg18[%swap3A_447, %swap3A_448, %swap3A_449] : memref<2x64x768xf32, #tpu.memory_space<vmem>>, vector<1x1x768xf32>
      %swap3A_451 = vector.shape_cast %swap3A_450 : vector<1x1x768xf32> to vector<1x768xf32>
      %swap3A_452 = vector.shape_cast %get3A_446 : vector<1x768xf32> to vector<1x1x768xf32>
      tpu.vector_store %arg18[%swap3A_447, %swap3A_448, %swap3A_449], %swap3A_452 {strides = array<i32>} : memref<2x64x768xf32, #tpu.memory_space<vmem>>, vector<1x1x768xf32>,
      %mul3A_453 = arith.constant 64 : i32
      %mul3A_454 = arith.muli %min3A_19, %mul3A_453 : i32
      %add3A_455 = arith.constant 29 : i32
      %add3A_456 = arith.addi %mul3A_454, %add3A_455 : i32
      %get3A_457 = arith.index_cast %add3A_456 : i32 to index
      %get3A_458 = memref.load %arg4[%get3A_457] : memref<8192xi32, #tpu.memory_space<smem>>
      %get3A_459 = arith.index_cast %get3A_458 : i32 to index
      %get3A_460 = arith.constant 0 : index
      %get3A_461 = vector.load %arg13[%get3A_459, %get3A_460] : memref<2048x768xf32, #tpu.memory_space<vmem>>, vector<1x768xf32>
      %swap3A_462 = arith.index_cast %sub3A_17 : i32 to index
      %swap3A_463 = arith.constant 29 : index
      %swap3A_464 = arith.constant 0 : index
      %swap3A_465 = vector.load %arg18[%swap3A_462, %swap3A_463, %swap3A_464] : memref<2x64x768xf32, #tpu.memory_space<vmem>>, vector<1x1x768xf32>
      %swap3A_466 = vector.shape_cast %swap3A_465 : vector<1x1x768xf32> to vector<1x768xf32>
      %swap3A_467 = vector.shape_cast %get3A_461 : vector<1x768xf32> to vector<1x1x768xf32>
      tpu.vector_store %arg18[%swap3A_462, %swap3A_463, %swap3A_464], %swap3A_467 {strides = array<i32>} : memref<2x64x768xf32, #tpu.memory_space<vmem>>, vector<1x1x768xf32>,
      %mul3A_468 = arith.constant 64 : i32
      %mul3A_469 = arith.muli %min3A_19, %mul3A_468 : i32
      %add3A_470 = arith.constant 30 : i32
      %add3A_471 = arith.addi %mul3A_469, %add3A_470 : i32
      %get3A_472 = arith.index_cast %add3A_471 : i32 to index
      %get3A_473 = memref.load %arg4[%get3A_472] : memref<8192xi32, #tpu.memory_space<smem>>
      %get3A_474 = arith.index_cast %get3A_473 : i32 to index
      %get3A_475 = arith.constant 0 : index
      %get3A_476 = vector.load %arg13[%get3A_474, %get3A_475] : memref<2048x768xf32, #tpu.memory_space<vmem>>, vector<1x768xf32>
      %swap3A_477 = arith.index_cast %sub3A_17 : i32 to index
      %swap3A_478 = arith.constant 30 : index
      %swap3A_479 = arith.constant 0 : index
      %swap3A_480 = vector.load %arg18[%swap3A_477, %swap3A_478, %swap3A_479] : memref<2x64x768xf32, #tpu.memory_space<vmem>>, vector<1x1x768xf32>
      %swap3A_481 = vector.shape_cast %swap3A_480 : vector<1x1x768xf32> to vector<1x768xf32>
      %swap3A_482 = vector.shape_cast %get3A_476 : vector<1x768xf32> to vector<1x1x768xf32>
      tpu.vector_store %arg18[%swap3A_477, %swap3A_478, %swap3A_479], %swap3A_482 {strides = array<i32>} : memref<2x64x768xf32, #tpu.memory_space<vmem>>, vector<1x1x768xf32>,
      %mul3A_483 = arith.constant 64 : i32
      %mul3A_484 = arith.muli %min3A_19, %mul3A_483 : i32
      %add3A_485 = arith.constant 31 : i32
      %add3A_486 = arith.addi %mul3A_484, %add3A_485 : i32
      %get3A_487 = arith.index_cast %add3A_486 : i32 to index
      %get3A_488 = memref.load %arg4[%get3A_487] : memref<8192xi32, #tpu.memory_space<smem>>
      %get3A_489 = arith.index_cast %get3A_488 : i32 to index
      %get3A_490 = arith.constant 0 : index
      %get3A_491 = vector.load %arg13[%get3A_489, %get3A_490] : memref<2048x768xf32, #tpu.memory_space<vmem>>, vector<1x768xf32>
      %swap3A_492 = arith.index_cast %sub3A_17 : i32 to index
      %swap3A_493 = arith.constant 31 : index
      %swap3A_494 = arith.constant 0 : index
      %swap3A_495 = vector.load %arg18[%swap3A_492, %swap3A_493, %swap3A_494] : memref<2x64x768xf32, #tpu.memory_space<vmem>>, vector<1x1x768xf32>
      %swap3A_496 = vector.shape_cast %swap3A_495 : vector<1x1x768xf32> to vector<1x768xf32>
      %swap3A_497 = vector.shape_cast %get3A_491 : vector<1x768xf32> to vector<1x1x768xf32>
      tpu.vector_store %arg18[%swap3A_492, %swap3A_493, %swap3A_494], %swap3A_497 {strides = array<i32>} : memref<2x64x768xf32, #tpu.memory_space<vmem>>, vector<1x1x768xf32>,
      %mul3A_498 = arith.constant 64 : i32
      %mul3A_499 = arith.muli %min3A_19, %mul3A_498 : i32
      %add3A_500 = arith.constant 32 : i32
      %add3A_501 = arith.addi %mul3A_499, %add3A_500 : i32
      %get3A_502 = arith.index_cast %add3A_501 : i32 to index
      %get3A_503 = memref.load %arg4[%get3A_502] : memref<8192xi32, #tpu.memory_space<smem>>
      %get3A_504 = arith.index_cast %get3A_503 : i32 to index
      %get3A_505 = arith.constant 0 : index
      %get3A_506 = vector.load %arg13[%get3A_504, %get3A_505] : memref<2048x768xf32, #tpu.memory_space<vmem>>, vector<1x768xf32>
      %swap3A_507 = arith.index_cast %sub3A_17 : i32 to index
      %swap3A_508 = arith.constant 32 : index
      %swap3A_509 = arith.constant 0 : index
      %swap3A_510 = vector.load %arg18[%swap3A_507, %swap3A_508, %swap3A_509] : memref<2x64x768xf32, #tpu.memory_space<vmem>>, vector<1x1x768xf32>
      %swap3A_511 = vector.shape_cast %swap3A_510 : vector<1x1x768xf32> to vector<1x768xf32>
      %swap3A_512 = vector.shape_cast %get3A_506 : vector<1x768xf32> to vector<1x1x768xf32>
      tpu.vector_store %arg18[%swap3A_507, %swap3A_508, %swap3A_509], %swap3A_512 {strides = array<i32>} : memref<2x64x768xf32, #tpu.memory_space<vmem>>, vector<1x1x768xf32>,
      %mul3A_513 = arith.constant 64 : i32
      %mul3A_514 = arith.muli %min3A_19, %mul3A_513 : i32
      %add3A_515 = arith.constant 33 : i32
      %add3A_516 = arith.addi %mul3A_514, %add3A_515 : i32
      %get3A_517 = arith.index_cast %add3A_516 : i32 to index
      %get3A_518 = memref.load %arg4[%get3A_517] : memref<8192xi32, #tpu.memory_space<smem>>
      %get3A_519 = arith.index_cast %get3A_518 : i32 to index
      %get3A_520 = arith.constant 0 : index
      %get3A_521 = vector.load %arg13[%get3A_519, %get3A_520] : memref<2048x768xf32, #tpu.memory_space<vmem>>, vector<1x768xf32>
      %swap3A_522 = arith.index_cast %sub3A_17 : i32 to index
      %swap3A_523 = arith.constant 33 : index
      %swap3A_524 = arith.constant 0 : index
      %swap3A_525 = vector.load %arg18[%swap3A_522, %swap3A_523, %swap3A_524] : memref<2x64x768xf32, #tpu.memory_space<vmem>>, vector<1x1x768xf32>
      %swap3A_526 = vector.shape_cast %swap3A_525 : vector<1x1x768xf32> to vector<1x768xf32>
      %swap3A_527 = vector.shape_cast %get3A_521 : vector<1x768xf32> to vector<1x1x768xf32>
      tpu.vector_store %arg18[%swap3A_522, %swap3A_523, %swap3A_524], %swap3A_527 {strides = array<i32>} : memref<2x64x768xf32, #tpu.memory_space<vmem>>, vector<1x1x768xf32>,
      %mul3A_528 = arith.constant 64 : i32
      %mul3A_529 = arith.muli %min3A_19, %mul3A_528 : i32
      %add3A_530 = arith.constant 34 : i32
      %add3A_531 = arith.addi %mul3A_529, %add3A_530 : i32
      %get3A_532 = arith.index_cast %add3A_531 : i32 to index
      %get3A_533 = memref.load %arg4[%get3A_532] : memref<8192xi32, #tpu.memory_space<smem>>
      %get3A_534 = arith.index_cast %get3A_533 : i32 to index
      %get3A_535 = arith.constant 0 : index
      %get3A_536 = vector.load %arg13[%get3A_534, %get3A_535] : memref<2048x768xf32, #tpu.memory_space<vmem>>, vector<1x768xf32>
      %swap3A_537 = arith.index_cast %sub3A_17 : i32 to index
      %swap3A_538 = arith.constant 34 : index
      %swap3A_539 = arith.constant 0 : index
      %swap3A_540 = vector.load %arg18[%swap3A_537, %swap3A_538, %swap3A_539] : memref<2x64x768xf32, #tpu.memory_space<vmem>>, vector<1x1x768xf32>
      %swap3A_541 = vector.shape_cast %swap3A_540 : vector<1x1x768xf32> to vector<1x768xf32>
      %swap3A_542 = vector.shape_cast %get3A_536 : vector<1x768xf32> to vector<1x1x768xf32>
      tpu.vector_store %arg18[%swap3A_537, %swap3A_538, %swap3A_539], %swap3A_542 {strides = array<i32>} : memref<2x64x768xf32, #tpu.memory_space<vmem>>, vector<1x1x768xf32>,
      %mul3A_543 = arith.constant 64 : i32
      %mul3A_544 = arith.muli %min3A_19, %mul3A_543 : i32
      %add3A_545 = arith.constant 35 : i32
      %add3A_546 = arith.addi %mul3A_544, %add3A_545 : i32
      %get3A_547 = arith.index_cast %add3A_546 : i32 to index
      %get3A_548 = memref.load %arg4[%get3A_547] : memref<8192xi32, #tpu.memory_space<smem>>
      %get3A_549 = arith.index_cast %get3A_548 : i32 to index
      %get3A_550 = arith.constant 0 : index
      %get3A_551 = vector.load %arg13[%get3A_549, %get3A_550] : memref<2048x768xf32, #tpu.memory_space<vmem>>, vector<1x768xf32>
      %swap3A_552 = arith.index_cast %sub3A_17 : i32 to index
      %swap3A_553 = arith.constant 35 : index
      %swap3A_554 = arith.constant 0 : index
      %swap3A_555 = vector.load %arg18[%swap3A_552, %swap3A_553, %swap3A_554] : memref<2x64x768xf32, #tpu.memory_space<vmem>>, vector<1x1x768xf32>
      %swap3A_556 = vector.shape_cast %swap3A_555 : vector<1x1x768xf32> to vector<1x768xf32>
      %swap3A_557 = vector.shape_cast %get3A_551 : vector<1x768xf32> to vector<1x1x768xf32>
      tpu.vector_store %arg18[%swap3A_552, %swap3A_553, %swap3A_554], %swap3A_557 {strides = array<i32>} : memref<2x64x768xf32, #tpu.memory_space<vmem>>, vector<1x1x768xf32>,
      %mul3A_558 = arith.constant 64 : i32
      %mul3A_559 = arith.muli %min3A_19, %mul3A_558 : i32
      %add3A_560 = arith.constant 36 : i32
      %add3A_561 = arith.addi %mul3A_559, %add3A_560 : i32
      %get3A_562 = arith.index_cast %add3A_561 : i32 to index
      %get3A_563 = memref.load %arg4[%get3A_562] : memref<8192xi32, #tpu.memory_space<smem>>
      %get3A_564 = arith.index_cast %get3A_563 : i32 to index
      %get3A_565 = arith.constant 0 : index
      %get3A_566 = vector.load %arg13[%get3A_564, %get3A_565] : memref<2048x768xf32, #tpu.memory_space<vmem>>, vector<1x768xf32>
      %swap3A_567 = arith.index_cast %sub3A_17 : i32 to index
      %swap3A_568 = arith.constant 36 : index
      %swap3A_569 = arith.constant 0 : index
      %swap3A_570 = vector.load %arg18[%swap3A_567, %swap3A_568, %swap3A_569] : memref<2x64x768xf32, #tpu.memory_space<vmem>>, vector<1x1x768xf32>
      %swap3A_571 = vector.shape_cast %swap3A_570 : vector<1x1x768xf32> to vector<1x768xf32>
      %swap3A_572 = vector.shape_cast %get3A_566 : vector<1x768xf32> to vector<1x1x768xf32>
      tpu.vector_store %arg18[%swap3A_567, %swap3A_568, %swap3A_569], %swap3A_572 {strides = array<i32>} : memref<2x64x768xf32, #tpu.memory_space<vmem>>, vector<1x1x768xf32>,
      %mul3A_573 = arith.constant 64 : i32
      %mul3A_574 = arith.muli %min3A_19, %mul3A_573 : i32
      %add3A_575 = arith.constant 37 : i32
      %add3A_576 = arith.addi %mul3A_574, %add3A_575 : i32
      %get3A_577 = arith.index_cast %add3A_576 : i32 to index
      %get3A_578 = memref.load %arg4[%get3A_577] : memref<8192xi32, #tpu.memory_space<smem>>
      %get3A_579 = arith.index_cast %get3A_578 : i32 to index
      %get3A_580 = arith.constant 0 : index
      %get3A_581 = vector.load %arg13[%get3A_579, %get3A_580] : memref<2048x768xf32, #tpu.memory_space<vmem>>, vector<1x768xf32>
      %swap3A_582 = arith.index_cast %sub3A_17 : i32 to index
      %swap3A_583 = arith.constant 37 : index
      %swap3A_584 = arith.constant 0 : index
      %swap3A_585 = vector.load %arg18[%swap3A_582, %swap3A_583, %swap3A_584] : memref<2x64x768xf32, #tpu.memory_space<vmem>>, vector<1x1x768xf32>
      %swap3A_586 = vector.shape_cast %swap3A_585 : vector<1x1x768xf32> to vector<1x768xf32>
      %swap3A_587 = vector.shape_cast %get3A_581 : vector<1x768xf32> to vector<1x1x768xf32>
      tpu.vector_store %arg18[%swap3A_582, %swap3A_583, %swap3A_584], %swap3A_587 {strides = array<i32>} : memref<2x64x768xf32, #tpu.memory_space<vmem>>, vector<1x1x768xf32>,
      %mul3A_588 = arith.constant 64 : i32
      %mul3A_589 = arith.muli %min3A_19, %mul3A_588 : i32
      %add3A_590 = arith.constant 38 : i32
      %add3A_591 = arith.addi %mul3A_589, %add3A_590 : i32
      %get3A_592 = arith.index_cast %add3A_591 : i32 to index
      %get3A_593 = memref.load %arg4[%get3A_592] : memref<8192xi32, #tpu.memory_space<smem>>
      %get3A_594 = arith.index_cast %get3A_593 : i32 to index
      %get3A_595 = arith.constant 0 : index
      %get3A_596 = vector.load %arg13[%get3A_594, %get3A_595] : memref<2048x768xf32, #tpu.memory_space<vmem>>, vector<1x768xf32>
      %swap3A_597 = arith.index_cast %sub3A_17 : i32 to index
      %swap3A_598 = arith.constant 38 : index
      %swap3A_599 = arith.constant 0 : index
      %swap3A_600 = vector.load %arg18[%swap3A_597, %swap3A_598, %swap3A_599] : memref<2x64x768xf32, #tpu.memory_space<vmem>>, vector<1x1x768xf32>
      %swap3A_601 = vector.shape_cast %swap3A_600 : vector<1x1x768xf32> to vector<1x768xf32>
      %swap3A_602 = vector.shape_cast %get3A_596 : vector<1x768xf32> to vector<1x1x768xf32>
      tpu.vector_store %arg18[%swap3A_597, %swap3A_598, %swap3A_599], %swap3A_602 {strides = array<i32>} : memref<2x64x768xf32, #tpu.memory_space<vmem>>, vector<1x1x768xf32>,
      %mul3A_603 = arith.constant 64 : i32
      %mul3A_604 = arith.muli %min3A_19, %mul3A_603 : i32
      %add3A_605 = arith.constant 39 : i32
      %add3A_606 = arith.addi %mul3A_604, %add3A_605 : i32
      %get3A_607 = arith.index_cast %add3A_606 : i32 to index
      %get3A_608 = memref.load %arg4[%get3A_607] : memref<8192xi32, #tpu.memory_space<smem>>
      %get3A_609 = arith.index_cast %get3A_608 : i32 to index
      %get3A_610 = arith.constant 0 : index
      %get3A_611 = vector.load %arg13[%get3A_609, %get3A_610] : memref<2048x768xf32, #tpu.memory_space<vmem>>, vector<1x768xf32>
      %swap3A_612 = arith.index_cast %sub3A_17 : i32 to index
      %swap3A_613 = arith.constant 39 : index
      %swap3A_614 = arith.constant 0 : index
      %swap3A_615 = vector.load %arg18[%swap3A_612, %swap3A_613, %swap3A_614] : memref<2x64x768xf32, #tpu.memory_space<vmem>>, vector<1x1x768xf32>
      %swap3A_616 = vector.shape_cast %swap3A_615 : vector<1x1x768xf32> to vector<1x768xf32>
      %swap3A_617 = vector.shape_cast %get3A_611 : vector<1x768xf32> to vector<1x1x768xf32>
      tpu.vector_store %arg18[%swap3A_612, %swap3A_613, %swap3A_614], %swap3A_617 {strides = array<i32>} : memref<2x64x768xf32, #tpu.memory_space<vmem>>, vector<1x1x768xf32>,
      %mul3A_618 = arith.constant 64 : i32
      %mul3A_619 = arith.muli %min3A_19, %mul3A_618 : i32
      %add3A_620 = arith.constant 40 : i32
      %add3A_621 = arith.addi %mul3A_619, %add3A_620 : i32
      %get3A_622 = arith.index_cast %add3A_621 : i32 to index
      %get3A_623 = memref.load %arg4[%get3A_622] : memref<8192xi32, #tpu.memory_space<smem>>
      %get3A_624 = arith.index_cast %get3A_623 : i32 to index
      %get3A_625 = arith.constant 0 : index
      %get3A_626 = vector.load %arg13[%get3A_624, %get3A_625] : memref<2048x768xf32, #tpu.memory_space<vmem>>, vector<1x768xf32>
      %swap3A_627 = arith.index_cast %sub3A_17 : i32 to index
      %swap3A_628 = arith.constant 40 : index
      %swap3A_629 = arith.constant 0 : index
      %swap3A_630 = vector.load %arg18[%swap3A_627, %swap3A_628, %swap3A_629] : memref<2x64x768xf32, #tpu.memory_space<vmem>>, vector<1x1x768xf32>
      %swap3A_631 = vector.shape_cast %swap3A_630 : vector<1x1x768xf32> to vector<1x768xf32>
      %swap3A_632 = vector.shape_cast %get3A_626 : vector<1x768xf32> to vector<1x1x768xf32>
      tpu.vector_store %arg18[%swap3A_627, %swap3A_628, %swap3A_629], %swap3A_632 {strides = array<i32>} : memref<2x64x768xf32, #tpu.memory_space<vmem>>, vector<1x1x768xf32>,
      %mul3A_633 = arith.constant 64 : i32
      %mul3A_634 = arith.muli %min3A_19, %mul3A_633 : i32
      %add3A_635 = arith.constant 41 : i32
      %add3A_636 = arith.addi %mul3A_634, %add3A_635 : i32
      %get3A_637 = arith.index_cast %add3A_636 : i32 to index
      %get3A_638 = memref.load %arg4[%get3A_637] : memref<8192xi32, #tpu.memory_space<smem>>
      %get3A_639 = arith.index_cast %get3A_638 : i32 to index
      %get3A_640 = arith.constant 0 : index
      %get3A_641 = vector.load %arg13[%get3A_639, %get3A_640] : memref<2048x768xf32, #tpu.memory_space<vmem>>, vector<1x768xf32>
      %swap3A_642 = arith.index_cast %sub3A_17 : i32 to index
      %swap3A_643 = arith.constant 41 : index
      %swap3A_644 = arith.constant 0 : index
      %swap3A_645 = vector.load %arg18[%swap3A_642, %swap3A_643, %swap3A_644] : memref<2x64x768xf32, #tpu.memory_space<vmem>>, vector<1x1x768xf32>
      %swap3A_646 = vector.shape_cast %swap3A_645 : vector<1x1x768xf32> to vector<1x768xf32>
      %swap3A_647 = vector.shape_cast %get3A_641 : vector<1x768xf32> to vector<1x1x768xf32>
      tpu.vector_store %arg18[%swap3A_642, %swap3A_643, %swap3A_644], %swap3A_647 {strides = array<i32>} : memref<2x64x768xf32, #tpu.memory_space<vmem>>, vector<1x1x768xf32>,
      %mul3A_648 = arith.constant 64 : i32
      %mul3A_649 = arith.muli %min3A_19, %mul3A_648 : i32
      %add3A_650 = arith.constant 42 : i32
      %add3A_651 = arith.addi %mul3A_649, %add3A_650 : i32
      %get3A_652 = arith.index_cast %add3A_651 : i32 to index
      %get3A_653 = memref.load %arg4[%get3A_652] : memref<8192xi32, #tpu.memory_space<smem>>
      %get3A_654 = arith.index_cast %get3A_653 : i32 to index
      %get3A_655 = arith.constant 0 : index
      %get3A_656 = vector.load %arg13[%get3A_654, %get3A_655] : memref<2048x768xf32, #tpu.memory_space<vmem>>, vector<1x768xf32>
      %swap3A_657 = arith.index_cast %sub3A_17 : i32 to index
      %swap3A_658 = arith.constant 42 : index
      %swap3A_659 = arith.constant 0 : index
      %swap3A_660 = vector.load %arg18[%swap3A_657, %swap3A_658, %swap3A_659] : memref<2x64x768xf32, #tpu.memory_space<vmem>>, vector<1x1x768xf32>
      %swap3A_661 = vector.shape_cast %swap3A_660 : vector<1x1x768xf32> to vector<1x768xf32>
      %swap3A_662 = vector.shape_cast %get3A_656 : vector<1x768xf32> to vector<1x1x768xf32>
      tpu.vector_store %arg18[%swap3A_657, %swap3A_658, %swap3A_659], %swap3A_662 {strides = array<i32>} : memref<2x64x768xf32, #tpu.memory_space<vmem>>, vector<1x1x768xf32>,
      %mul3A_663 = arith.constant 64 : i32
      %mul3A_664 = arith.muli %min3A_19, %mul3A_663 : i32
      %add3A_665 = arith.constant 43 : i32
      %add3A_666 = arith.addi %mul3A_664, %add3A_665 : i32
      %get3A_667 = arith.index_cast %add3A_666 : i32 to index
      %get3A_668 = memref.load %arg4[%get3A_667] : memref<8192xi32, #tpu.memory_space<smem>>
      %get3A_669 = arith.index_cast %get3A_668 : i32 to index
      %get3A_670 = arith.constant 0 : index
      %get3A_671 = vector.load %arg13[%get3A_669, %get3A_670] : memref<2048x768xf32, #tpu.memory_space<vmem>>, vector<1x768xf32>
      %swap3A_672 = arith.index_cast %sub3A_17 : i32 to index
      %swap3A_673 = arith.constant 43 : index
      %swap3A_674 = arith.constant 0 : index
      %swap3A_675 = vector.load %arg18[%swap3A_672, %swap3A_673, %swap3A_674] : memref<2x64x768xf32, #tpu.memory_space<vmem>>, vector<1x1x768xf32>
      %swap3A_676 = vector.shape_cast %swap3A_675 : vector<1x1x768xf32> to vector<1x768xf32>
      %swap3A_677 = vector.shape_cast %get3A_671 : vector<1x768xf32> to vector<1x1x768xf32>
      tpu.vector_store %arg18[%swap3A_672, %swap3A_673, %swap3A_674], %swap3A_677 {strides = array<i32>} : memref<2x64x768xf32, #tpu.memory_space<vmem>>, vector<1x1x768xf32>,
      %mul3A_678 = arith.constant 64 : i32
      %mul3A_679 = arith.muli %min3A_19, %mul3A_678 : i32
      %add3A_680 = arith.constant 44 : i32
      %add3A_681 = arith.addi %mul3A_679, %add3A_680 : i32
      %get3A_682 = arith.index_cast %add3A_681 : i32 to index
      %get3A_683 = memref.load %arg4[%get3A_682] : memref<8192xi32, #tpu.memory_space<smem>>
      %get3A_684 = arith.index_cast %get3A_683 : i32 to index
      %get3A_685 = arith.constant 0 : index
      %get3A_686 = vector.load %arg13[%get3A_684, %get3A_685] : memref<2048x768xf32, #tpu.memory_space<vmem>>, vector<1x768xf32>
      %swap3A_687 = arith.index_cast %sub3A_17 : i32 to index
      %swap3A_688 = arith.constant 44 : index
      %swap3A_689 = arith.constant 0 : index
      %swap3A_690 = vector.load %arg18[%swap3A_687, %swap3A_688, %swap3A_689] : memref<2x64x768xf32, #tpu.memory_space<vmem>>, vector<1x1x768xf32>
      %swap3A_691 = vector.shape_cast %swap3A_690 : vector<1x1x768xf32> to vector<1x768xf32>
      %swap3A_692 = vector.shape_cast %get3A_686 : vector<1x768xf32> to vector<1x1x768xf32>
      tpu.vector_store %arg18[%swap3A_687, %swap3A_688, %swap3A_689], %swap3A_692 {strides = array<i32>} : memref<2x64x768xf32, #tpu.memory_space<vmem>>, vector<1x1x768xf32>,
      %mul3A_693 = arith.constant 64 : i32
      %mul3A_694 = arith.muli %min3A_19, %mul3A_693 : i32
      %add3A_695 = arith.constant 45 : i32
      %add3A_696 = arith.addi %mul3A_694, %add3A_695 : i32
      %get3A_697 = arith.index_cast %add3A_696 : i32 to index
      %get3A_698 = memref.load %arg4[%get3A_697] : memref<8192xi32, #tpu.memory_space<smem>>
      %get3A_699 = arith.index_cast %get3A_698 : i32 to index
      %get3A_700 = arith.constant 0 : index
      %get3A_701 = vector.load %arg13[%get3A_699, %get3A_700] : memref<2048x768xf32, #tpu.memory_space<vmem>>, vector<1x768xf32>
      %swap3A_702 = arith.index_cast %sub3A_17 : i32 to index
      %swap3A_703 = arith.constant 45 : index
      %swap3A_704 = arith.constant 0 : index
      %swap3A_705 = vector.load %arg18[%swap3A_702, %swap3A_703, %swap3A_704] : memref<2x64x768xf32, #tpu.memory_space<vmem>>, vector<1x1x768xf32>
      %swap3A_706 = vector.shape_cast %swap3A_705 : vector<1x1x768xf32> to vector<1x768xf32>
      %swap3A_707 = vector.shape_cast %get3A_701 : vector<1x768xf32> to vector<1x1x768xf32>
      tpu.vector_store %arg18[%swap3A_702, %swap3A_703, %swap3A_704], %swap3A_707 {strides = array<i32>} : memref<2x64x768xf32, #tpu.memory_space<vmem>>, vector<1x1x768xf32>,
      %mul3A_708 = arith.constant 64 : i32
      %mul3A_709 = arith.muli %min3A_19, %mul3A_708 : i32
      %add3A_710 = arith.constant 46 : i32
      %add3A_711 = arith.addi %mul3A_709, %add3A_710 : i32
      %get3A_712 = arith.index_cast %add3A_711 : i32 to index
      %get3A_713 = memref.load %arg4[%get3A_712] : memref<8192xi32, #tpu.memory_space<smem>>
      %get3A_714 = arith.index_cast %get3A_713 : i32 to index
      %get3A_715 = arith.constant 0 : index
      %get3A_716 = vector.load %arg13[%get3A_714, %get3A_715] : memref<2048x768xf32, #tpu.memory_space<vmem>>, vector<1x768xf32>
      %swap3A_717 = arith.index_cast %sub3A_17 : i32 to index
      %swap3A_718 = arith.constant 46 : index
      %swap3A_719 = arith.constant 0 : index
      %swap3A_720 = vector.load %arg18[%swap3A_717, %swap3A_718, %swap3A_719] : memref<2x64x768xf32, #tpu.memory_space<vmem>>, vector<1x1x768xf32>
      %swap3A_721 = vector.shape_cast %swap3A_720 : vector<1x1x768xf32> to vector<1x768xf32>
      %swap3A_722 = vector.shape_cast %get3A_716 : vector<1x768xf32> to vector<1x1x768xf32>
      tpu.vector_store %arg18[%swap3A_717, %swap3A_718, %swap3A_719], %swap3A_722 {strides = array<i32>} : memref<2x64x768xf32, #tpu.memory_space<vmem>>, vector<1x1x768xf32>,
      %mul3A_723 = arith.constant 64 : i32
      %mul3A_724 = arith.muli %min3A_19, %mul3A_723 : i32
      %add3A_725 = arith.constant 47 : i32
      %add3A_726 = arith.addi %mul3A_724, %add3A_725 : i32
      %get3A_727 = arith.index_cast %add3A_726 : i32 to index
      %get3A_728 = memref.load %arg4[%get3A_727] : memref<8192xi32, #tpu.memory_space<smem>>
      %get3A_729 = arith.index_cast %get3A_728 : i32 to index
      %get3A_730 = arith.constant 0 : index
      %get3A_731 = vector.load %arg13[%get3A_729, %get3A_730] : memref<2048x768xf32, #tpu.memory_space<vmem>>, vector<1x768xf32>
      %swap3A_732 = arith.index_cast %sub3A_17 : i32 to index
      %swap3A_733 = arith.constant 47 : index
      %swap3A_734 = arith.constant 0 : index
      %swap3A_735 = vector.load %arg18[%swap3A_732, %swap3A_733, %swap3A_734] : memref<2x64x768xf32, #tpu.memory_space<vmem>>, vector<1x1x768xf32>
      %swap3A_736 = vector.shape_cast %swap3A_735 : vector<1x1x768xf32> to vector<1x768xf32>
      %swap3A_737 = vector.shape_cast %get3A_731 : vector<1x768xf32> to vector<1x1x768xf32>
      tpu.vector_store %arg18[%swap3A_732, %swap3A_733, %swap3A_734], %swap3A_737 {strides = array<i32>} : memref<2x64x768xf32, #tpu.memory_space<vmem>>, vector<1x1x768xf32>,
      %mul3A_738 = arith.constant 64 : i32
      %mul3A_739 = arith.muli %min3A_19, %mul3A_738 : i32
      %add3A_740 = arith.constant 48 : i32
      %add3A_741 = arith.addi %mul3A_739, %add3A_740 : i32
      %get3A_742 = arith.index_cast %add3A_741 : i32 to index
      %get3A_743 = memref.load %arg4[%get3A_742] : memref<8192xi32, #tpu.memory_space<smem>>
      %get3A_744 = arith.index_cast %get3A_743 : i32 to index
      %get3A_745 = arith.constant 0 : index
      %get3A_746 = vector.load %arg13[%get3A_744, %get3A_745] : memref<2048x768xf32, #tpu.memory_space<vmem>>, vector<1x768xf32>
      %swap3A_747 = arith.index_cast %sub3A_17 : i32 to index
      %swap3A_748 = arith.constant 48 : index
      %swap3A_749 = arith.constant 0 : index
      %swap3A_750 = vector.load %arg18[%swap3A_747, %swap3A_748, %swap3A_749] : memref<2x64x768xf32, #tpu.memory_space<vmem>>, vector<1x1x768xf32>
      %swap3A_751 = vector.shape_cast %swap3A_750 : vector<1x1x768xf32> to vector<1x768xf32>
      %swap3A_752 = vector.shape_cast %get3A_746 : vector<1x768xf32> to vector<1x1x768xf32>
      tpu.vector_store %arg18[%swap3A_747, %swap3A_748, %swap3A_749], %swap3A_752 {strides = array<i32>} : memref<2x64x768xf32, #tpu.memory_space<vmem>>, vector<1x1x768xf32>,
      %mul3A_753 = arith.constant 64 : i32
      %mul3A_754 = arith.muli %min3A_19, %mul3A_753 : i32
      %add3A_755 = arith.constant 49 : i32
      %add3A_756 = arith.addi %mul3A_754, %add3A_755 : i32
      %get3A_757 = arith.index_cast %add3A_756 : i32 to index
      %get3A_758 = memref.load %arg4[%get3A_757] : memref<8192xi32, #tpu.memory_space<smem>>
      %get3A_759 = arith.index_cast %get3A_758 : i32 to index
      %get3A_760 = arith.constant 0 : index
      %get3A_761 = vector.load %arg13[%get3A_759, %get3A_760] : memref<2048x768xf32, #tpu.memory_space<vmem>>, vector<1x768xf32>
      %swap3A_762 = arith.index_cast %sub3A_17 : i32 to index
      %swap3A_763 = arith.constant 49 : index
      %swap3A_764 = arith.constant 0 : index
      %swap3A_765 = vector.load %arg18[%swap3A_762, %swap3A_763, %swap3A_764] : memref<2x64x768xf32, #tpu.memory_space<vmem>>, vector<1x1x768xf32>
      %swap3A_766 = vector.shape_cast %swap3A_765 : vector<1x1x768xf32> to vector<1x768xf32>
      %swap3A_767 = vector.shape_cast %get3A_761 : vector<1x768xf32> to vector<1x1x768xf32>
      tpu.vector_store %arg18[%swap3A_762, %swap3A_763, %swap3A_764], %swap3A_767 {strides = array<i32>} : memref<2x64x768xf32, #tpu.memory_space<vmem>>, vector<1x1x768xf32>,
      %mul3A_768 = arith.constant 64 : i32
      %mul3A_769 = arith.muli %min3A_19, %mul3A_768 : i32
      %add3A_770 = arith.constant 50 : i32
      %add3A_771 = arith.addi %mul3A_769, %add3A_770 : i32
      %get3A_772 = arith.index_cast %add3A_771 : i32 to index
      %get3A_773 = memref.load %arg4[%get3A_772] : memref<8192xi32, #tpu.memory_space<smem>>
      %get3A_774 = arith.index_cast %get3A_773 : i32 to index
      %get3A_775 = arith.constant 0 : index
      %get3A_776 = vector.load %arg13[%get3A_774, %get3A_775] : memref<2048x768xf32, #tpu.memory_space<vmem>>, vector<1x768xf32>
      %swap3A_777 = arith.index_cast %sub3A_17 : i32 to index
      %swap3A_778 = arith.constant 50 : index
      %swap3A_779 = arith.constant 0 : index
      %swap3A_780 = vector.load %arg18[%swap3A_777, %swap3A_778, %swap3A_779] : memref<2x64x768xf32, #tpu.memory_space<vmem>>, vector<1x1x768xf32>
      %swap3A_781 = vector.shape_cast %swap3A_780 : vector<1x1x768xf32> to vector<1x768xf32>
      %swap3A_782 = vector.shape_cast %get3A_776 : vector<1x768xf32> to vector<1x1x768xf32>
      tpu.vector_store %arg18[%swap3A_777, %swap3A_778, %swap3A_779], %swap3A_782 {strides = array<i32>} : memref<2x64x768xf32, #tpu.memory_space<vmem>>, vector<1x1x768xf32>,
      %mul3A_783 = arith.constant 64 : i32
      %mul3A_784 = arith.muli %min3A_19, %mul3A_783 : i32
      %add3A_785 = arith.constant 51 : i32
      %add3A_786 = arith.addi %mul3A_784, %add3A_785 : i32
      %get3A_787 = arith.index_cast %add3A_786 : i32 to index
      %get3A_788 = memref.load %arg4[%get3A_787] : memref<8192xi32, #tpu.memory_space<smem>>
      %get3A_789 = arith.index_cast %get3A_788 : i32 to index
      %get3A_790 = arith.constant 0 : index
      %get3A_791 = vector.load %arg13[%get3A_789, %get3A_790] : memref<2048x768xf32, #tpu.memory_space<vmem>>, vector<1x768xf32>
      %swap3A_792 = arith.index_cast %sub3A_17 : i32 to index
      %swap3A_793 = arith.constant 51 : index
      %swap3A_794 = arith.constant 0 : index
      %swap3A_795 = vector.load %arg18[%swap3A_792, %swap3A_793, %swap3A_794] : memref<2x64x768xf32, #tpu.memory_space<vmem>>, vector<1x1x768xf32>
      %swap3A_796 = vector.shape_cast %swap3A_795 : vector<1x1x768xf32> to vector<1x768xf32>
      %swap3A_797 = vector.shape_cast %get3A_791 : vector<1x768xf32> to vector<1x1x768xf32>
      tpu.vector_store %arg18[%swap3A_792, %swap3A_793, %swap3A_794], %swap3A_797 {strides = array<i32>} : memref<2x64x768xf32, #tpu.memory_space<vmem>>, vector<1x1x768xf32>,
      %mul3A_798 = arith.constant 64 : i32
      %mul3A_799 = arith.muli %min3A_19, %mul3A_798 : i32
      %add3A_800 = arith.constant 52 : i32
      %add3A_801 = arith.addi %mul3A_799, %add3A_800 : i32
      %get3A_802 = arith.index_cast %add3A_801 : i32 to index
      %get3A_803 = memref.load %arg4[%get3A_802] : memref<8192xi32, #tpu.memory_space<smem>>
      %get3A_804 = arith.index_cast %get3A_803 : i32 to index
      %get3A_805 = arith.constant 0 : index
      %get3A_806 = vector.load %arg13[%get3A_804, %get3A_805] : memref<2048x768xf32, #tpu.memory_space<vmem>>, vector<1x768xf32>
      %swap3A_807 = arith.index_cast %sub3A_17 : i32 to index
      %swap3A_808 = arith.constant 52 : index
      %swap3A_809 = arith.constant 0 : index
      %swap3A_810 = vector.load %arg18[%swap3A_807, %swap3A_808, %swap3A_809] : memref<2x64x768xf32, #tpu.memory_space<vmem>>, vector<1x1x768xf32>
      %swap3A_811 = vector.shape_cast %swap3A_810 : vector<1x1x768xf32> to vector<1x768xf32>
      %swap3A_812 = vector.shape_cast %get3A_806 : vector<1x768xf32> to vector<1x1x768xf32>
      tpu.vector_store %arg18[%swap3A_807, %swap3A_808, %swap3A_809], %swap3A_812 {strides = array<i32>} : memref<2x64x768xf32, #tpu.memory_space<vmem>>, vector<1x1x768xf32>,
      %mul3A_813 = arith.constant 64 : i32
      %mul3A_814 = arith.muli %min3A_19, %mul3A_813 : i32
      %add3A_815 = arith.constant 53 : i32
      %add3A_816 = arith.addi %mul3A_814, %add3A_815 : i32
      %get3A_817 = arith.index_cast %add3A_816 : i32 to index
      %get3A_818 = memref.load %arg4[%get3A_817] : memref<8192xi32, #tpu.memory_space<smem>>
      %get3A_819 = arith.index_cast %get3A_818 : i32 to index
      %get3A_820 = arith.constant 0 : index
      %get3A_821 = vector.load %arg13[%get3A_819, %get3A_820] : memref<2048x768xf32, #tpu.memory_space<vmem>>, vector<1x768xf32>
      %swap3A_822 = arith.index_cast %sub3A_17 : i32 to index
      %swap3A_823 = arith.constant 53 : index
      %swap3A_824 = arith.constant 0 : index
      %swap3A_825 = vector.load %arg18[%swap3A_822, %swap3A_823, %swap3A_824] : memref<2x64x768xf32, #tpu.memory_space<vmem>>, vector<1x1x768xf32>
      %swap3A_826 = vector.shape_cast %swap3A_825 : vector<1x1x768xf32> to vector<1x768xf32>
      %swap3A_827 = vector.shape_cast %get3A_821 : vector<1x768xf32> to vector<1x1x768xf32>
      tpu.vector_store %arg18[%swap3A_822, %swap3A_823, %swap3A_824], %swap3A_827 {strides = array<i32>} : memref<2x64x768xf32, #tpu.memory_space<vmem>>, vector<1x1x768xf32>,
      %mul3A_828 = arith.constant 64 : i32
      %mul3A_829 = arith.muli %min3A_19, %mul3A_828 : i32
      %add3A_830 = arith.constant 54 : i32
      %add3A_831 = arith.addi %mul3A_829, %add3A_830 : i32
      %get3A_832 = arith.index_cast %add3A_831 : i32 to index
      %get3A_833 = memref.load %arg4[%get3A_832] : memref<8192xi32, #tpu.memory_space<smem>>
      %get3A_834 = arith.index_cast %get3A_833 : i32 to index
      %get3A_835 = arith.constant 0 : index
      %get3A_836 = vector.load %arg13[%get3A_834, %get3A_835] : memref<2048x768xf32, #tpu.memory_space<vmem>>, vector<1x768xf32>
      %swap3A_837 = arith.index_cast %sub3A_17 : i32 to index
      %swap3A_838 = arith.constant 54 : index
      %swap3A_839 = arith.constant 0 : index
      %swap3A_840 = vector.load %arg18[%swap3A_837, %swap3A_838, %swap3A_839] : memref<2x64x768xf32, #tpu.memory_space<vmem>>, vector<1x1x768xf32>
      %swap3A_841 = vector.shape_cast %swap3A_840 : vector<1x1x768xf32> to vector<1x768xf32>
      %swap3A_842 = vector.shape_cast %get3A_836 : vector<1x768xf32> to vector<1x1x768xf32>
      tpu.vector_store %arg18[%swap3A_837, %swap3A_838, %swap3A_839], %swap3A_842 {strides = array<i32>} : memref<2x64x768xf32, #tpu.memory_space<vmem>>, vector<1x1x768xf32>,
      %mul3A_843 = arith.constant 64 : i32
      %mul3A_844 = arith.muli %min3A_19, %mul3A_843 : i32
      %add3A_845 = arith.constant 55 : i32
      %add3A_846 = arith.addi %mul3A_844, %add3A_845 : i32
      %get3A_847 = arith.index_cast %add3A_846 : i32 to index
      %get3A_848 = memref.load %arg4[%get3A_847] : memref<8192xi32, #tpu.memory_space<smem>>
      %get3A_849 = arith.index_cast %get3A_848 : i32 to index
      %get3A_850 = arith.constant 0 : index
      %get3A_851 = vector.load %arg13[%get3A_849, %get3A_850] : memref<2048x768xf32, #tpu.memory_space<vmem>>, vector<1x768xf32>
      %swap3A_852 = arith.index_cast %sub3A_17 : i32 to index
      %swap3A_853 = arith.constant 55 : index
      %swap3A_854 = arith.constant 0 : index
      %swap3A_855 = vector.load %arg18[%swap3A_852, %swap3A_853, %swap3A_854] : memref<2x64x768xf32, #tpu.memory_space<vmem>>, vector<1x1x768xf32>
      %swap3A_856 = vector.shape_cast %swap3A_855 : vector<1x1x768xf32> to vector<1x768xf32>
      %swap3A_857 = vector.shape_cast %get3A_851 : vector<1x768xf32> to vector<1x1x768xf32>
      tpu.vector_store %arg18[%swap3A_852, %swap3A_853, %swap3A_854], %swap3A_857 {strides = array<i32>} : memref<2x64x768xf32, #tpu.memory_space<vmem>>, vector<1x1x768xf32>,
      %mul3A_858 = arith.constant 64 : i32
      %mul3A_859 = arith.muli %min3A_19, %mul3A_858 : i32
      %add3A_860 = arith.constant 56 : i32
      %add3A_861 = arith.addi %mul3A_859, %add3A_860 : i32
      %get3A_862 = arith.index_cast %add3A_861 : i32 to index
      %get3A_863 = memref.load %arg4[%get3A_862] : memref<8192xi32, #tpu.memory_space<smem>>
      %get3A_864 = arith.index_cast %get3A_863 : i32 to index
      %get3A_865 = arith.constant 0 : index
      %get3A_866 = vector.load %arg13[%get3A_864, %get3A_865] : memref<2048x768xf32, #tpu.memory_space<vmem>>, vector<1x768xf32>
      %swap3A_867 = arith.index_cast %sub3A_17 : i32 to index
      %swap3A_868 = arith.constant 56 : index
      %swap3A_869 = arith.constant 0 : index
      %swap3A_870 = vector.load %arg18[%swap3A_867, %swap3A_868, %swap3A_869] : memref<2x64x768xf32, #tpu.memory_space<vmem>>, vector<1x1x768xf32>
      %swap3A_871 = vector.shape_cast %swap3A_870 : vector<1x1x768xf32> to vector<1x768xf32>
      %swap3A_872 = vector.shape_cast %get3A_866 : vector<1x768xf32> to vector<1x1x768xf32>
      tpu.vector_store %arg18[%swap3A_867, %swap3A_868, %swap3A_869], %swap3A_872 {strides = array<i32>} : memref<2x64x768xf32, #tpu.memory_space<vmem>>, vector<1x1x768xf32>,
      %mul3A_873 = arith.constant 64 : i32
      %mul3A_874 = arith.muli %min3A_19, %mul3A_873 : i32
      %add3A_875 = arith.constant 57 : i32
      %add3A_876 = arith.addi %mul3A_874, %add3A_875 : i32
      %get3A_877 = arith.index_cast %add3A_876 : i32 to index
      %get3A_878 = memref.load %arg4[%get3A_877] : memref<8192xi32, #tpu.memory_space<smem>>
      %get3A_879 = arith.index_cast %get3A_878 : i32 to index
      %get3A_880 = arith.constant 0 : index
      %get3A_881 = vector.load %arg13[%get3A_879, %get3A_880] : memref<2048x768xf32, #tpu.memory_space<vmem>>, vector<1x768xf32>
      %swap3A_882 = arith.index_cast %sub3A_17 : i32 to index
      %swap3A_883 = arith.constant 57 : index
      %swap3A_884 = arith.constant 0 : index
      %swap3A_885 = vector.load %arg18[%swap3A_882, %swap3A_883, %swap3A_884] : memref<2x64x768xf32, #tpu.memory_space<vmem>>, vector<1x1x768xf32>
      %swap3A_886 = vector.shape_cast %swap3A_885 : vector<1x1x768xf32> to vector<1x768xf32>
      %swap3A_887 = vector.shape_cast %get3A_881 : vector<1x768xf32> to vector<1x1x768xf32>
      tpu.vector_store %arg18[%swap3A_882, %swap3A_883, %swap3A_884], %swap3A_887 {strides = array<i32>} : memref<2x64x768xf32, #tpu.memory_space<vmem>>, vector<1x1x768xf32>,
      %mul3A_888 = arith.constant 64 : i32
      %mul3A_889 = arith.muli %min3A_19, %mul3A_888 : i32
      %add3A_890 = arith.constant 58 : i32
      %add3A_891 = arith.addi %mul3A_889, %add3A_890 : i32
      %get3A_892 = arith.index_cast %add3A_891 : i32 to index
      %get3A_893 = memref.load %arg4[%get3A_892] : memref<8192xi32, #tpu.memory_space<smem>>
      %get3A_894 = arith.index_cast %get3A_893 : i32 to index
      %get3A_895 = arith.constant 0 : index
      %get3A_896 = vector.load %arg13[%get3A_894, %get3A_895] : memref<2048x768xf32, #tpu.memory_space<vmem>>, vector<1x768xf32>
      %swap3A_897 = arith.index_cast %sub3A_17 : i32 to index
      %swap3A_898 = arith.constant 58 : index
      %swap3A_899 = arith.constant 0 : index
      %swap3A_900 = vector.load %arg18[%swap3A_897, %swap3A_898, %swap3A_899] : memref<2x64x768xf32, #tpu.memory_space<vmem>>, vector<1x1x768xf32>
      %swap3A_901 = vector.shape_cast %swap3A_900 : vector<1x1x768xf32> to vector<1x768xf32>
      %swap3A_902 = vector.shape_cast %get3A_896 : vector<1x768xf32> to vector<1x1x768xf32>
      tpu.vector_store %arg18[%swap3A_897, %swap3A_898, %swap3A_899], %swap3A_902 {strides = array<i32>} : memref<2x64x768xf32, #tpu.memory_space<vmem>>, vector<1x1x768xf32>,
      %mul3A_903 = arith.constant 64 : i32
      %mul3A_904 = arith.muli %min3A_19, %mul3A_903 : i32
      %add3A_905 = arith.constant 59 : i32
      %add3A_906 = arith.addi %mul3A_904, %add3A_905 : i32
      %get3A_907 = arith.index_cast %add3A_906 : i32 to index
      %get3A_908 = memref.load %arg4[%get3A_907] : memref<8192xi32, #tpu.memory_space<smem>>
      %get3A_909 = arith.index_cast %get3A_908 : i32 to index
      %get3A_910 = arith.constant 0 : index
      %get3A_911 = vector.load %arg13[%get3A_909, %get3A_910] : memref<2048x768xf32, #tpu.memory_space<vmem>>, vector<1x768xf32>
      %swap3A_912 = arith.index_cast %sub3A_17 : i32 to index
      %swap3A_913 = arith.constant 59 : index
      %swap3A_914 = arith.constant 0 : index
      %swap3A_915 = vector.load %arg18[%swap3A_912, %swap3A_913, %swap3A_914] : memref<2x64x768xf32, #tpu.memory_space<vmem>>, vector<1x1x768xf32>
      %swap3A_916 = vector.shape_cast %swap3A_915 : vector<1x1x768xf32> to vector<1x768xf32>
      %swap3A_917 = vector.shape_cast %get3A_911 : vector<1x768xf32> to vector<1x1x768xf32>
      tpu.vector_store %arg18[%swap3A_912, %swap3A_913, %swap3A_914], %swap3A_917 {strides = array<i32>} : memref<2x64x768xf32, #tpu.memory_space<vmem>>, vector<1x1x768xf32>,
      %mul3A_918 = arith.constant 64 : i32
      %mul3A_919 = arith.muli %min3A_19, %mul3A_918 : i32
      %add3A_920 = arith.constant 60 : i32
      %add3A_921 = arith.addi %mul3A_919, %add3A_920 : i32
      %get3A_922 = arith.index_cast %add3A_921 : i32 to index
      %get3A_923 = memref.load %arg4[%get3A_922] : memref<8192xi32, #tpu.memory_space<smem>>
      %get3A_924 = arith.index_cast %get3A_923 : i32 to index
      %get3A_925 = arith.constant 0 : index
      %get3A_926 = vector.load %arg13[%get3A_924, %get3A_925] : memref<2048x768xf32, #tpu.memory_space<vmem>>, vector<1x768xf32>
      %swap3A_927 = arith.index_cast %sub3A_17 : i32 to index
      %swap3A_928 = arith.constant 60 : index
      %swap3A_929 = arith.constant 0 : index
      %swap3A_930 = vector.load %arg18[%swap3A_927, %swap3A_928, %swap3A_929] : memref<2x64x768xf32, #tpu.memory_space<vmem>>, vector<1x1x768xf32>
      %swap3A_931 = vector.shape_cast %swap3A_930 : vector<1x1x768xf32> to vector<1x768xf32>
      %swap3A_932 = vector.shape_cast %get3A_926 : vector<1x768xf32> to vector<1x1x768xf32>
      tpu.vector_store %arg18[%swap3A_927, %swap3A_928, %swap3A_929], %swap3A_932 {strides = array<i32>} : memref<2x64x768xf32, #tpu.memory_space<vmem>>, vector<1x1x768xf32>,
      %mul3A_933 = arith.constant 64 : i32
      %mul3A_934 = arith.muli %min3A_19, %mul3A_933 : i32
      %add3A_935 = arith.constant 61 : i32
      %add3A_936 = arith.addi %mul3A_934, %add3A_935 : i32
      %get3A_937 = arith.index_cast %add3A_936 : i32 to index
      %get3A_938 = memref.load %arg4[%get3A_937] : memref<8192xi32, #tpu.memory_space<smem>>
      %get3A_939 = arith.index_cast %get3A_938 : i32 to index
      %get3A_940 = arith.constant 0 : index
      %get3A_941 = vector.load %arg13[%get3A_939, %get3A_940] : memref<2048x768xf32, #tpu.memory_space<vmem>>, vector<1x768xf32>
      %swap3A_942 = arith.index_cast %sub3A_17 : i32 to index
      %swap3A_943 = arith.constant 61 : index
      %swap3A_944 = arith.constant 0 : index
      %swap3A_945 = vector.load %arg18[%swap3A_942, %swap3A_943, %swap3A_944] : memref<2x64x768xf32, #tpu.memory_space<vmem>>, vector<1x1x768xf32>
      %swap3A_946 = vector.shape_cast %swap3A_945 : vector<1x1x768xf32> to vector<1x768xf32>
      %swap3A_947 = vector.shape_cast %get3A_941 : vector<1x768xf32> to vector<1x1x768xf32>
      tpu.vector_store %arg18[%swap3A_942, %swap3A_943, %swap3A_944], %swap3A_947 {strides = array<i32>} : memref<2x64x768xf32, #tpu.memory_space<vmem>>, vector<1x1x768xf32>,
      %mul3A_948 = arith.constant 64 : i32
      %mul3A_949 = arith.muli %min3A_19, %mul3A_948 : i32
      %add3A_950 = arith.constant 62 : i32
      %add3A_951 = arith.addi %mul3A_949, %add3A_950 : i32
      %get3A_952 = arith.index_cast %add3A_951 : i32 to index
      %get3A_953 = memref.load %arg4[%get3A_952] : memref<8192xi32, #tpu.memory_space<smem>>
      %get3A_954 = arith.index_cast %get3A_953 : i32 to index
      %get3A_955 = arith.constant 0 : index
      %get3A_956 = vector.load %arg13[%get3A_954, %get3A_955] : memref<2048x768xf32, #tpu.memory_space<vmem>>, vector<1x768xf32>
      %swap3A_957 = arith.index_cast %sub3A_17 : i32 to index
      %swap3A_958 = arith.constant 62 : index
      %swap3A_959 = arith.constant 0 : index
      %swap3A_960 = vector.load %arg18[%swap3A_957, %swap3A_958, %swap3A_959] : memref<2x64x768xf32, #tpu.memory_space<vmem>>, vector<1x1x768xf32>
      %swap3A_961 = vector.shape_cast %swap3A_960 : vector<1x1x768xf32> to vector<1x768xf32>
      %swap3A_962 = vector.shape_cast %get3A_956 : vector<1x768xf32> to vector<1x1x768xf32>
      tpu.vector_store %arg18[%swap3A_957, %swap3A_958, %swap3A_959], %swap3A_962 {strides = array<i32>} : memref<2x64x768xf32, #tpu.memory_space<vmem>>, vector<1x1x768xf32>,
      %mul3A_963 = arith.constant 64 : i32
      %mul3A_964 = arith.muli %min3A_19, %mul3A_963 : i32
      %add3A_965 = arith.constant 63 : i32
      %add3A_966 = arith.addi %mul3A_964, %add3A_965 : i32
      %get3A_967 = arith.index_cast %add3A_966 : i32 to index
      %get3A_968 = memref.load %arg4[%get3A_967] : memref<8192xi32, #tpu.memory_space<smem>>
      %get3A_969 = arith.index_cast %get3A_968 : i32 to index
      %get3A_970 = arith.constant 0 : index
      %get3A_971 = vector.load %arg13[%get3A_969, %get3A_970] : memref<2048x768xf32, #tpu.memory_space<vmem>>, vector<1x768xf32>
      %swap3A_972 = arith.index_cast %sub3A_17 : i32 to index
      %swap3A_973 = arith.constant 63 : index
      %swap3A_974 = arith.constant 0 : index
      %swap3A_975 = vector.load %arg18[%swap3A_972, %swap3A_973, %swap3A_974] : memref<2x64x768xf32, #tpu.memory_space<vmem>>, vector<1x1x768xf32>
      %swap3A_976 = vector.shape_cast %swap3A_975 : vector<1x1x768xf32> to vector<1x768xf32>
      %swap3A_977 = vector.shape_cast %get3A_971 : vector<1x768xf32> to vector<1x1x768xf32>
      tpu.vector_store %arg18[%swap3A_972, %swap3A_973, %swap3A_974], %swap3A_977 {strides = array<i32>} : memref<2x64x768xf32, #tpu.memory_space<vmem>>, vector<1x1x768xf32>,
      %get3A_978 = arith.index_cast %rem3A_16 : i32 to index
      %get3A_979 = arith.constant 0 : index
      %get3A_980 = arith.constant 0 : index
      %get3A_981 = vector.load %arg18[%get3A_978, %get3A_979, %get3A_980] : memref<2x64x768xf32, #tpu.memory_space<vmem>>, vector<1x64x768xf32>
      %get3A_982 = vector.shape_cast %get3A_981 : vector<1x64x768xf32> to vector<64x768xf32>
      %get3A_983 = arith.index_cast %get3A_0 : i32 to index
      %get3A_984 = arith.constant 0 : index
      %get3A_985 = arith.constant 0 : index
      %get3A_986 = vector.load %arg19[%get3A_983, %get3A_984, %get3A_985] : memref<4x1024x768xf32, #tpu.memory_space<vmem>>, vector<1x1024x768xf32>
      %get3A_987 = vector.shape_cast %get3A_986 : vector<1x1024x768xf32> to vector<1024x768xf32>
      %dot_general3A = arith.constant dense<0.000000e+00> : vector<64x1024xf32>
      %dot_general3A_988 = tpu.matmul %get3A_982, %get3A_987, %dot_general3A {dimension_numbers = #tpu.dot_dimension_numbers<[1], [1], [0], [0], [0, 0, 1, 0], [], []>, transpose_lhs_hint = false} : vector<64x768xf32>, vector<1024x768xf32>, vector<64x1024xf32> -> vector<64x1024xf32>
      %slice3A = vector.extract_strided_slice %dot_general3A_988 {offsets = [0, 0], sizes = [64, 512], strides = [1, 1]} : vector<64x1024xf32> to vector<64x512xf32>
      %slice3A_989 = vector.extract_strided_slice %dot_general3A_988 {offsets = [0, 512], sizes = [64, 512], strides = [1, 1]} : vector<64x1024xf32> to vector<64x512xf32>
      %neg3A = arith.constant 0.000000e+00 : f32
      %neg3A_990 = vector.broadcast %neg3A : f32 to vector<64x512xf32>
      %neg3A_991 = arith.subf %neg3A_990, %slice3A : vector<64x512xf32>
      %exp3A = math.exp %neg3A_991 : vector<64x512xf32>
      %add3A_992 = arith.constant 1.000000e+00 : f32
      %add3A_993 = vector.broadcast %add3A_992 : f32 to vector<64x512xf32>
      %add3A_994 = arith.addf %add3A_993, %exp3A : vector<64x512xf32>
      %div3A = arith.constant 1.000000e+00 : f32
      %div3A_995 = vector.broadcast %div3A : f32 to vector<64x512xf32>
      %div3A_996 = arith.divf %div3A_995, %add3A_994 : vector<64x512xf32>
      %mul3A_997 = arith.mulf %slice3A, %div3A_996 : vector<64x512xf32>
      %mul3A_998 = arith.mulf %mul3A_997, %slice3A_989 : vector<64x512xf32>
      %get3A_999 = arith.index_cast %get3A_0 : i32 to index
      %get3A_1000 = arith.constant 0 : index
      %get3A_1001 = arith.constant 0 : index
      %get3A_1002 = vector.load %arg20[%get3A_999, %get3A_1000, %get3A_1001] : memref<4x768x512xf32, #tpu.memory_space<vmem>>, vector<1x768x512xf32>
      %get3A_1003 = vector.shape_cast %get3A_1002 : vector<1x768x512xf32> to vector<768x512xf32>
      %dot_general3A_1004 = arith.constant dense<0.000000e+00> : vector<64x768xf32>
      %dot_general3A_1005 = tpu.matmul %mul3A_998, %get3A_1003, %dot_general3A_1004 {dimension_numbers = #tpu.dot_dimension_numbers<[1], [1], [0], [0], [0, 0, 1, 0], [], []>, transpose_lhs_hint = false} : vector<64x512xf32>, vector<768x512xf32>, vector<64x768xf32> -> vector<64x768xf32>
      %get3A_1006 = arith.constant 0 : index
      %get3A_1007 = arith.constant 0 : index
      %get3A_1008 = arith.constant 0 : index
      %get3A_1009 = vector.load %arg16[%get3A_1006, %get3A_1007, %get3A_1008] : memref<1x64x128xf32, #tpu.memory_space<vmem>>, vector<1x64x1xf32>
      %get3A_1010 = vector.shape_cast %get3A_1009 : vector<1x64x1xf32> to vector<64x1xf32>
      %mul3A_1011 = vector.broadcast %get3A_1010 : vector<64x1xf32> to vector<64x768xf32>
      %mul3A_1012 = arith.mulf %dot_general3A_1005, %mul3A_1011 : vector<64x768xf32>
      %swap3A_1013 = arith.constant 0 : index
      %swap3A_1014 = arith.constant 0 : index
      %swap3A_1015 = vector.load %arg17[%swap3A_1013, %swap3A_1014] : memref<64x768xf32, #tpu.memory_space<vmem>>, vector<64x768xf32>
      tpu.vector_store %arg17[%swap3A_1013, %swap3A_1014], %mul3A_1012 {strides = array<i32>} : memref<64x768xf32, #tpu.memory_space<vmem>>, vector<64x768xf32>,
    } else {
    }
    return
  }
  func.func @transform_0(%arg0: i32, %arg1: memref<128xi32, #tpu.memory_space<smem>>, %arg2: memref<128xi32, #tpu.memory_space<smem>>, %arg3: memref<128xi32, #tpu.memory_space<smem>>, %arg4: memref<8192xi32, #tpu.memory_space<smem>>, %arg5: memref<128xi32, #tpu.memory_space<smem>>, %arg6: memref<128xi32, #tpu.memory_space<smem>>, %arg7: memref<128xi32, #tpu.memory_space<smem>>, %arg8: memref<128xi32, #tpu.memory_space<smem>>, %arg9: memref<128xi32, #tpu.memory_space<smem>>, %arg10: memref<128xi32, #tpu.memory_space<smem>>, %arg11: memref<128xi32, #tpu.memory_space<smem>>, %arg12: memref<128xi32, #tpu.memory_space<smem>>) -> (i32, i32) {
    %c0_i32 = arith.constant 0 : i32
    %c0_i32_0 = arith.constant 0 : i32
    %c0_i32_1 = arith.constant 0 : i32
    return %c0_i32, %c0_i32_0 : i32, i32
  }
  func.func @transform_3(%arg0: i32, %arg1: memref<128xi32, #tpu.memory_space<smem>>, %arg2: memref<128xi32, #tpu.memory_space<smem>>, %arg3: memref<128xi32, #tpu.memory_space<smem>>, %arg4: memref<8192xi32, #tpu.memory_space<smem>>, %arg5: memref<128xi32, #tpu.memory_space<smem>>, %arg6: memref<128xi32, #tpu.memory_space<smem>>, %arg7: memref<128xi32, #tpu.memory_space<smem>>, %arg8: memref<128xi32, #tpu.memory_space<smem>>, %arg9: memref<128xi32, #tpu.memory_space<smem>>, %arg10: memref<128xi32, #tpu.memory_space<smem>>, %arg11: memref<128xi32, #tpu.memory_space<smem>>, %arg12: memref<128xi32, #tpu.memory_space<smem>>) -> (i32, i32, i32) {
    %get3A = arith.index_cast %arg0 : i32 to index
    %get3A_0 = memref.load %arg3[%get3A] : memref<128xi32, #tpu.memory_space<smem>>
    %c0_i32 = arith.constant 0 : i32
    %c0_i32_1 = arith.constant 0 : i32
    %c0_i32_2 = arith.constant 0 : i32
    return %get3A_0, %c0_i32, %c0_i32_1 : i32, i32, i32
  }
  func.func @transform_4(%arg0: i32, %arg1: memref<128xi32, #tpu.memory_space<smem>>, %arg2: memref<128xi32, #tpu.memory_space<smem>>, %arg3: memref<128xi32, #tpu.memory_space<smem>>, %arg4: memref<8192xi32, #tpu.memory_space<smem>>, %arg5: memref<128xi32, #tpu.memory_space<smem>>, %arg6: memref<128xi32, #tpu.memory_space<smem>>, %arg7: memref<128xi32, #tpu.memory_space<smem>>, %arg8: memref<128xi32, #tpu.memory_space<smem>>, %arg9: memref<128xi32, #tpu.memory_space<smem>>, %arg10: memref<128xi32, #tpu.memory_space<smem>>, %arg11: memref<128xi32, #tpu.memory_space<smem>>, %arg12: memref<128xi32, #tpu.memory_space<smem>>) -> (i32, i32) {
    %get3A = arith.index_cast %arg0 : i32 to index
    %get3A_0 = memref.load %arg3[%get3A] : memref<128xi32, #tpu.memory_space<smem>>
    %c0_i32 = arith.constant 0 : i32
    %c0_i32_1 = arith.constant 0 : i32
    return %get3A_0, %c0_i32 : i32, i32
  }
}

</mosaic_0001>

<sc_bundles>
// kernel: kernel.5.cloned.1.call-start
scs
__scs_entry_jumppad:
0x0: {  	(pc) =	sbr.rel $0x88, $3  }
0x1: {  	(tag) =	ssettag $0x0;
	lr =	simm.s32 $0x1  }
0x2: {  	[smem:$0x3F9D] =	sst lr;
	_ =	strace $0xD0000000  }
0x3: {  	_ = 	snop  }
0x4: {  	_ = 	snop  }
0x5: {  	_ = 	snop  }
0x6: {  	_ = 	snop  }
0x7: {  	_ = 	snop  }
__scs_overlays_trampoline_lowered:
0x8: {  	[smem:$0x3FAC] =	sst s0  }
0x9: {  	[smem:$0x3FAD] =	sst s1  }
0xa: {  	[smem:$0x3FAE] =	sst s2  }
0xb: {  	[smem:$0x3FAF] =	sst s3  }
0xc: {  	[smem:$0x3FB0] =	sst s4  }
0xd: {  	[smem:$0x3FB1] =	sst s5  }
0xe: {  	[smem:$0x3FB2] =	sst s6  }
0xf: {  	[smem:$0x3FB3] =	sst s7  }
0x10: {  	[smem:$0x3FB4] =	sst s8  }
0x11: {  	[smem:$0x3FB5] =	sst s9;
	s0 =	simm.s32 @!p0 $0x0  }
0x12: {  	s1 =	sld [smem:$0x3F9B];
	s0 =	simm.s32 @p0 $0x1  }
0x13: {  	[smem:$0x3FB6] =	sst s0;
	s0 =	simm.s32 @!p1 $0x0  }
0x14: {  	s2 =	sld [smem:$0x3F9A];
	s0 =	simm.s32 @p1 $0x1  }
0x15: {  	[smem:$0x3FB7] =	sst s0;
	s0 =	simm.s32 @!p2 $0x0  }
0x16: {  	s3 =	sld [smem:$0x3FDB];
	s0 =	simm.s32 @p2 $0x1  }
0x17: {  	s4 =	simm.s32 $0x1BF5;
	[smem:$0x3FB9] =	sst s0  }
0x18: {  	s0 =	sld [smem:$0x3F9C];
	_ =	swait.ge [sflag:s4], $0x0  }
0x19: {  	s7 =	sld [smem:$0x3F9D]  }
0x1a: {  	s8 =	sadd.s32 $0xFFFFE003, lr  }
0x1b: {  	s9 =	sadd.s32 $0xFFFFFEF7, lr;
	s5 =	simm.s32 $0xFFFFFFFF;
	p2 =	slt.u32 s8, $0xFFFFF086  }
0x1c: {  	p1 =	slt.u32 s9, $0xF7A;
	s5 =	simm.s32 @!p2 $0x0  }
0x1d: {  	s5 =	simm.s32 @p1 $0x1;
	p0 =	seq.s32 s7, s2  }
0x1e: {  	s7 =	smul.u32 @!p0 $0xF7A, s2;
	p2 =	seq.s32 @!p0 s5, $0x0  }
0x1f: {  	s9 =	smul.u32 $0xF7A, s1;
	s8 =	simm.s32 @!p0 $0x1BF5;
	p2 =	por !p2, p0  }
0x20: {  	[sflag:s8] =	ssyncset.s32 @!p0 $0xFFFFF086;
	s6 =	sadd.s32 @!p0 s3, s7;
	s7 =	simm.s32 @!p0 $0x108  }
0x21: {  	s3 =	sadd.s32 s3, s9;
	s6 =	sadd.s32 @!p0 $0x88, s6;
	s7 =	simm.s32 @p2 $0x1082  }
0x22: {  	[simem:s7], [sflag:s8] =	dma.local @!p0 [hbm:s6], $0xF7A  }
0x23: {  	s9 =	sor.u32 $0xD0000000, s2;
	s6 =	simm.s32 $0x108;
	_ =	swait.ge @!p0 [sflag:s8], $0x0  }
0x24: {  	s3 =	sadd.s32 $0x88, s3;
	s6 =	simm.s32 @!p1 $0x1082;
	[sflag:s4] =	ssyncset.s32 $0xFFFFF086  }
0x25: {  	[simem:s6], [sflag:s4] =	dma.local [hbm:s3], $0xF7A  }
0x26: {  	[smem:$0x3F9D] =	sst s1;
	(tag) =	ssettag s2;
	_ =	strace s9  }
0x27: {  	s1 =	sld [smem:$0x3FAD]  }
0x28: {  	s2 =	sld [smem:$0x3FAE]  }
0x29: {  	s4 =	sld [smem:$0x3FB0]  }
0x2a: {  	p0 =	seq.s32 s5, $0x0;
	s5 =	sld [smem:$0x3FB1]  }
0x2b: {  	s6 =	sld [smem:$0x3FB2]  }
0x2c: {  	s7 =	sld [smem:$0x3FB3]  }
0x2d: {  	s3 =	simm.s32 $0x108;
	s8 =	sld [smem:$0x3FB4]  }
0x2e: {  	s3 =	simm.s32 @!p0 $0x1082;
	s9 =	sld [smem:$0x3FB5]  }
0x2f: {  	lr =	sadd.s32 s0, s3;
	s0 =	sld [smem:$0x3FAC]  }
0x30: {  	s3 =	sld [smem:$0x3FAF]  }
0x31: {  	[smem:$0x3FB8] =	sst s10  }
0x32: {  	s10 =	sld [smem:$0x3FB6];
	_ =	sdelay $0x3  }
0x33: {  	p0 =	seq.s32 s10, $0x1;
	s10 =	sld [smem:$0x3FB8];
	_ =	sdelay $0x3  }
0x34: {  	[smem:$0x3FB8] =	sst s10  }
0x35: {  	s10 =	sld [smem:$0x3FB7];
	_ =	sdelay $0x3  }
0x36: {  	p1 =	seq.s32 s10, $0x1;
	s10 =	sld [smem:$0x3FB8];
	_ =	sdelay $0x3  }
0x37: {  	[smem:$0x3FB8] =	sst s10  }
0x38: {  	s10 =	sld [smem:$0x3FB9]  }
0x39: {  	_ = 	snop;
	(pc) =	sbr.ind lr, $3  }
0x3a: {  	_ = 	snop  }
0x3b: {  	_ = 	snop  }
0x3c: {  	p2 =	seq.s32 s10, $0x1;
	s10 =	sld [smem:$0x3FB8]  }
0x3d: {  	_ =	shalt  }
0x3e: {  	_ =	shalt  }
0x3f: {  	_ =	shalt  }
0x40: {  	_ =	shalt  }
0x41: {  	_ =	shalt  }
0x42: {  	_ =	shalt  }
0x43: {  	_ =	shalt  }
0x44: {  	_ =	shalt  }
0x45: {  	_ =	shalt  }
0x46: {  	_ =	shalt  }
0x47: {  	_ =	shalt  }
0x48: {  	_ =	shalt  }
0x49: {  	_ =	shalt  }
0x4a: {  	_ =	shalt  }
0x4b: {  	_ =	shalt  }
0x4c: {  	_ =	shalt  }
0x4d: {  	_ =	shalt  }
0x4e: {  	_ =	shalt  }
0x4f: {  	_ =	shalt  }
0x50: {  	_ =	shalt  }
0x51: {  	_ =	shalt  }
0x52: {  	_ =	shalt  }
0x53: {  	_ =	shalt  }
0x54: {  	_ =	shalt  }
0x55: {  	_ =	shalt  }
0x56: {  	_ =	shalt  }
0x57: {  	_ =	shalt  }
0x58: {  	_ =	shalt  }
0x59: {  	_ =	shalt  }
0x5a: {  	_ =	shalt  }
0x5b: {  	_ =	shalt  }
0x5c: {  	_ =	shalt  }
0x5d: {  	_ =	shalt  }
0x5e: {  	_ =	shalt  }
0x5f: {  	_ =	shalt  }
0x60: {  	_ =	shalt  }
0x61: {  	_ =	shalt  }
0x62: {  	_ =	shalt  }
0x63: {  	_ =	shalt  }
0x64: {  	_ =	shalt  }
0x65: {  	_ =	shalt  }
0x66: {  	_ =	shalt  }
0x67: {  	_ =	shalt  }
0x68: {  	_ =	shalt  }
0x69: {  	_ =	shalt  }
0x6a: {  	_ =	shalt  }
0x6b: {  	_ =	shalt  }
0x6c: {  	_ =	shalt  }
0x6d: {  	_ =	shalt  }
0x6e: {  	_ =	shalt  }
0x6f: {  	_ =	shalt  }
0x70: {  	_ =	shalt  }
0x71: {  	_ =	shalt  }
0x72: {  	_ =	shalt  }
0x73: {  	_ =	shalt  }
0x74: {  	_ =	shalt  }
0x75: {  	_ =	shalt  }
0x76: {  	_ =	shalt  }
0x77: {  	_ =	shalt  }
0x78: {  	_ =	shalt  }
0x79: {  	_ =	shalt  }
0x7a: {  	_ =	shalt  }
0x7b: {  	_ =	shalt  }
0x7c: {  	_ =	shalt  }
0x7d: {  	_ =	shalt  }
0x7e: {  	_ =	shalt  }
0x7f: {  	_ =	shalt  }
0x80: {  	_ =	shalt  }
0x81: {  	_ =	shalt  }
0x82: {  	_ =	shalt  }
0x83: {  	_ =	shalt  }
0x84: {  	_ =	shalt  }
0x85: {  	_ =	shalt  }
0x86: {  	_ =	shalt  }
0x87: {  	_ =	shalt  }
.Lfunc_end0:
.L_simem_size_0:
called_computation_lowered:
.L_overlay_start_0:
0x88: {  	s2 =	sld [smem:$0x3FD9]  }
0x89: {  	s3 =	sld [smem:$0x3FFE];
	_ =	sdelay $0x1  }
0x8a: {  	s1 =	srdreg.scid  }
0x8b: {  	s0 =	sand.u32 $0x1, s1  }
0x8c: {  	s17 =	sshll.u32 s0, $0xA;
	s2 =	sadd.s32 s3, s2  }
0x8d: {  	s2 =	sadd.s32 s2, s17  }
0x8e: {  	[smem:$0x3FC4] =	sst s2  }
0x8f: {  	_ = 	snop  }
0x90: {  	s2 =	sld [smem:$0x3FD0];
	(tm) =	ssettm $0x1  }
0x91: {  	s18 =	sld [smem:$0x3FFB];
	_ =	sdelay $0x3  }
0x92: {  	_ =	strace s18  }
0x93: {  	s3 =	sld [smem:$0x3FFC];
	_ =	sdelay $0x3  }
0x94: {  	_ =	strace s3  }
0x95: {  	s3 =	sld [smem:$0x3FFD];
	_ =	sdelay $0x3  }
0x96: {  	_ =	strace s3  }
0x97: {  	_ =	strace $0x8FFFFFFF  }
0x98: {  	s19 =	sld [smem:$0x3FDB];
	_ =	sdelay $0x1  }
0x99: {  	s4 =	simm.s32 $_scs_section_size  }
0x9a: {  	s5 =	simm.s32 $_size__tile_overlayer_lowered;
	s6 =	simm.s32 $_tile_overlayer_lowered  }
0x9b: {  	s22 =	simm.s32 $0x1BFF;
	s21 =	sshll.u32 s6, $0x1;
	s3 =	sadd.s32 s4, s19  }
0x9c: {  	s7 =	simm.s32 $0x0;
	s20 =	sshll.u32 s5, $0x1;
	s5 =	sadd.s32 s21, s3  }
0x9d: {  	[timem:s7], [sflag:s22] =	dma.local [hbm:s5], s20  }
0x9e: {  	_ =	swait.ge [sflag:s22], s20  }
0x9f: {  	s4 =	ssub.s32 $0x0, s20;
	[sflag:s22] =	ssyncset.done $0x0  }
0xa0: {  	[sflag:s22] =	ssyncadd.s32 s4;
	_ =	sdelay $0x1  }
0xa1: {  	s23 =	simm.s32 $0x1B8B  }
0xa2: {  	_ =	swait.ge [sflag:s23], $0x1  }
0xa3: {  	[sflag:s23] =	ssyncset.done $0x0  }
0xa4: {  	s25 =	simm.s32 $0x1B8E;
	s24 =	sld [smem:$0x3FFE];
	[sflag:s23] =	ssyncadd.s32 $0xFFFFFFFF  }
0xa5: {  	s26 =	simm.s32 $execute0_lowered;
	[smem:$0x3FD2] =	sst s25  }
0xa6: {  	s5 =	sshll.u32 s26, $0x1;
	_ =	strace $0x80000046;
	[dreg:$0x1] =	wrdreg $0xFFFFFFFF  }
0xa7: {  	s28 =	simm.s32 $_size_execute0_lowered;
	s3 =	sadd.s32 s3, s5;
	[dreg:$0x0] =	wrdreg $0x0  }
0xa8: {  	s5 =	sshll.u32 s28, $0x1;
	[dreg:$0x2] =	wrdreg s3  }
0xa9: {  	[dreg:$0x3] =	wrdreg s5  }
0xaa: {  	[dreg:$0x4] =	wrdreg $0xC0  }
0xab: {  	_ =	task [dreg:s7], $0x5FFFF  }
0xac: {  	[dreg:$0x1] =	wrdreg $0xFFFFFFFF  }
0xad: {  	[dreg:$0x0] =	wrdreg $0x60  }
0xae: {  	[dreg:$0x2] =	wrdreg s24  }
0xaf: {  	[dreg:$0x3] =	wrdreg s2  }
0xb0: {  	[dreg:$0x4] =	wrdreg $0x9  }
0xb1: {  	_ =	task.clear_ibuf [dreg:s7], $0x5FFFF;
	_ =	strace $0x90000046  }
0xb2: {  	s29 =	simm.s32 $0x9;
	_ =	strace $0x80000048  }
0xb3: {  	_ =	swait.ge [sflag:s29], $0x1  }
0xb4: {  	[sflag:s29] =	ssyncadd.s32 $0xFFFFFFFF  }
0xb5: {  	_ =	strace $0x90000048  }
0xb6: {  	_ =	sfence  }
0xb7: {  	s30 =	sld [smem:$0x0];
	_ =	sdelay $0x2  }
0xb8: {  	s31 =	sshll.u32 s1, $0xD;
	s1 =	sshrl.u32 s1, $0x2  }
0xb9: {  	s3 =	sand.u32 $0x4000, s31;
	s1 =	sadd.s32 s1, s30  }
0xba: {  	s0 =	sor.u32 s3, s0;
	s1 =	sshll.u32 s1, $0x11  }
0xbb: {  	s0 =	sor.u32 s1, s0  }
0xbc: {  	s0 =	sadd.s32 $0x8F2B, s0  }
0xbd: {  	[sflag:s0] =	ssyncadd.remote.s32 $0x1  }
0xbe: {  	_ =	sfence.sel $0xFFFF  }
0xbf: {  	[dreg:$0x0] =	wrdreg $0xFFFFFFFF;
	(pc) =	sbr.abs _section_cstart, $3  }
0xc0: {  	[dreg:$0x1] =	wrdreg $0xFFFFFFFF  }
0xc1: {  	_ =	task.clear_ibuf [dreg:s7], $0x2FFFF;
	_ =	strace $0x9FFFFFFF  }
0xc2: {  	(tm) =	ssettm $0x7FFFFFFF  }
0xc3: {  	_ =	shalt  }
tec
execute0_lowered:
.L_overlay_start_1:
0x0: {  	(tag) =	ssettag $0x1  }
0x1: {  	s0 =	rddreg [dreg:$0x0]  }
0x2: {  	s1 =	rddreg [dreg:$0x1];
	s3 =	srdreg.scid  }
0x3: {  	s2 =	simm.s32 $0x0;
	s4 =	stileid.u32;
	s10 =	simm.s32 $0x5  }
0x4: {  	s12 =	simm.s32 $0x100;
	s31 =	simm.s32 $0x13900;
	s11 =	simm.s32 $0x15100  }
0x5: {  	s13 =	simm.s32 $0x15900;
	s14 =	simm.s32 $0x16100;
	s15 =	simm.s32 $0x16900  }
0x6: {  	s16 =	simm.s32 $0x17100;
	s17 =	simm.s32 $0x17900;
	s18 =	simm.s32 $0x1  }
0x7: {  	s19 =	simm.s32 $0x2;
	s20 =	simm.s32 $0x3;
	s21 =	simm.s32 $0x4  }
0x8: {  	s22 =	simm.s32 $0x0;
	s3 =	sand.u32 $0x1, s3;
	[smem:$0x7FF] =	sst s2  }
0x9: {  	s4 =	sshll.u32 s4, $0x4;
	s5 =	sshll.u32 s3, $0x3;
	s30 =	ssub.s32 $0x2, s3  }
0xa: {  	_ =	strace $0x80000047;
	s5 =	sor.u32 s5, s4;
	s7 =	sshrl.u32 s30, $0x1  }
0xb: {  	s3 =	sadd.s32 $0xA00, s0;
	s6 =	sadd.s32 s5, s0;
	s9 =	ssub.s32 s30, s7  }
0xc: {  	v2 =	vlaneseq.u32;
	s8 =	smul.u32 $0x300, s5;
	s7 =	sadd.s32 $0xC00, s0;
	s4 =	sadd.s32 $0x800, s6  }
0xd: {  	vm0 =	vmmov $0xffff;
	v1 =	vshrl.u32 v2, $0x3;
	s5 =	sadd.s32 $0x600, s6;
	s6 =	sadd.s32 $0xB00, s0;
	s9 =	smax.u32 s9, $0x1  }
0xe: {  	v0 =	vand.u32 $0x7, v2;
	v2 =	vor.u32 $0x8, v2;
	v1 =	vmul.u32 $0x8, v1;
	s0 =	simm.s32 $0x14100;
	s8 =	sadd.s32 s1, s8;
	s1 =	simm.s32 $0x14900  }
.LBB2_1:
0xf: {  	[tilespmem:s2], [sflag:$0x5] =	stream.linear.gather [hbm4b:s4+s2], $0x40, $0x38;
	[tilespmem:$0x18100] =	vst v63  }
0x10: {  	_ =	swait.ge [sflag:s10], $0x40  }
0x11: {  	[sflag:s10] =	ssyncset.done $0x0  }
0x12: {  	s23 =	simm.s32 $0x80;
	[sflag:s10] =	ssyncadd.s32 $0xFFFFFFC0  }
0x13: {  	[tilespmem:s23], [sflag:$0x5] =	stream.linear.gather [hbm4b:s5+s2], $0x40, $0x38;
	[tilespmem:$0x18100] =	vst v63  }
0x14: {  	_ =	swait.ge [sflag:s10], $0x40  }
0x15: {  	[sflag:s10] =	ssyncset.done $0x0  }
0x16: {  	[sflag:s10] =	ssyncadd.s32 $0xFFFFFFC0  }
0x17: {  	v3 =	vld [tilespmem:$0x0];
	_ =	sdelay $0x4  }
0x18: {  	v4 =	vshrl.u32 v3, $0x3  }
0x19: {  	v4 =	vmul.u32 $0x30, v4  }
0x1a: {  	v3 =	vand.u32 $0x7, v3  }
0x1b: {  	v3 =	vor.u32 v3, v4  }
0x1c: {  	v4 =	vperm.xlane v3, v0;
	_ =	sdelay $0x1  }
0x1d: {  	v4 =	vadd.s32 v1, v4;
	_ =	sdelay $0x3  }
0x1e: {  	v3 =	vperm.xlane v3, v2  }
0x1f: {  	[tilespmem:s12], [sflag:$0x1] =	stream.indirect_vreg.gather [hbm4b:s3+s2], $0x80, v4, vm0, $0xb8;
	[tilespmem:$0x18100] =	vst v63  }
0x20: {  	s29 =	simm.s32 $0x900;
	v3 =	vadd.s32 v1, v3  }
0x21: {  	[tilespmem:s29], [sflag:$0x1] =	stream.indirect_vreg.gather [hbm4b:s6+s2], $0x80, v4, vm0, $0xb8;
	[tilespmem:$0x18100] =	vst v63  }
0x22: {  	s30 =	simm.s32 $0x1100  }
0x23: {  	[tilespmem:s30], [sflag:$0x1] =	stream.indirect_vreg.gather [hbm4b:s7+s2], $0x80, v4, vm0, $0xb8;
	[tilespmem:$0x18100] =	vst v63  }
0x24: {  	s24 =	simm.s32 $0x1900  }
0x25: {  	[tilespmem:s24], [sflag:$0x1] =	stream.indirect_vreg.gather [hbm4b:s3+s2], $0x80, v3, vm0, $0xb8;
	[tilespmem:$0x18100] =	vst v63  }
0x26: {  	s25 =	simm.s32 $0x2100  }
0x27: {  	[tilespmem:s25], [sflag:$0x1] =	stream.indirect_vreg.gather [hbm4b:s6+s2], $0x80, v3, vm0, $0xb8;
	[tilespmem:$0x18100] =	vst v63  }
0x28: {  	s26 =	simm.s32 $0x2900  }
0x29: {  	[tilespmem:s26], [sflag:$0x1] =	stream.indirect_vreg.gather [hbm4b:s7+s2], $0x80, v3, vm0, $0xb8;
	[tilespmem:$0x18100] =	vst v63  }
0x2a: {  	v3 =	vld [tilespmem:$0x10];
	_ =	sdelay $0x4  }
0x2b: {  	v57 =	vshrl.u32 v3, $0x3  }
0x2c: {  	v4 =	vmul.u32 $0x30, v57  }
0x2d: {  	v3 =	vand.u32 $0x7, v3  }
0x2e: {  	v3 =	vor.u32 v3, v4  }
0x2f: {  	v4 =	vperm.xlane v3, v0;
	_ =	sdelay $0x1  }
0x30: {  	v4 =	vadd.s32 v1, v4;
	_ =	sdelay $0x3  }
0x31: {  	s28 =	simm.s32 $0x3100;
	v3 =	vperm.xlane v3, v2  }
0x32: {  	[tilespmem:s28], [sflag:$0x1] =	stream.indirect_vreg.gather [hbm4b:s3+s2], $0x80, v4, vm0, $0xb8;
	[tilespmem:$0x18100] =	vst v63  }
0x33: {  	s29 =	simm.s32 $0x3900;
	v3 =	vadd.s32 v1, v3  }
0x34: {  	[tilespmem:s29], [sflag:$0x1] =	stream.indirect_vreg.gather [hbm4b:s6+s2], $0x80, v4, vm0, $0xb8;
	[tilespmem:$0x18100] =	vst v63  }
0x35: {  	s30 =	simm.s32 $0x4100  }
0x36: {  	[tilespmem:s30], [sflag:$0x1] =	stream.indirect_vreg.gather [hbm4b:s7+s2], $0x80, v4, vm0, $0xb8;
	[tilespmem:$0x18100] =	vst v63  }
0x37: {  	s24 =	simm.s32 $0x4900  }
0x38: {  	[tilespmem:s24], [sflag:$0x1] =	stream.indirect_vreg.gather [hbm4b:s3+s2], $0x80, v3, vm0, $0xb8;
	[tilespmem:$0x18100] =	vst v63  }
0x39: {  	s25 =	simm.s32 $0x5100  }
0x3a: {  	[tilespmem:s25], [sflag:$0x1] =	stream.indirect_vreg.gather [hbm4b:s6+s2], $0x80, v3, vm0, $0xb8;
	[tilespmem:$0x18100] =	vst v63  }
0x3b: {  	s26 =	simm.s32 $0x5900  }
0x3c: {  	[tilespmem:s26], [sflag:$0x1] =	stream.indirect_vreg.gather [hbm4b:s7+s2], $0x80, v3, vm0, $0xb8;
	[tilespmem:$0x18100] =	vst v63  }
0x3d: {  	v3 =	vld [tilespmem:$0x20];
	_ =	sdelay $0x4  }
0x3e: {  	v58 =	vshrl.u32 v3, $0x3  }
0x3f: {  	v4 =	vmul.u32 $0x30, v58  }
0x40: {  	v3 =	vand.u32 $0x7, v3  }
0x41: {  	v3 =	vor.u32 v3, v4  }
0x42: {  	v4 =	vperm.xlane v3, v0;
	_ =	sdelay $0x1  }
0x43: {  	v4 =	vadd.s32 v1, v4;
	_ =	sdelay $0x3  }
0x44: {  	s28 =	simm.s32 $0x6100;
	v3 =	vperm.xlane v3, v2  }
0x45: {  	[tilespmem:s28], [sflag:$0x2] =	stream.indirect_vreg.gather [hbm4b:s3+s2], $0x80, v4, vm0, $0xb8;
	[tilespmem:$0x18100] =	vst v63  }
0x46: {  	s29 =	simm.s32 $0x6900;
	v3 =	vadd.s32 v1, v3  }
0x47: {  	[tilespmem:s29], [sflag:$0x2] =	stream.indirect_vreg.gather [hbm4b:s6+s2], $0x80, v4, vm0, $0xb8;
	[tilespmem:$0x18100] =	vst v63  }
0x48: {  	s30 =	simm.s32 $0x7100  }
0x49: {  	[tilespmem:s30], [sflag:$0x2] =	stream.indirect_vreg.gather [hbm4b:s7+s2], $0x80, v4, vm0, $0xb8;
	[tilespmem:$0x18100] =	vst v63  }
0x4a: {  	s24 =	simm.s32 $0x7900  }
0x4b: {  	[tilespmem:s24], [sflag:$0x2] =	stream.indirect_vreg.gather [hbm4b:s3+s2], $0x80, v3, vm0, $0xb8;
	[tilespmem:$0x18100] =	vst v63  }
0x4c: {  	s25 =	simm.s32 $0x8100  }
0x4d: {  	[tilespmem:s25], [sflag:$0x2] =	stream.indirect_vreg.gather [hbm4b:s6+s2], $0x80, v3, vm0, $0xb8;
	[tilespmem:$0x18100] =	vst v63  }
0x4e: {  	s26 =	simm.s32 $0x8900  }
0x4f: {  	[tilespmem:s26], [sflag:$0x2] =	stream.indirect_vreg.gather [hbm4b:s7+s2], $0x80, v3, vm0, $0xb8;
	[tilespmem:$0x18100] =	vst v63  }
0x50: {  	v3 =	vld [tilespmem:$0x30];
	_ =	sdelay $0x4  }
0x51: {  	v59 =	vshrl.u32 v3, $0x3  }
0x52: {  	v4 =	vmul.u32 $0x30, v59  }
0x53: {  	v3 =	vand.u32 $0x7, v3  }
0x54: {  	v3 =	vor.u32 v3, v4  }
0x55: {  	v4 =	vperm.xlane v3, v0;
	_ =	sdelay $0x1  }
0x56: {  	v4 =	vadd.s32 v1, v4;
	_ =	sdelay $0x3  }
0x57: {  	s28 =	simm.s32 $0x9100;
	v3 =	vperm.xlane v3, v2  }
0x58: {  	[tilespmem:s28], [sflag:$0x2] =	stream.indirect_vreg.gather [hbm4b:s3+s2], $0x80, v4, vm0, $0xb8;
	[tilespmem:$0x18100] =	vst v63  }
0x59: {  	s29 =	simm.s32 $0x9900;
	v3 =	vadd.s32 v1, v3  }
0x5a: {  	[tilespmem:s29], [sflag:$0x2] =	stream.indirect_vreg.gather [hbm4b:s6+s2], $0x80, v4, vm0, $0xb8;
	[tilespmem:$0x18100] =	vst v63  }
0x5b: {  	s30 =	simm.s32 $0xA100  }
0x5c: {  	[tilespmem:s30], [sflag:$0x2] =	stream.indirect_vreg.gather [hbm4b:s7+s2], $0x80, v4, vm0, $0xb8;
	[tilespmem:$0x18100] =	vst v63  }
0x5d: {  	s24 =	simm.s32 $0xA900  }
0x5e: {  	[tilespmem:s24], [sflag:$0x2] =	stream.indirect_vreg.gather [hbm4b:s3+s2], $0x80, v3, vm0, $0xb8;
	[tilespmem:$0x18100] =	vst v63  }
0x5f: {  	s25 =	simm.s32 $0xB100  }
0x60: {  	[tilespmem:s25], [sflag:$0x2] =	stream.indirect_vreg.gather [hbm4b:s6+s2], $0x80, v3, vm0, $0xb8;
	[tilespmem:$0x18100] =	vst v63  }
0x61: {  	s26 =	simm.s32 $0xB900  }
0x62: {  	[tilespmem:s26], [sflag:$0x2] =	stream.indirect_vreg.gather [hbm4b:s7+s2], $0x80, v3, vm0, $0xb8;
	[tilespmem:$0x18100] =	vst v63  }
0x63: {  	v3 =	vld [tilespmem:$0x80];
	_ =	sdelay $0x4  }
0x64: {  	v60 =	vshrl.u32 v3, $0x3  }
0x65: {  	v4 =	vmul.u32 $0x30, v60  }
0x66: {  	v3 =	vand.u32 $0x7, v3  }
0x67: {  	v3 =	vor.u32 v3, v4  }
0x68: {  	v4 =	vperm.xlane v3, v0;
	_ =	sdelay $0x1  }
0x69: {  	v4 =	vadd.s32 v1, v4;
	_ =	sdelay $0x3  }
0x6a: {  	s28 =	simm.s32 $0xC100;
	v3 =	vperm.xlane v3, v2  }
0x6b: {  	[tilespmem:s28], [sflag:$0x3] =	stream.indirect_vreg.gather [hbm4b:s3+s2], $0x80, v4, vm0, $0xb8;
	[tilespmem:$0x18100] =	vst v63  }
0x6c: {  	s29 =	simm.s32 $0xC900;
	v3 =	vadd.s32 v1, v3  }
0x6d: {  	[tilespmem:s29], [sflag:$0x3] =	stream.indirect_vreg.gather [hbm4b:s6+s2], $0x80, v4, vm0, $0xb8;
	[tilespmem:$0x18100] =	vst v63  }
0x6e: {  	s30 =	simm.s32 $0xD100  }
0x6f: {  	[tilespmem:s30], [sflag:$0x3] =	stream.indirect_vreg.gather [hbm4b:s7+s2], $0x80, v4, vm0, $0xb8;
	[tilespmem:$0x18100] =	vst v63  }
0x70: {  	s24 =	simm.s32 $0xD900  }
0x71: {  	[tilespmem:s24], [sflag:$0x3] =	stream.indirect_vreg.gather [hbm4b:s3+s2], $0x80, v3, vm0, $0xb8;
	[tilespmem:$0x18100] =	vst v63  }
0x72: {  	s25 =	simm.s32 $0xE100  }
0x73: {  	[tilespmem:s25], [sflag:$0x3] =	stream.indirect_vreg.gather [hbm4b:s6+s2], $0x80, v3, vm0, $0xb8;
	[tilespmem:$0x18100] =	vst v63  }
0x74: {  	s26 =	simm.s32 $0xE900  }
0x75: {  	[tilespmem:s26], [sflag:$0x3] =	stream.indirect_vreg.gather [hbm4b:s7+s2], $0x80, v3, vm0, $0xb8;
	[tilespmem:$0x18100] =	vst v63  }
0x76: {  	v3 =	vld [tilespmem:$0x90];
	_ =	sdelay $0x4  }
0x77: {  	v61 =	vshrl.u32 v3, $0x3  }
0x78: {  	v4 =	vmul.u32 $0x30, v61  }
0x79: {  	v3 =	vand.u32 $0x7, v3  }
0x7a: {  	v3 =	vor.u32 v3, v4  }
0x7b: {  	v4 =	vperm.xlane v3, v0;
	_ =	sdelay $0x1  }
0x7c: {  	v4 =	vadd.s32 v1, v4;
	_ =	sdelay $0x3  }
0x7d: {  	s28 =	simm.s32 $0xF100;
	v3 =	vperm.xlane v3, v2  }
0x7e: {  	[tilespmem:s28], [sflag:$0x3] =	stream.indirect_vreg.gather [hbm4b:s3+s2], $0x80, v4, vm0, $0xb8;
	[tilespmem:$0x18100] =	vst v63  }
0x7f: {  	s29 =	simm.s32 $0xF900;
	v3 =	vadd.s32 v1, v3  }
0x80: {  	[tilespmem:s29], [sflag:$0x3] =	stream.indirect_vreg.gather [hbm4b:s6+s2], $0x80, v4, vm0, $0xb8;
	[tilespmem:$0x18100] =	vst v63  }
0x81: {  	s30 =	simm.s32 $0x10100  }
0x82: {  	[tilespmem:s30], [sflag:$0x3] =	stream.indirect_vreg.gather [hbm4b:s7+s2], $0x80, v4, vm0, $0xb8;
	[tilespmem:$0x18100] =	vst v63  }
0x83: {  	s24 =	simm.s32 $0x10900  }
0x84: {  	[tilespmem:s24], [sflag:$0x3] =	stream.indirect_vreg.gather [hbm4b:s3+s2], $0x80, v3, vm0, $0xb8;
	[tilespmem:$0x18100] =	vst v63  }
0x85: {  	s25 =	simm.s32 $0x11100  }
0x86: {  	[tilespmem:s25], [sflag:$0x3] =	stream.indirect_vreg.gather [hbm4b:s6+s2], $0x80, v3, vm0, $0xb8;
	[tilespmem:$0x18100] =	vst v63  }
0x87: {  	s26 =	simm.s32 $0x11900  }
0x88: {  	[tilespmem:s26], [sflag:$0x3] =	stream.indirect_vreg.gather [hbm4b:s7+s2], $0x80, v3, vm0, $0xb8;
	[tilespmem:$0x18100] =	vst v63  }
0x89: {  	v3 =	vld [tilespmem:$0xA0];
	_ =	sdelay $0x4  }
0x8a: {  	v62 =	vshrl.u32 v3, $0x3  }
0x8b: {  	v4 =	vmul.u32 $0x30, v62  }
0x8c: {  	v3 =	vand.u32 $0x7, v3  }
0x8d: {  	v3 =	vor.u32 v3, v4  }
0x8e: {  	v4 =	vperm.xlane v3, v0;
	_ =	sdelay $0x1  }
0x8f: {  	v4 =	vadd.s32 v1, v4;
	_ =	sdelay $0x3  }
0x90: {  	s28 =	simm.s32 $0x12100;
	v3 =	vperm.xlane v3, v2  }
0x91: {  	[tilespmem:s28], [sflag:$0x4] =	stream.indirect_vreg.gather [hbm4b:s3+s2], $0x80, v4, vm0, $0xb8;
	[tilespmem:$0x18100] =	vst v63  }
0x92: {  	s29 =	simm.s32 $0x12900;
	v3 =	vadd.s32 v1, v3  }
0x93: {  	[tilespmem:s29], [sflag:$0x4] =	stream.indirect_vreg.gather [hbm4b:s6+s2], $0x80, v4, vm0, $0xb8;
	[tilespmem:$0x18100] =	vst v63  }
0x94: {  	s30 =	simm.s32 $0x13100  }
0x95: {  	[tilespmem:s30], [sflag:$0x4] =	stream.indirect_vreg.gather [hbm4b:s7+s2], $0x80, v4, vm0, $0xb8;
	[tilespmem:$0x18100] =	vst v63  }
0x96: {  	_ = 	snop  }
0x97: {  	[tilespmem:s31], [sflag:$0x4] =	stream.indirect_vreg.gather [hbm4b:s3+s2], $0x80, v3, vm0, $0xb8;
	[tilespmem:$0x18100] =	vst v63  }
0x98: {  	_ = 	snop  }
0x99: {  	[tilespmem:s0], [sflag:$0x4] =	stream.indirect_vreg.gather [hbm4b:s6+s2], $0x80, v3, vm0, $0xb8;
	[tilespmem:$0x18100] =	vst v63  }
0x9a: {  	_ = 	snop  }
0x9b: {  	[tilespmem:s1], [sflag:$0x4] =	stream.indirect_vreg.gather [hbm4b:s7+s2], $0x80, v3, vm0, $0xb8;
	[tilespmem:$0x18100] =	vst v63  }
0x9c: {  	v3 =	vld [tilespmem:$0xB0];
	_ =	sdelay $0x4  }
0x9d: {  	v63 =	vshrl.u32 v3, $0x3  }
0x9e: {  	v4 =	vmul.u32 $0x30, v63  }
0x9f: {  	v3 =	vand.u32 $0x7, v3  }
0xa0: {  	v3 =	vor.u32 v3, v4  }
0xa1: {  	v4 =	vperm.xlane v3, v0;
	_ =	sdelay $0x1  }
0xa2: {  	v4 =	vadd.s32 v1, v4;
	_ =	sdelay $0x3  }
0xa3: {  	v3 =	vperm.xlane v3, v2  }
0xa4: {  	[tilespmem:s11], [sflag:$0x4] =	stream.indirect_vreg.gather [hbm4b:s3+s2], $0x80, v4, vm0, $0xb8;
	[tilespmem:$0x18100] =	vst v63  }
0xa5: {  	v3 =	vadd.s32 v1, v3  }
0xa6: {  	[tilespmem:s13], [sflag:$0x4] =	stream.indirect_vreg.gather [hbm4b:s6+s2], $0x80, v4, vm0, $0xb8;
	[tilespmem:$0x18100] =	vst v63  }
0xa7: {  	_ = 	snop  }
0xa8: {  	[tilespmem:s14], [sflag:$0x4] =	stream.indirect_vreg.gather [hbm4b:s7+s2], $0x80, v4, vm0, $0xb8;
	[tilespmem:$0x18100] =	vst v63  }
0xa9: {  	_ = 	snop  }
0xaa: {  	[tilespmem:s15], [sflag:$0x4] =	stream.indirect_vreg.gather [hbm4b:s3+s2], $0x80, v3, vm0, $0xb8;
	[tilespmem:$0x18100] =	vst v63  }
0xab: {  	_ = 	snop  }
0xac: {  	[tilespmem:s16], [sflag:$0x4] =	stream.indirect_vreg.gather [hbm4b:s6+s2], $0x80, v3, vm0, $0xb8;
	[tilespmem:$0x18100] =	vst v63  }
0xad: {  	_ = 	snop  }
0xae: {  	[tilespmem:s17], [sflag:$0x4] =	stream.indirect_vreg.gather [hbm4b:s7+s2], $0x80, v3, vm0, $0xb8;
	[tilespmem:$0x18100] =	vst v63  }
0xaf: {  	_ =	swait.ge [sflag:s18], $0x6000  }
0xb0: {  	[sflag:s18] =	ssyncset.done $0x0  }
0xb1: {  	[sflag:s18] =	ssyncadd.s32 $0xFFFFA000  }
0xb2: {  	_ =	swait.ge [sflag:s19], $0x6000  }
0xb3: {  	[sflag:s19] =	ssyncset.done $0x0  }
0xb4: {  	[sflag:s19] =	ssyncadd.s32 $0xFFFFA000  }
0xb5: {  	_ =	swait.ge [sflag:s20], $0x6000  }
0xb6: {  	[sflag:s20] =	ssyncset.done $0x0  }
0xb7: {  	[sflag:s20] =	ssyncadd.s32 $0xFFFFA000  }
0xb8: {  	_ =	swait.ge [sflag:s21], $0x6000  }
0xb9: {  	[sflag:s21] =	ssyncset.done $0x0  }
0xba: {  	s23 =	simm.s32 $0x0;
	[sflag:s21] =	ssyncadd.s32 $0xFFFFA000  }
.LBB2_2:
0xbb: {  	s24 =	sshrl.u32 s23, $0x3  }
0xbc: {  	s25 =	sshll.u32 s23, $0x7;
	s24 =	smul.u32 $0x1800, s24  }
0xbd: {  	s26 =	simm.s32 $0x0;
	s25 =	sand.u32 $0x380, s25  }
0xbe: {  	s24 =	sor.u32 s25, s24;
	s25 =	sand.u32 $0x1C00, s26  }
0xbf: {  	s26 =	sand.u32 $0x70, s26;
	s25 =	sadd.s32 s24, s25  }
0xc0: {  	s25 =	sor.u32 s26, s25  }
0xc1: {  	v3 =	vld [tilespmem:s25+$0xC100]  }
0xc2: {  	v4 =	vld [tilespmem:s25+$0x100];
	_ =	sdelay $0x2  }
0xc3: {  	s26 =	simm.s32 $0x80  }
0xc4: {  	s28 =	simm.s32 $0x10;
	s30 =	sand.u32 $0x1C00, s26  }
0xc5: {  	s29 =	sand.u32 $0x70, s28;
	s28 =	simm.s32 $0x20;
	s30 =	sadd.s32 s24, s30;
	v3 =	vadd.f32 v3, v4  }
.LBB2_3:
0xc6: {  	p0 =	sne.s32 s28, $0x2F0;
	s29 =	sor.u32 s29, s30  }
0xc7: {  	v4 =	vld [tilespmem:s29+$0xC100];
	[tilespmem:s25+$0x100] =	vst v3;
	s25 =	smov.u32 s29  }
0xc8: {  	v3 =	vld [tilespmem:s25+$0x100]  }
.Ltmp0:
0xc9: {  	(pc) =	sbr.rel @p0 .LBB2_3-.Ltmp0, $4  }
0xca: {  	_ = 	snop  }
0xcb: {  	s26 =	sadd.s32 $0x80, s26  }
0xcc: {  	s30 =	sand.u32 $0x1C00, s26  }
0xcd: {  	s29 =	sand.u32 $0x70, s28;
	s28 =	sadd.s32 $0x10, s28;
	s30 =	sadd.s32 s24, s30;
	v3 =	vadd.f32 v4, v3  }
0xce: {  	s24 =	sor.u32 s29, s30  }
0xcf: {  	v4 =	vld [tilespmem:s24+$0xC100];
	[tilespmem:s25+$0x100] =	vst v3  }
0xd0: {  	v3 =	vld [tilespmem:s24+$0x100]  }
0xd1: {  	s23 =	sadd.s32 $0x1, s23  }
0xd2: {  	p0 =	sne.s32 s23, $0x40  }
.Ltmp1:
0xd3: {  	_ = 	snop;
	(pc) =	sbr.rel @p0 .LBB2_2-.Ltmp1, $3  }
0xd4: {  	_ = 	snop  }
0xd5: {  	v3 =	vadd.f32 v4, v3;
	_ =	sdelay $0x1  }
0xd6: {  	[tilespmem:s24+$0x100] =	vst v3  }
0xd7: {  	s22 =	sadd.s32 $0x1, s22  }
0xd8: {  	p0 =	sne.s32 s22, s9  }
.Ltmp2:
0xd9: {  	_ = 	snop;
	(pc) =	sbr.rel @p0 .LBB2_1-.Ltmp2, $4  }
0xda: {  	[hbm4b:s8+s2] =	stream.linear.scatter [tilespmem:s12], [sflag:$0x5], $0xC000, $0x38;
	[tilespmem:$0x18100] =	vst v63  }
0xdb: {  	_ =	swait.ge [sflag:s10], $0xC000  }
0xdc: {  	[sflag:s10] =	ssyncset.done $0x0  }
0xdd: {  	[sflag:s10] =	ssyncadd.s32 $0xFFFF4000  }
0xde: {  	_ =	sfence.sel $0x180000  }
0xdf: {  	[bflag:$0x0] =	sbarrier.arrive $0xFFFF  }
0xe0: {  	_ =	strace $0x90000047  }
0xe1: {  	s0 =	stileid.u32;
	[bflag:$0x2] =	sbarrier.arrive $0xFFFF  }
0xe2: {  	p0 =	sne.s32 s0, $0x0;
	s0 =	rddreg [dreg:$0x2]  }
0xe3: {  	s0 =	sadd.s32 @!p0 $0x100000, s0  }
0xe4: {  	[sflag:s0] =	ssyncadd.tile.s32 @!p0 $0x1;
	_ =	shalt  }
.Lfunc_end2:
_tile_overlayer_lowered:
.L_overlay_start_2:
0xe5: {  	(tag) =	ssettag $0x2  }
0xe6: {  	s0 =	rddreg [dreg:$0x0];
	s2 =	stileid.u32  }
0xe7: {  	s1 =	rddreg [dreg:$0x1];
	p0 =	sne.s32 s2, $0x0  }
0xe8: {  	s3 =	rddreg [dreg:$0x2];
	[bflag:$0x3] =	sbarrier.arrive $0xFFFF;
	s2 =	simm.s32 @!p0 $0x1C05  }
0xe9: {  	[timem:s3], [sflag:s2] =	dma.local @!p0 [hbm:s0], s1  }
0xea: {  	s0 =	simm.s32 @!p0 $0x5  }
0xeb: {  	_ =	swait.ge @!p0 [sflag:s0], s1  }
0xec: {  	s1 =	ssub.s32 @!p0 $0x0, s1;
	[sflag:s0] =	ssyncset.done @!p0 $0x0  }
0xed: {  	[sflag:s0] =	ssyncadd.s32 @!p0 s1  }
0xee: {  	[bflag:$0x3] =	sbarrier.arrive $0xFFFF  }
0xef: {  	_ =	shalt  }

</sc_bundles>
